<compile_context>
chip_gen: v7x
topology: tpu7x:2x2x1
jax: 0.10.2.dev20260603
libtpu: 0.0.44.dev20260713+nightly
codegen_flags: <defaults>
</compile_context>

<pallas_src>
import functools

import jax
import jax.numpy as jnp
from jax import lax
from jax.experimental import pallas as pl
from jax.experimental.pallas import tpu as pltpu
from jax.experimental.pallas import tpu_sc as plsc

N = 10000
E = 320000
D = 128
G = 128
NC, NS = 2, 16
NW = NC * NS
CH = 128
K = 79
EPW = K * CH
EPAD = NW * EPW
NPAD = 11264
NPAD_DEG = 12288
RC = 64
RPT = NPAD // (NS * RC)
RB = 2000
NBLK = N // RB


def _sc_degree(dstp):
    mesh = plsc.VectorSubcoreMesh(core_axis_name="c", subcore_axis_name="s")

    @functools.partial(
        pl.kernel,
        out_type=jax.ShapeDtypeStruct((NC, NPAD_DEG), jnp.float32),
        mesh=mesh,
        scratch_types=[
            pltpu.VMEM((K, CH), jnp.int32),
            pltpu.VMEM((CH,), jnp.float32),
            pltpu.VMEM((NPAD_DEG // NS,), jnp.float32),
            pltpu.VMEM_SHARED((NPAD_DEG,), jnp.float32),
        ],
    )
    def k(dst_hbm, out_hbm, idx, ones, zb, acc):
        cid = lax.axis_index("c")
        sid = lax.axis_index("s")
        w = cid * NS + sid
        one16 = jnp.ones((16,), jnp.float32)
        zero16 = jnp.zeros((16,), jnp.float32)
        for l in range(CH // 16):
            ones[pl.ds(l * 16, 16)] = one16

        def zfill(i, c):
            zb[pl.ds(i * 16, 16)] = zero16
            return c
        lax.fori_loop(0, (NPAD_DEG // NS) // 16, zfill, 0)
        seg = NPAD_DEG // NS
        pltpu.sync_copy(zb, acc.at[pl.ds(sid * seg, seg)])
        pltpu.sync_copy(dst_hbm.at[w], idx)
        plsc.subcore_barrier()

        def body(j, c):
            pltpu.sync_copy(ones, acc.at[idx.at[j]], add=True)
            return c
        lax.fori_loop(0, K, body, 0)
        plsc.subcore_barrier()
        pltpu.sync_copy(acc.at[pl.ds(sid * seg, seg)],
                        out_hbm.at[cid, pl.ds(sid * seg, seg)])

    return k(dstp)


def _sc_scatter(u, srcp, dstp):
    mesh = plsc.VectorSubcoreMesh(core_axis_name="c", subcore_axis_name="s")

    @functools.partial(
        pl.kernel,
        out_type=jax.ShapeDtypeStruct((NC, NPAD, D), jnp.float32),
        mesh=mesh,
        scratch_types=[
            pltpu.VMEM((K, CH), jnp.int32),
            pltpu.VMEM((K, CH), jnp.int32),
            pltpu.VMEM((CH, D), jnp.float32),
            pltpu.VMEM_SHARED((NPAD, D), jnp.float32),
            pltpu.SemaphoreType.DMA,
        ],
    )
    def k(u_hbm, src_hbm, dst_hbm, out_hbm, idx_s, idx_d, rows, acc, sem):
        cid = lax.axis_index("c")
        sid = lax.axis_index("s")
        w = cid * NS + sid
        zero16 = jnp.zeros((16,), jnp.float32)

        def zfill(i, c):
            rows[i // (D // 16), pl.ds((i % (D // 16)) * 16, 16)] = zero16
            return c
        lax.fori_loop(0, CH * (D // 16), zfill, 0)
        for t in range(RPT):
            off = (sid * RPT + t) * RC
            pltpu.sync_copy(rows.at[pl.ds(0, RC)], acc.at[pl.ds(off, RC)])
        pltpu.sync_copy(src_hbm.at[w], idx_s)
        pltpu.sync_copy(dst_hbm.at[w], idx_d)
        plsc.subcore_barrier()

        def body(j, c):
            pltpu.async_copy(u_hbm.at[idx_s.at[j]], rows, sem).wait()
            pltpu.sync_copy(rows, acc.at[idx_d.at[j]], add=True)
            return c
        lax.fori_loop(0, K, body, 0)
        plsc.subcore_barrier()
        for t in range(RPT):
            off = (sid * RPT + t) * RC
            pltpu.sync_copy(acc.at[pl.ds(off, RC)],
                            out_hbm.at[cid, pl.ds(off, RC)])

    return k(u, srcp, dstp)


def _tc_prescale(x, W, degT):
    def body(x_ref, w_ref, deg_ref, u_ref):
        dg = deg_ref[:, 0:1] + deg_ref[:, 1:2] + 1.0
        dis = lax.rsqrt(dg)
        xw = jnp.dot(x_ref[...], w_ref[...],
                     preferred_element_type=jnp.float32,
                     precision=lax.Precision.DEFAULT)
        u_ref[...] = xw * dis

    return pl.pallas_call(
        body,
        grid=(NBLK,),
        in_specs=[
            pl.BlockSpec((RB, D), lambda i: (i, 0)),
            pl.BlockSpec((D, D), lambda i: (0, 0)),
            pl.BlockSpec((RB, NC), lambda i: (i, 0)),
        ],
        out_specs=pl.BlockSpec((RB, D), lambda i: (i, 0)),
        out_shape=jax.ShapeDtypeStruct((N, D), jnp.float32),
    )(x, W, degT)


def _tc_mid(accp, u1, degT, W2, b1r, ar, batch_r):
    def body(acc_ref, u_ref, deg_ref, w_ref, b_ref, a_ref, bt_ref, u2_ref, g_ref):
        i = pl.program_id(0)
        dg = deg_ref[:, 0:1] + deg_ref[:, 1:2] + 1.0
        dis = lax.rsqrt(dg)
        z = dis * (acc_ref[0] + acc_ref[1] + u_ref[...]) + b_ref[...]
        z = jnp.where(z >= 0, z, a_ref[...] * z)
        oh = (bt_ref[0] == lax.broadcasted_iota(jnp.int32, (G, RB), 0))
        gblk = jnp.dot(oh.astype(jnp.float32), z,
                       preferred_element_type=jnp.float32,
                       precision=lax.Precision.DEFAULT)

        @pl.when(i == 0)
        def _():
            g_ref[...] = gblk

        @pl.when(i > 0)
        def _():
            g_ref[...] = g_ref[...] + gblk

        u2_ref[...] = dis * jnp.dot(z, w_ref[...],
                                    preferred_element_type=jnp.float32,
                                    precision=lax.Precision.DEFAULT)

    return pl.pallas_call(
        body,
        grid=(NBLK,),
        in_specs=[
            pl.BlockSpec((NC, RB, D), lambda i: (0, i, 0)),
            pl.BlockSpec((RB, D), lambda i: (i, 0)),
            pl.BlockSpec((RB, NC), lambda i: (i, 0)),
            pl.BlockSpec((D, D), lambda i: (0, 0)),
            pl.BlockSpec((1, D), lambda i: (0, 0)),
            pl.BlockSpec((1, D), lambda i: (0, 0)),
            pl.BlockSpec((1, 1, RB), lambda i: (i, 0, 0)),
        ],
        out_specs=[
            pl.BlockSpec((RB, D), lambda i: (i, 0)),
            pl.BlockSpec((G, D), lambda i: (0, 0)),
        ],
        out_shape=[
            jax.ShapeDtypeStruct((N, D), jnp.float32),
            jax.ShapeDtypeStruct((G, D), jnp.float32),
        ],
    )(accp, u1, degT, W2, b1r, ar, batch_r)


def _tc_final(accp, u2, degT, b2r, ar, batch_r):
    def body(acc_ref, u_ref, deg_ref, b_ref, a_ref, bt_ref, z_ref, g_ref):
        i = pl.program_id(0)
        dg = deg_ref[:, 0:1] + deg_ref[:, 1:2] + 1.0
        dis = lax.rsqrt(dg)
        z = dis * (acc_ref[0] + acc_ref[1] + u_ref[...]) + b_ref[...]
        z = jnp.where(z >= 0, z, a_ref[...] * z)
        z_ref[...] = z
        oh = (bt_ref[0] == lax.broadcasted_iota(jnp.int32, (G, RB), 0))
        gblk = jnp.dot(oh.astype(jnp.float32), z,
                       preferred_element_type=jnp.float32,
                       precision=lax.Precision.DEFAULT)

        @pl.when(i == 0)
        def _():
            g_ref[...] = gblk

        @pl.when(i > 0)
        def _():
            g_ref[...] = g_ref[...] + gblk

    return pl.pallas_call(
        body,
        grid=(NBLK,),
        in_specs=[
            pl.BlockSpec((NC, RB, D), lambda i: (0, i, 0)),
            pl.BlockSpec((RB, D), lambda i: (i, 0)),
            pl.BlockSpec((RB, NC), lambda i: (i, 0)),
            pl.BlockSpec((1, D), lambda i: (0, 0)),
            pl.BlockSpec((1, D), lambda i: (0, 0)),
            pl.BlockSpec((1, 1, RB), lambda i: (i, 0, 0)),
        ],
        out_specs=[
            pl.BlockSpec((RB, D), lambda i: (i, 0)),
            pl.BlockSpec((G, D), lambda i: (0, 0)),
        ],
        out_shape=[
            jax.ShapeDtypeStruct((N, D), jnp.float32),
            jax.ShapeDtypeStruct((G, D), jnp.float32),
        ],
    )(accp, u2, degT, b2r, ar, batch_r)


def kernel(batch, x, edge_index, W1, b1, W2, b2, a):
    src, dst = edge_index[0], edge_index[1]
    pad = EPAD - E
    pad_dst = N + (jnp.arange(pad, dtype=dst.dtype) % (NPAD - N))
    srcp = jnp.concatenate([src, jnp.zeros((pad,), src.dtype)]).reshape(NW, K, CH)
    dstp = jnp.concatenate([dst, pad_dst]).reshape(NW, K, CH)

    degp = _sc_degree(dstp)
    degT = degp[:, :N].T
    b1r = b1.reshape(1, D)
    b2r = b2.reshape(1, D)
    ar = a.reshape(1, D)
    batch_r = batch.reshape(NBLK, 1, RB)

    u1 = _tc_prescale(x, W1, degT)
    acc1 = _sc_scatter(u1, srcp, dstp)
    u2, g1 = _tc_mid(acc1[:, :N], u1, degT, W2, b1r, ar, batch_r)
    acc2 = _sc_scatter(u2, srcp, dstp)
    z2, g2 = _tc_final(acc2[:, :N], u2, degT, b2r, ar, batch_r)
    return (z2, jnp.concatenate([g1, g2], axis=1))

# --- scband reference (transcript-rebuilt; emitter-appended) ---
"""Pipeline reference for scband-gconv-51213190038088 (READ-ONLY COPY).

The authoritative reference and input builder live on the scoring server;
editing this copy changes nothing except your own understanding.
"""

import jax, jax.numpy as jnp
import numpy as np

N = 10000
E = 320000
D = 128
NUM_GRAPHS = 128


def prelu(z, a):
    return jnp.where(z >= 0, z, a * z)


def gcn_conv(x, src, dst, W, b):
    # GCNConv: add self-loops, symmetric normalization D^-1/2 (A+I) D^-1/2 (x W) + b
    xw = x @ W
    loop = jnp.arange(N, dtype=src.dtype)
    s = jnp.concatenate([src, loop])
    d = jnp.concatenate([dst, loop])
    ones = jnp.ones(s.shape[0], dtype=xw.dtype)
    deg = jnp.zeros((N,), dtype=xw.dtype).at[d].add(ones)
    dis = jnp.where(deg > 0, jax.lax.rsqrt(jnp.maximum(deg, 1e-12)), 0.0)
    norm = dis[s] * dis[d]
    msgs = xw[s] * norm[:, None]
    out = jnp.zeros_like(xw).at[d].add(msgs) + b
    return out


def setup_inputs(seed: int = 0) -> dict:
    key = jax.random.key(seed)
    k1, k2, k3, k4, k5, k6, k7 = jax.random.split(key, 7)
    x = jax.random.normal(k1, (N, D), dtype=jnp.float32)
    edge_index = jax.random.randint(k2, (2, E), 0, N, dtype=jnp.int32)
    batch = jnp.sort(jax.random.randint(k3, (N,), 0, NUM_GRAPHS, dtype=jnp.int32))
    scale = 1.0 / np.sqrt(D)
    W1 = jax.random.normal(k4, (D, D), dtype=jnp.float32) * scale
    b1 = jnp.zeros((D,), dtype=jnp.float32)
    W2 = jax.random.normal(k5, (D, D), dtype=jnp.float32) * scale
    b2 = jnp.zeros((D,), dtype=jnp.float32)
    a = jnp.full((D,), 0.25, dtype=jnp.float32)  # PReLU per-channel weight, shared across layers
    return {"batch": batch, "x": x, "edge_index": edge_index, "W1": W1, "b1": b1, "W2": W2, "b2": b2, "a": a}


def reference(batch, x, edge_index, W1, b1, W2, b2, a):
    src, dst = edge_index[0], edge_index[1]
    z = x
    zs = []
    for W, bi in ((W1, b1), (W2, b2)):
        z = gcn_conv(z, src, dst, W, bi)
        z = prelu(z, a)
        zs.append(z)
    gs = [jax.ops.segment_sum(zz, batch, num_segments=NUM_GRAPHS) for zz in zs]
    g = jnp.concatenate(gs, axis=1)
    return (z, g)

if __name__ == "__main__":
    import jax
    _d = setup_inputs()
    print(jax.jit(kernel)(*tuple(_d.values())))

</pallas_src>

<mosaic_0001>
#map = affine_map<(d0, d1) -> (0, 0, 0)>
#map1 = affine_map<(d0, d1) -> (0, 0)>
module attributes {stable_mosaic.version = 14 : i64} {
  func.func @k(%arg0: i32, %arg1: i32, %arg2: memref<32x79x128xi32, #tpu.memory_space<hbm>>, %arg3: memref<2x12288xf32, #tpu.memory_space<hbm>>, %arg4: memref<79x128xi32, #tpu.memory_space<vmem>>, %arg5: memref<128xf32, #tpu.memory_space<vmem>>, %arg6: memref<768xf32, #tpu.memory_space<vmem>>, %arg7: memref<12288xf32, #tpu.memory_space<vmem_shared>>) attributes {dimension_semantics = [#tpu.dimension_semantics<core_parallel>, #tpu.dimension_semantics<subcore_parallel>], iteration_bounds = array<i64: 2, 16>, scalar_prefetch = 0 : i64, scratch_operands = 4 : i64, tpu.core_type = #tpu.core_type<sc_vector_subcore>, window_params = [{transform_indices = #map}, {transform_indices = #map1}]} {
    %mul3A = arith.constant 16 : i32
    %mul3A_0 = arith.muli %arg0, %mul3A : i32
    %add3A = arith.addi %mul3A_0, %arg1 : i32
    %broadcast_in_dim3A = arith.constant 1.000000e+00 : f32
    %broadcast_in_dim3A_1 = vector.broadcast %broadcast_in_dim3A : f32 to vector<16xf32>
    %broadcast_in_dim3A_2 = arith.constant 0.000000e+00 : f32
    %broadcast_in_dim3A_3 = vector.broadcast %broadcast_in_dim3A_2 : f32 to vector<16xf32>
    %swap3A = arith.constant 0 : index
    %swap3A_4 = tpu.vector_load %arg5[%swap3A] {strides = array<i32>} : memref<128xf32, #tpu.memory_space<vmem>>, vector<16xf32>,
    %swap3A_5 = vector.shape_cast %swap3A_4 : vector<16xf32> to vector<16xf32>
    %swap3A_6 = vector.shape_cast %broadcast_in_dim3A_1 : vector<16xf32> to vector<16xf32>
    tpu.vector_store %arg5[%swap3A], %swap3A_6 {strides = array<i32>} : memref<128xf32, #tpu.memory_space<vmem>>, vector<16xf32>,
    %swap3A_7 = arith.constant 16 : index
    %swap3A_8 = tpu.vector_load %arg5[%swap3A_7] {strides = array<i32>} : memref<128xf32, #tpu.memory_space<vmem>>, vector<16xf32>,
    %swap3A_9 = vector.shape_cast %swap3A_8 : vector<16xf32> to vector<16xf32>
    %swap3A_10 = vector.shape_cast %broadcast_in_dim3A_1 : vector<16xf32> to vector<16xf32>
    tpu.vector_store %arg5[%swap3A_7], %swap3A_10 {strides = array<i32>} : memref<128xf32, #tpu.memory_space<vmem>>, vector<16xf32>,
    %swap3A_11 = arith.constant 32 : index
    %swap3A_12 = tpu.vector_load %arg5[%swap3A_11] {strides = array<i32>} : memref<128xf32, #tpu.memory_space<vmem>>, vector<16xf32>,
    %swap3A_13 = vector.shape_cast %swap3A_12 : vector<16xf32> to vector<16xf32>
    %swap3A_14 = vector.shape_cast %broadcast_in_dim3A_1 : vector<16xf32> to vector<16xf32>
    tpu.vector_store %arg5[%swap3A_11], %swap3A_14 {strides = array<i32>} : memref<128xf32, #tpu.memory_space<vmem>>, vector<16xf32>,
    %swap3A_15 = arith.constant 48 : index
    %swap3A_16 = tpu.vector_load %arg5[%swap3A_15] {strides = array<i32>} : memref<128xf32, #tpu.memory_space<vmem>>, vector<16xf32>,
    %swap3A_17 = vector.shape_cast %swap3A_16 : vector<16xf32> to vector<16xf32>
    %swap3A_18 = vector.shape_cast %broadcast_in_dim3A_1 : vector<16xf32> to vector<16xf32>
    tpu.vector_store %arg5[%swap3A_15], %swap3A_18 {strides = array<i32>} : memref<128xf32, #tpu.memory_space<vmem>>, vector<16xf32>,
    %swap3A_19 = arith.constant 64 : index
    %swap3A_20 = tpu.vector_load %arg5[%swap3A_19] {strides = array<i32>} : memref<128xf32, #tpu.memory_space<vmem>>, vector<16xf32>,
    %swap3A_21 = vector.shape_cast %swap3A_20 : vector<16xf32> to vector<16xf32>
    %swap3A_22 = vector.shape_cast %broadcast_in_dim3A_1 : vector<16xf32> to vector<16xf32>
    tpu.vector_store %arg5[%swap3A_19], %swap3A_22 {strides = array<i32>} : memref<128xf32, #tpu.memory_space<vmem>>, vector<16xf32>,
    %swap3A_23 = arith.constant 80 : index
    %swap3A_24 = tpu.vector_load %arg5[%swap3A_23] {strides = array<i32>} : memref<128xf32, #tpu.memory_space<vmem>>, vector<16xf32>,
    %swap3A_25 = vector.shape_cast %swap3A_24 : vector<16xf32> to vector<16xf32>
    %swap3A_26 = vector.shape_cast %broadcast_in_dim3A_1 : vector<16xf32> to vector<16xf32>
    tpu.vector_store %arg5[%swap3A_23], %swap3A_26 {strides = array<i32>} : memref<128xf32, #tpu.memory_space<vmem>>, vector<16xf32>,
    %swap3A_27 = arith.constant 96 : index
    %swap3A_28 = tpu.vector_load %arg5[%swap3A_27] {strides = array<i32>} : memref<128xf32, #tpu.memory_space<vmem>>, vector<16xf32>,
    %swap3A_29 = vector.shape_cast %swap3A_28 : vector<16xf32> to vector<16xf32>
    %swap3A_30 = vector.shape_cast %broadcast_in_dim3A_1 : vector<16xf32> to vector<16xf32>
    tpu.vector_store %arg5[%swap3A_27], %swap3A_30 {strides = array<i32>} : memref<128xf32, #tpu.memory_space<vmem>>, vector<16xf32>,
    %swap3A_31 = arith.constant 112 : index
    %swap3A_32 = tpu.vector_load %arg5[%swap3A_31] {strides = array<i32>} : memref<128xf32, #tpu.memory_space<vmem>>, vector<16xf32>,
    %swap3A_33 = vector.shape_cast %swap3A_32 : vector<16xf32> to vector<16xf32>
    %swap3A_34 = vector.shape_cast %broadcast_in_dim3A_1 : vector<16xf32> to vector<16xf32>
    tpu.vector_store %arg5[%swap3A_31], %swap3A_34 {strides = array<i32>} : memref<128xf32, #tpu.memory_space<vmem>>, vector<16xf32>,
    %scan3A = arith.constant 0 : i32
    %scan3A_35 = arith.constant 0 : i32
    %scan3A_36 = arith.constant 48 : i32
    %scan3A_37 = arith.addi %scan3A_35, %scan3A_36 : i32
    %scan3A_38 = arith.constant 1 : i32
    scf.for %scan3A_53 = %scan3A_35 to %scan3A_37 step %scan3A_38  : i32 {
      %mul3A_54 = arith.constant 16 : i32
      %mul3A_55 = arith.muli %scan3A_53, %mul3A_54 : i32
      %swap3A_56 = arith.index_cast %mul3A_55 : i32 to index
      %swap3A_57 = tpu.vector_load %arg6[%swap3A_56] {strides = array<i32>} : memref<768xf32, #tpu.memory_space<vmem>>, vector<16xf32>,
      %swap3A_58 = vector.shape_cast %swap3A_57 : vector<16xf32> to vector<16xf32>
      %swap3A_59 = vector.shape_cast %broadcast_in_dim3A_3 : vector<16xf32> to vector<16xf32>
      tpu.vector_store %arg6[%swap3A_56], %swap3A_59 {strides = array<i32>} : memref<768xf32, #tpu.memory_space<vmem>>, vector<16xf32>,
    }
    %scan3A_39 = arith.constant 48 : i32
    %mul3A_40 = arith.constant 768 : i32
    %mul3A_41 = arith.muli %arg1, %mul3A_40 : i32
    "tpu.region"() ({
      %run_scoped3A = tpu.sem_alloc : memref<!tpu.dma_semaphore, #tpu.memory_space<semaphore_mem>>
      %dma_start3A = tpu.memref_slice %arg7[%mul3A_41] : memref<12288xf32, #tpu.memory_space<vmem_shared>> -> memref<768xf32, #tpu.memory_space<vmem_shared>>
      %dma_start3A_53 = tpu.memref_slice %arg7[%mul3A_41] : memref<12288xf32, #tpu.memory_space<vmem_shared>> -> memref<768xf32, #tpu.memory_space<vmem_shared>>
      tpu.enqueue_dma source(%arg6 : memref<768xf32, #tpu.memory_space<vmem>>) target(%dma_start3A_53 : memref<768xf32, #tpu.memory_space<vmem_shared>>) target_semaphore(%run_scoped3A : memref<!tpu.dma_semaphore, #tpu.memory_space<semaphore_mem>>)
      %dma_wait3A = tpu.memref_slice %arg7[%mul3A_41] : memref<12288xf32, #tpu.memory_space<vmem_shared>> -> memref<768xf32, #tpu.memory_space<vmem_shared>>
      %dma_wait3A_54 = tpu.memref_slice %arg7[%mul3A_41] : memref<12288xf32, #tpu.memory_space<vmem_shared>> -> memref<768xf32, #tpu.memory_space<vmem_shared>>
      tpu.wait_dma2 semaphore(%run_scoped3A : memref<!tpu.dma_semaphore, #tpu.memory_space<semaphore_mem>>) src(%arg6 : memref<768xf32, #tpu.memory_space<vmem>>) dst(%dma_wait3A_54 : memref<768xf32, #tpu.memory_space<vmem_shared>>)
      tpu.yield
    }) : () -> ()
    "tpu.region"() ({
      %run_scoped3A = tpu.sem_alloc : memref<!tpu.dma_semaphore, #tpu.memory_space<semaphore_mem>>
      %dma_start3A = arith.constant 0 : i32
      %dma_start3A_53 = arith.constant 0 : i32
      %dma_start3A_54 = tpu.memref_slice %arg2[%add3A, %dma_start3A, %dma_start3A_53] : memref<32x79x128xi32, #tpu.memory_space<hbm>> -> memref<1x79x128xi32, #tpu.memory_space<hbm>>
      %dma_start3A_55 = tpu.memref_squeeze %dma_start3A_54 : memref<1x79x128xi32, #tpu.memory_space<hbm>> -> memref<79x128xi32, #tpu.memory_space<hbm>>
      %dma_start3A_56 = arith.constant 0 : i32
      %dma_start3A_57 = arith.constant 0 : i32
      %dma_start3A_58 = tpu.memref_slice %arg2[%add3A, %dma_start3A_56, %dma_start3A_57] : memref<32x79x128xi32, #tpu.memory_space<hbm>> -> memref<1x79x128xi32, #tpu.memory_space<hbm>>
      %dma_start3A_59 = tpu.memref_squeeze %dma_start3A_58 : memref<1x79x128xi32, #tpu.memory_space<hbm>> -> memref<79x128xi32, #tpu.memory_space<hbm>>
      tpu.enqueue_dma source(%dma_start3A_59 : memref<79x128xi32, #tpu.memory_space<hbm>>) target(%arg4 : memref<79x128xi32, #tpu.memory_space<vmem>>) target_semaphore(%run_scoped3A : memref<!tpu.dma_semaphore, #tpu.memory_space<semaphore_mem>>)
      %dma_wait3A = arith.constant 0 : i32
      %dma_wait3A_60 = arith.constant 0 : i32
      %dma_wait3A_61 = tpu.memref_slice %arg2[%add3A, %dma_wait3A, %dma_wait3A_60] : memref<32x79x128xi32, #tpu.memory_space<hbm>> -> memref<1x79x128xi32, #tpu.memory_space<hbm>>
      %dma_wait3A_62 = tpu.memref_squeeze %dma_wait3A_61 : memref<1x79x128xi32, #tpu.memory_space<hbm>> -> memref<79x128xi32, #tpu.memory_space<hbm>>
      %dma_wait3A_63 = arith.constant 0 : i32
      %dma_wait3A_64 = arith.constant 0 : i32
      %dma_wait3A_65 = tpu.memref_slice %arg2[%add3A, %dma_wait3A_63, %dma_wait3A_64] : memref<32x79x128xi32, #tpu.memory_space<hbm>> -> memref<1x79x128xi32, #tpu.memory_space<hbm>>
      %dma_wait3A_66 = tpu.memref_squeeze %dma_wait3A_65 : memref<1x79x128xi32, #tpu.memory_space<hbm>> -> memref<79x128xi32, #tpu.memory_space<hbm>>
      tpu.wait_dma2 semaphore(%run_scoped3A : memref<!tpu.dma_semaphore, #tpu.memory_space<semaphore_mem>>) src(%dma_wait3A_66 : memref<79x128xi32, #tpu.memory_space<hbm>>) dst(%arg4 : memref<79x128xi32, #tpu.memory_space<vmem>>)
      tpu.yield
    }) : () -> ()
    %barrier3A = arith.constant 0 : index
    tpu.barrier barrier_id(%barrier3A)
    %scan3A_42 = arith.constant 0 : i32
    %scan3A_43 = arith.constant 0 : i32
    %scan3A_44 = arith.constant 79 : i32
    %scan3A_45 = arith.addi %scan3A_43, %scan3A_44 : i32
    %scan3A_46 = arith.constant 1 : i32
    scf.for %scan3A_53 = %scan3A_43 to %scan3A_45 step %scan3A_46  : i32 {
      "tpu.region"() ({
        %run_scoped3A = tpu.sem_alloc : memref<!tpu.dma_semaphore, #tpu.memory_space<semaphore_mem>>
        %dma_start3A = arith.constant 0 : i32
        %dma_start3A_54 = tpu.memref_slice %arg4[%scan3A_53, %dma_start3A] : memref<79x128xi32, #tpu.memory_space<vmem>> -> memref<1x128xi32, #tpu.memory_space<vmem>>
        %dma_start3A_55 = tpu.memref_squeeze %dma_start3A_54 : memref<1x128xi32, #tpu.memory_space<vmem>> -> memref<128xi32, #tpu.memory_space<vmem>>
        %dma_start3A_56 = arith.constant 0 : i32
        %dma_start3A_57 = tpu.memref_slice %arg7[%dma_start3A_56] : memref<12288xf32, #tpu.memory_space<vmem_shared>> -> memref<12288xf32, #tpu.memory_space<vmem_shared>>
        tpu.enqueue_indirect_dma source(%arg5 : memref<128xf32, #tpu.memory_space<vmem>>) target(%dma_start3A_57 : memref<12288xf32, #tpu.memory_space<vmem_shared>>) offsets(%dma_start3A_55 : memref<128xi32, #tpu.memory_space<vmem>>) semaphore(%run_scoped3A : memref<!tpu.dma_semaphore, #tpu.memory_space<semaphore_mem>>) {add = true}
        %dma_wait3A = arith.constant 0 : i32
        %dma_wait3A_58 = tpu.memref_slice %arg4[%scan3A_53, %dma_wait3A] : memref<79x128xi32, #tpu.memory_space<vmem>> -> memref<1x128xi32, #tpu.memory_space<vmem>>
        %dma_wait3A_59 = tpu.memref_squeeze %dma_wait3A_58 : memref<1x128xi32, #tpu.memory_space<vmem>> -> memref<128xi32, #tpu.memory_space<vmem>>
        %dma_wait3A_60 = arith.constant 0 : i32
        %dma_wait3A_61 = tpu.memref_slice %arg7[%dma_wait3A_60] : memref<12288xf32, #tpu.memory_space<vmem_shared>> -> memref<12288xf32, #tpu.memory_space<vmem_shared>>
        tpu.wait_indirect_dma semaphore(%run_scoped3A : memref<!tpu.dma_semaphore, #tpu.memory_space<semaphore_mem>>) src(%arg5 : memref<128xf32, #tpu.memory_space<vmem>>) dst(%dma_wait3A_61 : memref<12288xf32, #tpu.memory_space<vmem_shared>>)
        tpu.yield
      }) : () -> ()
    }
    %scan3A_47 = arith.constant 79 : i32
    %barrier3A_48 = arith.constant 0 : index
    tpu.barrier barrier_id(%barrier3A_48)
    %mul3A_49 = arith.constant 768 : i32
    %mul3A_50 = arith.muli %arg1, %mul3A_49 : i32
    %mul3A_51 = arith.constant 768 : i32
    %mul3A_52 = arith.muli %arg1, %mul3A_51 : i32
    "tpu.region"() ({
      %run_scoped3A = tpu.sem_alloc : memref<!tpu.dma_semaphore, #tpu.memory_space<semaphore_mem>>
      %dma_start3A = tpu.memref_slice %arg3[%arg0, %mul3A_52] : memref<2x12288xf32, #tpu.memory_space<hbm>> -> memref<1x768xf32, #tpu.memory_space<hbm>>
      %dma_start3A_53 = tpu.memref_squeeze %dma_start3A : memref<1x768xf32, #tpu.memory_space<hbm>> -> memref<768xf32, #tpu.memory_space<hbm>>
      %dma_start3A_54 = tpu.memref_slice %arg7[%mul3A_50] : memref<12288xf32, #tpu.memory_space<vmem_shared>> -> memref<768xf32, #tpu.memory_space<vmem_shared>>
      tpu.enqueue_dma source(%dma_start3A_54 : memref<768xf32, #tpu.memory_space<vmem_shared>>) target(%dma_start3A_53 : memref<768xf32, #tpu.memory_space<hbm>>) target_semaphore(%run_scoped3A : memref<!tpu.dma_semaphore, #tpu.memory_space<semaphore_mem>>)
      %dma_wait3A = tpu.memref_slice %arg3[%arg0, %mul3A_52] : memref<2x12288xf32, #tpu.memory_space<hbm>> -> memref<1x768xf32, #tpu.memory_space<hbm>>
      %dma_wait3A_55 = tpu.memref_squeeze %dma_wait3A : memref<1x768xf32, #tpu.memory_space<hbm>> -> memref<768xf32, #tpu.memory_space<hbm>>
      %dma_wait3A_56 = tpu.memref_slice %arg7[%mul3A_50] : memref<12288xf32, #tpu.memory_space<vmem_shared>> -> memref<768xf32, #tpu.memory_space<vmem_shared>>
      tpu.wait_dma2 semaphore(%run_scoped3A : memref<!tpu.dma_semaphore, #tpu.memory_space<semaphore_mem>>) src(%dma_wait3A_56 : memref<768xf32, #tpu.memory_space<vmem_shared>>) dst(%dma_wait3A_55 : memref<768xf32, #tpu.memory_space<hbm>>)
      tpu.yield
    }) : () -> ()
    return
  }
}

#map = affine_map<(d0, d1) -> (0, 0)>
#map1 = affine_map<(d0, d1) -> (0, 0, 0)>
module attributes {stable_mosaic.version = 14 : i64} {
  func.func @k(%arg0: i32, %arg1: i32, %arg2: memref<10000x128xf32, #tpu.memory_space<hbm>>, %arg3: memref<32x79x128xi32, #tpu.memory_space<hbm>>, %arg4: memref<32x79x128xi32, #tpu.memory_space<hbm>>, %arg5: memref<2x11264x128xf32, #tpu.memory_space<hbm>>, %arg6: memref<79x128xi32, #tpu.memory_space<vmem>>, %arg7: memref<79x128xi32, #tpu.memory_space<vmem>>, %arg8: memref<128x128xf32, #tpu.memory_space<vmem>>, %arg9: memref<11264x128xf32, #tpu.memory_space<vmem_shared>>, %arg10: memref<!tpu.dma_semaphore, #tpu.memory_space<semaphore_mem>>) attributes {dimension_semantics = [#tpu.dimension_semantics<core_parallel>, #tpu.dimension_semantics<subcore_parallel>], iteration_bounds = array<i64: 2, 16>, scalar_prefetch = 0 : i64, scratch_operands = 5 : i64, tpu.core_type = #tpu.core_type<sc_vector_subcore>, window_params = [{transform_indices = #map}, {transform_indices = #map1}, {transform_indices = #map1}, {transform_indices = #map1}]} {
    %mul3A = arith.constant 16 : i32
    %mul3A_0 = arith.muli %arg0, %mul3A : i32
    %add3A = arith.addi %mul3A_0, %arg1 : i32
    %broadcast_in_dim3A = arith.constant 0.000000e+00 : f32
    %broadcast_in_dim3A_1 = vector.broadcast %broadcast_in_dim3A : f32 to vector<16xf32>
    %scan3A = arith.constant 0 : i32
    %scan3A_2 = arith.constant 0 : i32
    %scan3A_3 = arith.constant 1024 : i32
    %scan3A_4 = arith.addi %scan3A_2, %scan3A_3 : i32
    %scan3A_5 = arith.constant 1 : i32
    scf.for %scan3A_146 = %scan3A_2 to %scan3A_4 step %scan3A_5  : i32 {
      %jit3A = arith.constant 8 : i32
      %div3A = arith.divsi %scan3A_146, %jit3A : i32
      %sign3A = arith.constant 0 : i32
      %sign3A_147 = arith.cmpi sgt, %scan3A_146, %sign3A : i32
      %sign3A_148 = arith.extui %sign3A_147 : i1 to i32
      %sign3A_149 = arith.constant 0 : i32
      %sign3A_150 = arith.cmpi slt, %scan3A_146, %sign3A_149 : i32
      %sign3A_151 = arith.extui %sign3A_150 : i1 to i32
      %sign3A_152 = arith.subi %sign3A_148, %sign3A_151 : i32
      %sign3A_153 = arith.constant 0 : i32
      %sign3A_154 = arith.cmpi sgt, %jit3A, %sign3A_153 : i32
      %sign3A_155 = arith.extui %sign3A_154 : i1 to i32
      %sign3A_156 = arith.constant 0 : i32
      %sign3A_157 = arith.cmpi slt, %jit3A, %sign3A_156 : i32
      %sign3A_158 = arith.extui %sign3A_157 : i1 to i32
      %sign3A_159 = arith.subi %sign3A_155, %sign3A_158 : i32
      %ne3A = arith.cmpi ne, %sign3A_152, %sign3A_159 : i32
      %rem3A = arith.remsi %scan3A_146, %jit3A : i32
      %ne3A_160 = arith.constant 0 : i32
      %ne3A_161 = arith.cmpi ne, %rem3A, %ne3A_160 : i32
      %and3A = arith.andi %ne3A, %ne3A_161 : i1
      %sub3A = arith.constant 1 : i32
      %sub3A_162 = arith.subi %div3A, %sub3A : i32
      %select_n3A = arith.select %and3A, %sub3A_162, %div3A : i32
      %jit3A_163 = arith.constant 8 : i32
      %eq3A = arith.constant 0 : i32
      %eq3A_164 = arith.cmpi eq, %jit3A_163, %eq3A : i32
      %jit3A_165 = arith.constant 1 : i32
      %select_n3A_166 = arith.select %eq3A_164, %jit3A_165, %jit3A_163 : i32
      %rem3A_167 = arith.remsi %scan3A_146, %select_n3A_166 : i32
      %ne3A_168 = arith.constant 0 : i32
      %ne3A_169 = arith.cmpi ne, %rem3A_167, %ne3A_168 : i32
      %lt3A = arith.constant 0 : i32
      %lt3A_170 = arith.cmpi slt, %rem3A_167, %lt3A : i32
      %lt3A_171 = arith.constant 0 : i32
      %lt3A_172 = arith.cmpi slt, %select_n3A_166, %lt3A_171 : i32
      %ne3A_173 = arith.xori %lt3A_170, %lt3A_172 : i1
      %and3A_174 = arith.andi %ne3A_173, %ne3A_169 : i1
      %add3A_175 = arith.addi %rem3A_167, %select_n3A_166 : i32
      %select_n3A_176 = arith.select %and3A_174, %add3A_175, %rem3A_167 : i32
      %mul3A_177 = arith.constant 16 : i32
      %mul3A_178 = arith.muli %select_n3A_176, %mul3A_177 : i32
      %swap3A = arith.index_cast %select_n3A : i32 to index
      %swap3A_179 = arith.index_cast %mul3A_178 : i32 to index
      %swap3A_180 = tpu.vector_load %arg8[%swap3A, %swap3A_179] {strides = array<i32>} : memref<128x128xf32, #tpu.memory_space<vmem>>, vector<1x16xf32>,
      %swap3A_181 = vector.shape_cast %swap3A_180 : vector<1x16xf32> to vector<16xf32>
      %swap3A_182 = vector.shape_cast %broadcast_in_dim3A_1 : vector<16xf32> to vector<1x16xf32>
      tpu.vector_store %arg8[%swap3A, %swap3A_179], %swap3A_182 {strides = array<i32>} : memref<128x128xf32, #tpu.memory_space<vmem>>, vector<1x16xf32>,
    }
    %scan3A_6 = arith.constant 1024 : i32
    %mul3A_7 = arith.constant 11 : i32
    %mul3A_8 = arith.muli %arg1, %mul3A_7 : i32
    %add3A_9 = arith.constant 0 : i32
    %add3A_10 = arith.addi %mul3A_8, %add3A_9 : i32
    %mul3A_11 = arith.constant 64 : i32
    %mul3A_12 = arith.muli %add3A_10, %mul3A_11 : i32
    "tpu.region"() ({
      %run_scoped3A = tpu.sem_alloc : memref<!tpu.dma_semaphore, #tpu.memory_space<semaphore_mem>>
      %dma_start3A = arith.constant 0 : i32
      %dma_start3A_146 = arith.constant 0 : i32
      %dma_start3A_147 = tpu.memref_slice %arg8[%dma_start3A, %dma_start3A_146] : memref<128x128xf32, #tpu.memory_space<vmem>> -> memref<64x128xf32, #tpu.memory_space<vmem>>
      %dma_start3A_148 = arith.constant 0 : i32
      %dma_start3A_149 = tpu.memref_slice %arg9[%mul3A_12, %dma_start3A_148] : memref<11264x128xf32, #tpu.memory_space<vmem_shared>> -> memref<64x128xf32, #tpu.memory_space<vmem_shared>>
      %dma_start3A_150 = arith.constant 0 : i32
      %dma_start3A_151 = tpu.memref_slice %arg9[%mul3A_12, %dma_start3A_150] : memref<11264x128xf32, #tpu.memory_space<vmem_shared>> -> memref<64x128xf32, #tpu.memory_space<vmem_shared>>
      %dma_start3A_152 = arith.constant 0 : i32
      %dma_start3A_153 = arith.constant 0 : i32
      %dma_start3A_154 = tpu.memref_slice %arg8[%dma_start3A_152, %dma_start3A_153] : memref<128x128xf32, #tpu.memory_space<vmem>> -> memref<64x128xf32, #tpu.memory_space<vmem>>
      tpu.enqueue_dma source(%dma_start3A_154 : memref<64x128xf32, #tpu.memory_space<vmem>>) target(%dma_start3A_151 : memref<64x128xf32, #tpu.memory_space<vmem_shared>>) target_semaphore(%run_scoped3A : memref<!tpu.dma_semaphore, #tpu.memory_space<semaphore_mem>>)
      %dma_wait3A = arith.constant 0 : i32
      %dma_wait3A_155 = arith.constant 0 : i32
      %dma_wait3A_156 = tpu.memref_slice %arg8[%dma_wait3A, %dma_wait3A_155] : memref<128x128xf32, #tpu.memory_space<vmem>> -> memref<64x128xf32, #tpu.memory_space<vmem>>
      %dma_wait3A_157 = arith.constant 0 : i32
      %dma_wait3A_158 = tpu.memref_slice %arg9[%mul3A_12, %dma_wait3A_157] : memref<11264x128xf32, #tpu.memory_space<vmem_shared>> -> memref<64x128xf32, #tpu.memory_space<vmem_shared>>
      %dma_wait3A_159 = arith.constant 0 : i32
      %dma_wait3A_160 = tpu.memref_slice %arg9[%mul3A_12, %dma_wait3A_159] : memref<11264x128xf32, #tpu.memory_space<vmem_shared>> -> memref<64x128xf32, #tpu.memory_space<vmem_shared>>
      %dma_wait3A_161 = arith.constant 0 : i32
      %dma_wait3A_162 = arith.constant 0 : i32
      %dma_wait3A_163 = tpu.memref_slice %arg8[%dma_wait3A_161, %dma_wait3A_162] : memref<128x128xf32, #tpu.memory_space<vmem>> -> memref<64x128xf32, #tpu.memory_space<vmem>>
      tpu.wait_dma2 semaphore(%run_scoped3A : memref<!tpu.dma_semaphore, #tpu.memory_space<semaphore_mem>>) src(%dma_wait3A_163 : memref<64x128xf32, #tpu.memory_space<vmem>>) dst(%dma_wait3A_160 : memref<64x128xf32, #tpu.memory_space<vmem_shared>>)
      tpu.yield
    }) : () -> ()
    %mul3A_13 = arith.constant 11 : i32
    %mul3A_14 = arith.muli %arg1, %mul3A_13 : i32
    %add3A_15 = arith.constant 1 : i32
    %add3A_16 = arith.addi %mul3A_14, %add3A_15 : i32
    %mul3A_17 = arith.constant 64 : i32
    %mul3A_18 = arith.muli %add3A_16, %mul3A_17 : i32
    "tpu.region"() ({
      %run_scoped3A = tpu.sem_alloc : memref<!tpu.dma_semaphore, #tpu.memory_space<semaphore_mem>>
      %dma_start3A = arith.constant 0 : i32
      %dma_start3A_146 = arith.constant 0 : i32
      %dma_start3A_147 = tpu.memref_slice %arg8[%dma_start3A, %dma_start3A_146] : memref<128x128xf32, #tpu.memory_space<vmem>> -> memref<64x128xf32, #tpu.memory_space<vmem>>
      %dma_start3A_148 = arith.constant 0 : i32
      %dma_start3A_149 = tpu.memref_slice %arg9[%mul3A_18, %dma_start3A_148] : memref<11264x128xf32, #tpu.memory_space<vmem_shared>> -> memref<64x128xf32, #tpu.memory_space<vmem_shared>>
      %dma_start3A_150 = arith.constant 0 : i32
      %dma_start3A_151 = tpu.memref_slice %arg9[%mul3A_18, %dma_start3A_150] : memref<11264x128xf32, #tpu.memory_space<vmem_shared>> -> memref<64x128xf32, #tpu.memory_space<vmem_shared>>
      %dma_start3A_152 = arith.constant 0 : i32
      %dma_start3A_153 = arith.constant 0 : i32
      %dma_start3A_154 = tpu.memref_slice %arg8[%dma_start3A_152, %dma_start3A_153] : memref<128x128xf32, #tpu.memory_space<vmem>> -> memref<64x128xf32, #tpu.memory_space<vmem>>
      tpu.enqueue_dma source(%dma_start3A_154 : memref<64x128xf32, #tpu.memory_space<vmem>>) target(%dma_start3A_151 : memref<64x128xf32, #tpu.memory_space<vmem_shared>>) target_semaphore(%run_scoped3A : memref<!tpu.dma_semaphore, #tpu.memory_space<semaphore_mem>>)
      %dma_wait3A = arith.constant 0 : i32
      %dma_wait3A_155 = arith.constant 0 : i32
      %dma_wait3A_156 = tpu.memref_slice %arg8[%dma_wait3A, %dma_wait3A_155] : memref<128x128xf32, #tpu.memory_space<vmem>> -> memref<64x128xf32, #tpu.memory_space<vmem>>
      %dma_wait3A_157 = arith.constant 0 : i32
      %dma_wait3A_158 = tpu.memref_slice %arg9[%mul3A_18, %dma_wait3A_157] : memref<11264x128xf32, #tpu.memory_space<vmem_shared>> -> memref<64x128xf32, #tpu.memory_space<vmem_shared>>
      %dma_wait3A_159 = arith.constant 0 : i32
      %dma_wait3A_160 = tpu.memref_slice %arg9[%mul3A_18, %dma_wait3A_159] : memref<11264x128xf32, #tpu.memory_space<vmem_shared>> -> memref<64x128xf32, #tpu.memory_space<vmem_shared>>
      %dma_wait3A_161 = arith.constant 0 : i32
      %dma_wait3A_162 = arith.constant 0 : i32
      %dma_wait3A_163 = tpu.memref_slice %arg8[%dma_wait3A_161, %dma_wait3A_162] : memref<128x128xf32, #tpu.memory_space<vmem>> -> memref<64x128xf32, #tpu.memory_space<vmem>>
      tpu.wait_dma2 semaphore(%run_scoped3A : memref<!tpu.dma_semaphore, #tpu.memory_space<semaphore_mem>>) src(%dma_wait3A_163 : memref<64x128xf32, #tpu.memory_space<vmem>>) dst(%dma_wait3A_160 : memref<64x128xf32, #tpu.memory_space<vmem_shared>>)
      tpu.yield
    }) : () -> ()
    %mul3A_19 = arith.constant 11 : i32
    %mul3A_20 = arith.muli %arg1, %mul3A_19 : i32
    %add3A_21 = arith.constant 2 : i32
    %add3A_22 = arith.addi %mul3A_20, %add3A_21 : i32
    %mul3A_23 = arith.constant 64 : i32
    %mul3A_24 = arith.muli %add3A_22, %mul3A_23 : i32
    "tpu.region"() ({
      %run_scoped3A = tpu.sem_alloc : memref<!tpu.dma_semaphore, #tpu.memory_space<semaphore_mem>>
      %dma_start3A = arith.constant 0 : i32
      %dma_start3A_146 = arith.constant 0 : i32
      %dma_start3A_147 = tpu.memref_slice %arg8[%dma_start3A, %dma_start3A_146] : memref<128x128xf32, #tpu.memory_space<vmem>> -> memref<64x128xf32, #tpu.memory_space<vmem>>
      %dma_start3A_148 = arith.constant 0 : i32
      %dma_start3A_149 = tpu.memref_slice %arg9[%mul3A_24, %dma_start3A_148] : memref<11264x128xf32, #tpu.memory_space<vmem_shared>> -> memref<64x128xf32, #tpu.memory_space<vmem_shared>>
      %dma_start3A_150 = arith.constant 0 : i32
      %dma_start3A_151 = tpu.memref_slice %arg9[%mul3A_24, %dma_start3A_150] : memref<11264x128xf32, #tpu.memory_space<vmem_shared>> -> memref<64x128xf32, #tpu.memory_space<vmem_shared>>
      %dma_start3A_152 = arith.constant 0 : i32
      %dma_start3A_153 = arith.constant 0 : i32
      %dma_start3A_154 = tpu.memref_slice %arg8[%dma_start3A_152, %dma_start3A_153] : memref<128x128xf32, #tpu.memory_space<vmem>> -> memref<64x128xf32, #tpu.memory_space<vmem>>
      tpu.enqueue_dma source(%dma_start3A_154 : memref<64x128xf32, #tpu.memory_space<vmem>>) target(%dma_start3A_151 : memref<64x128xf32, #tpu.memory_space<vmem_shared>>) target_semaphore(%run_scoped3A : memref<!tpu.dma_semaphore, #tpu.memory_space<semaphore_mem>>)
      %dma_wait3A = arith.constant 0 : i32
      %dma_wait3A_155 = arith.constant 0 : i32
      %dma_wait3A_156 = tpu.memref_slice %arg8[%dma_wait3A, %dma_wait3A_155] : memref<128x128xf32, #tpu.memory_space<vmem>> -> memref<64x128xf32, #tpu.memory_space<vmem>>
      %dma_wait3A_157 = arith.constant 0 : i32
      %dma_wait3A_158 = tpu.memref_slice %arg9[%mul3A_24, %dma_wait3A_157] : memref<11264x128xf32, #tpu.memory_space<vmem_shared>> -> memref<64x128xf32, #tpu.memory_space<vmem_shared>>
      %dma_wait3A_159 = arith.constant 0 : i32
      %dma_wait3A_160 = tpu.memref_slice %arg9[%mul3A_24, %dma_wait3A_159] : memref<11264x128xf32, #tpu.memory_space<vmem_shared>> -> memref<64x128xf32, #tpu.memory_space<vmem_shared>>
      %dma_wait3A_161 = arith.constant 0 : i32
      %dma_wait3A_162 = arith.constant 0 : i32
      %dma_wait3A_163 = tpu.memref_slice %arg8[%dma_wait3A_161, %dma_wait3A_162] : memref<128x128xf32, #tpu.memory_space<vmem>> -> memref<64x128xf32, #tpu.memory_space<vmem>>
      tpu.wait_dma2 semaphore(%run_scoped3A : memref<!tpu.dma_semaphore, #tpu.memory_space<semaphore_mem>>) src(%dma_wait3A_163 : memref<64x128xf32, #tpu.memory_space<vmem>>) dst(%dma_wait3A_160 : memref<64x128xf32, #tpu.memory_space<vmem_shared>>)
      tpu.yield
    }) : () -> ()
    %mul3A_25 = arith.constant 11 : i32
    %mul3A_26 = arith.muli %arg1, %mul3A_25 : i32
    %add3A_27 = arith.constant 3 : i32
    %add3A_28 = arith.addi %mul3A_26, %add3A_27 : i32
    %mul3A_29 = arith.constant 64 : i32
    %mul3A_30 = arith.muli %add3A_28, %mul3A_29 : i32
    "tpu.region"() ({
      %run_scoped3A = tpu.sem_alloc : memref<!tpu.dma_semaphore, #tpu.memory_space<semaphore_mem>>
      %dma_start3A = arith.constant 0 : i32
      %dma_start3A_146 = arith.constant 0 : i32
      %dma_start3A_147 = tpu.memref_slice %arg8[%dma_start3A, %dma_start3A_146] : memref<128x128xf32, #tpu.memory_space<vmem>> -> memref<64x128xf32, #tpu.memory_space<vmem>>
      %dma_start3A_148 = arith.constant 0 : i32
      %dma_start3A_149 = tpu.memref_slice %arg9[%mul3A_30, %dma_start3A_148] : memref<11264x128xf32, #tpu.memory_space<vmem_shared>> -> memref<64x128xf32, #tpu.memory_space<vmem_shared>>
      %dma_start3A_150 = arith.constant 0 : i32
      %dma_start3A_151 = tpu.memref_slice %arg9[%mul3A_30, %dma_start3A_150] : memref<11264x128xf32, #tpu.memory_space<vmem_shared>> -> memref<64x128xf32, #tpu.memory_space<vmem_shared>>
      %dma_start3A_152 = arith.constant 0 : i32
      %dma_start3A_153 = arith.constant 0 : i32
      %dma_start3A_154 = tpu.memref_slice %arg8[%dma_start3A_152, %dma_start3A_153] : memref<128x128xf32, #tpu.memory_space<vmem>> -> memref<64x128xf32, #tpu.memory_space<vmem>>
      tpu.enqueue_dma source(%dma_start3A_154 : memref<64x128xf32, #tpu.memory_space<vmem>>) target(%dma_start3A_151 : memref<64x128xf32, #tpu.memory_space<vmem_shared>>) target_semaphore(%run_scoped3A : memref<!tpu.dma_semaphore, #tpu.memory_space<semaphore_mem>>)
      %dma_wait3A = arith.constant 0 : i32
      %dma_wait3A_155 = arith.constant 0 : i32
      %dma_wait3A_156 = tpu.memref_slice %arg8[%dma_wait3A, %dma_wait3A_155] : memref<128x128xf32, #tpu.memory_space<vmem>> -> memref<64x128xf32, #tpu.memory_space<vmem>>
      %dma_wait3A_157 = arith.constant 0 : i32
      %dma_wait3A_158 = tpu.memref_slice %arg9[%mul3A_30, %dma_wait3A_157] : memref<11264x128xf32, #tpu.memory_space<vmem_shared>> -> memref<64x128xf32, #tpu.memory_space<vmem_shared>>
      %dma_wait3A_159 = arith.constant 0 : i32
      %dma_wait3A_160 = tpu.memref_slice %arg9[%mul3A_30, %dma_wait3A_159] : memref<11264x128xf32, #tpu.memory_space<vmem_shared>> -> memref<64x128xf32, #tpu.memory_space<vmem_shared>>
      %dma_wait3A_161 = arith.constant 0 : i32
      %dma_wait3A_162 = arith.constant 0 : i32
      %dma_wait3A_163 = tpu.memref_slice %arg8[%dma_wait3A_161, %dma_wait3A_162] : memref<128x128xf32, #tpu.memory_space<vmem>> -> memref<64x128xf32, #tpu.memory_space<vmem>>
      tpu.wait_dma2 semaphore(%run_scoped3A : memref<!tpu.dma_semaphore, #tpu.memory_space<semaphore_mem>>) src(%dma_wait3A_163 : memref<64x128xf32, #tpu.memory_space<vmem>>) dst(%dma_wait3A_160 : memref<64x128xf32, #tpu.memory_space<vmem_shared>>)
      tpu.yield
    }) : () -> ()
    %mul3A_31 = arith.constant 11 : i32
    %mul3A_32 = arith.muli %arg1, %mul3A_31 : i32
    %add3A_33 = arith.constant 4 : i32
    %add3A_34 = arith.addi %mul3A_32, %add3A_33 : i32
    %mul3A_35 = arith.constant 64 : i32
    %mul3A_36 = arith.muli %add3A_34, %mul3A_35 : i32
    "tpu.region"() ({
      %run_scoped3A = tpu.sem_alloc : memref<!tpu.dma_semaphore, #tpu.memory_space<semaphore_mem>>
      %dma_start3A = arith.constant 0 : i32
      %dma_start3A_146 = arith.constant 0 : i32
      %dma_start3A_147 = tpu.memref_slice %arg8[%dma_start3A, %dma_start3A_146] : memref<128x128xf32, #tpu.memory_space<vmem>> -> memref<64x128xf32, #tpu.memory_space<vmem>>
      %dma_start3A_148 = arith.constant 0 : i32
      %dma_start3A_149 = tpu.memref_slice %arg9[%mul3A_36, %dma_start3A_148] : memref<11264x128xf32, #tpu.memory_space<vmem_shared>> -> memref<64x128xf32, #tpu.memory_space<vmem_shared>>
      %dma_start3A_150 = arith.constant 0 : i32
      %dma_start3A_151 = tpu.memref_slice %arg9[%mul3A_36, %dma_start3A_150] : memref<11264x128xf32, #tpu.memory_space<vmem_shared>> -> memref<64x128xf32, #tpu.memory_space<vmem_shared>>
      %dma_start3A_152 = arith.constant 0 : i32
      %dma_start3A_153 = arith.constant 0 : i32
      %dma_start3A_154 = tpu.memref_slice %arg8[%dma_start3A_152, %dma_start3A_153] : memref<128x128xf32, #tpu.memory_space<vmem>> -> memref<64x128xf32, #tpu.memory_space<vmem>>
      tpu.enqueue_dma source(%dma_start3A_154 : memref<64x128xf32, #tpu.memory_space<vmem>>) target(%dma_start3A_151 : memref<64x128xf32, #tpu.memory_space<vmem_shared>>) target_semaphore(%run_scoped3A : memref<!tpu.dma_semaphore, #tpu.memory_space<semaphore_mem>>)
      %dma_wait3A = arith.constant 0 : i32
      %dma_wait3A_155 = arith.constant 0 : i32
      %dma_wait3A_156 = tpu.memref_slice %arg8[%dma_wait3A, %dma_wait3A_155] : memref<128x128xf32, #tpu.memory_space<vmem>> -> memref<64x128xf32, #tpu.memory_space<vmem>>
      %dma_wait3A_157 = arith.constant 0 : i32
      %dma_wait3A_158 = tpu.memref_slice %arg9[%mul3A_36, %dma_wait3A_157] : memref<11264x128xf32, #tpu.memory_space<vmem_shared>> -> memref<64x128xf32, #tpu.memory_space<vmem_shared>>
      %dma_wait3A_159 = arith.constant 0 : i32
      %dma_wait3A_160 = tpu.memref_slice %arg9[%mul3A_36, %dma_wait3A_159] : memref<11264x128xf32, #tpu.memory_space<vmem_shared>> -> memref<64x128xf32, #tpu.memory_space<vmem_shared>>
      %dma_wait3A_161 = arith.constant 0 : i32
      %dma_wait3A_162 = arith.constant 0 : i32
      %dma_wait3A_163 = tpu.memref_slice %arg8[%dma_wait3A_161, %dma_wait3A_162] : memref<128x128xf32, #tpu.memory_space<vmem>> -> memref<64x128xf32, #tpu.memory_space<vmem>>
      tpu.wait_dma2 semaphore(%run_scoped3A : memref<!tpu.dma_semaphore, #tpu.memory_space<semaphore_mem>>) src(%dma_wait3A_163 : memref<64x128xf32, #tpu.memory_space<vmem>>) dst(%dma_wait3A_160 : memref<64x128xf32, #tpu.memory_space<vmem_shared>>)
      tpu.yield
    }) : () -> ()
    %mul3A_37 = arith.constant 11 : i32
    %mul3A_38 = arith.muli %arg1, %mul3A_37 : i32
    %add3A_39 = arith.constant 5 : i32
    %add3A_40 = arith.addi %mul3A_38, %add3A_39 : i32
    %mul3A_41 = arith.constant 64 : i32
    %mul3A_42 = arith.muli %add3A_40, %mul3A_41 : i32
    "tpu.region"() ({
      %run_scoped3A = tpu.sem_alloc : memref<!tpu.dma_semaphore, #tpu.memory_space<semaphore_mem>>
      %dma_start3A = arith.constant 0 : i32
      %dma_start3A_146 = arith.constant 0 : i32
      %dma_start3A_147 = tpu.memref_slice %arg8[%dma_start3A, %dma_start3A_146] : memref<128x128xf32, #tpu.memory_space<vmem>> -> memref<64x128xf32, #tpu.memory_space<vmem>>
      %dma_start3A_148 = arith.constant 0 : i32
      %dma_start3A_149 = tpu.memref_slice %arg9[%mul3A_42, %dma_start3A_148] : memref<11264x128xf32, #tpu.memory_space<vmem_shared>> -> memref<64x128xf32, #tpu.memory_space<vmem_shared>>
      %dma_start3A_150 = arith.constant 0 : i32
      %dma_start3A_151 = tpu.memref_slice %arg9[%mul3A_42, %dma_start3A_150] : memref<11264x128xf32, #tpu.memory_space<vmem_shared>> -> memref<64x128xf32, #tpu.memory_space<vmem_shared>>
      %dma_start3A_152 = arith.constant 0 : i32
      %dma_start3A_153 = arith.constant 0 : i32
      %dma_start3A_154 = tpu.memref_slice %arg8[%dma_start3A_152, %dma_start3A_153] : memref<128x128xf32, #tpu.memory_space<vmem>> -> memref<64x128xf32, #tpu.memory_space<vmem>>
      tpu.enqueue_dma source(%dma_start3A_154 : memref<64x128xf32, #tpu.memory_space<vmem>>) target(%dma_start3A_151 : memref<64x128xf32, #tpu.memory_space<vmem_shared>>) target_semaphore(%run_scoped3A : memref<!tpu.dma_semaphore, #tpu.memory_space<semaphore_mem>>)
      %dma_wait3A = arith.constant 0 : i32
      %dma_wait3A_155 = arith.constant 0 : i32
      %dma_wait3A_156 = tpu.memref_slice %arg8[%dma_wait3A, %dma_wait3A_155] : memref<128x128xf32, #tpu.memory_space<vmem>> -> memref<64x128xf32, #tpu.memory_space<vmem>>
      %dma_wait3A_157 = arith.constant 0 : i32
      %dma_wait3A_158 = tpu.memref_slice %arg9[%mul3A_42, %dma_wait3A_157] : memref<11264x128xf32, #tpu.memory_space<vmem_shared>> -> memref<64x128xf32, #tpu.memory_space<vmem_shared>>
      %dma_wait3A_159 = arith.constant 0 : i32
      %dma_wait3A_160 = tpu.memref_slice %arg9[%mul3A_42, %dma_wait3A_159] : memref<11264x128xf32, #tpu.memory_space<vmem_shared>> -> memref<64x128xf32, #tpu.memory_space<vmem_shared>>
      %dma_wait3A_161 = arith.constant 0 : i32
      %dma_wait3A_162 = arith.constant 0 : i32
      %dma_wait3A_163 = tpu.memref_slice %arg8[%dma_wait3A_161, %dma_wait3A_162] : memref<128x128xf32, #tpu.memory_space<vmem>> -> memref<64x128xf32, #tpu.memory_space<vmem>>
      tpu.wait_dma2 semaphore(%run_scoped3A : memref<!tpu.dma_semaphore, #tpu.memory_space<semaphore_mem>>) src(%dma_wait3A_163 : memref<64x128xf32, #tpu.memory_space<vmem>>) dst(%dma_wait3A_160 : memref<64x128xf32, #tpu.memory_space<vmem_shared>>)
      tpu.yield
    }) : () -> ()
    %mul3A_43 = arith.constant 11 : i32
    %mul3A_44 = arith.muli %arg1, %mul3A_43 : i32
    %add3A_45 = arith.constant 6 : i32
    %add3A_46 = arith.addi %mul3A_44, %add3A_45 : i32
    %mul3A_47 = arith.constant 64 : i32
    %mul3A_48 = arith.muli %add3A_46, %mul3A_47 : i32
    "tpu.region"() ({
      %run_scoped3A = tpu.sem_alloc : memref<!tpu.dma_semaphore, #tpu.memory_space<semaphore_mem>>
      %dma_start3A = arith.constant 0 : i32
      %dma_start3A_146 = arith.constant 0 : i32
      %dma_start3A_147 = tpu.memref_slice %arg8[%dma_start3A, %dma_start3A_146] : memref<128x128xf32, #tpu.memory_space<vmem>> -> memref<64x128xf32, #tpu.memory_space<vmem>>
      %dma_start3A_148 = arith.constant 0 : i32
      %dma_start3A_149 = tpu.memref_slice %arg9[%mul3A_48, %dma_start3A_148] : memref<11264x128xf32, #tpu.memory_space<vmem_shared>> -> memref<64x128xf32, #tpu.memory_space<vmem_shared>>
      %dma_start3A_150 = arith.constant 0 : i32
      %dma_start3A_151 = tpu.memref_slice %arg9[%mul3A_48, %dma_start3A_150] : memref<11264x128xf32, #tpu.memory_space<vmem_shared>> -> memref<64x128xf32, #tpu.memory_space<vmem_shared>>
      %dma_start3A_152 = arith.constant 0 : i32
      %dma_start3A_153 = arith.constant 0 : i32
      %dma_start3A_154 = tpu.memref_slice %arg8[%dma_start3A_152, %dma_start3A_153] : memref<128x128xf32, #tpu.memory_space<vmem>> -> memref<64x128xf32, #tpu.memory_space<vmem>>
      tpu.enqueue_dma source(%dma_start3A_154 : memref<64x128xf32, #tpu.memory_space<vmem>>) target(%dma_start3A_151 : memref<64x128xf32, #tpu.memory_space<vmem_shared>>) target_semaphore(%run_scoped3A : memref<!tpu.dma_semaphore, #tpu.memory_space<semaphore_mem>>)
      %dma_wait3A = arith.constant 0 : i32
      %dma_wait3A_155 = arith.constant 0 : i32
      %dma_wait3A_156 = tpu.memref_slice %arg8[%dma_wait3A, %dma_wait3A_155] : memref<128x128xf32, #tpu.memory_space<vmem>> -> memref<64x128xf32, #tpu.memory_space<vmem>>
      %dma_wait3A_157 = arith.constant 0 : i32
      %dma_wait3A_158 = tpu.memref_slice %arg9[%mul3A_48, %dma_wait3A_157] : memref<11264x128xf32, #tpu.memory_space<vmem_shared>> -> memref<64x128xf32, #tpu.memory_space<vmem_shared>>
      %dma_wait3A_159 = arith.constant 0 : i32
      %dma_wait3A_160 = tpu.memref_slice %arg9[%mul3A_48, %dma_wait3A_159] : memref<11264x128xf32, #tpu.memory_space<vmem_shared>> -> memref<64x128xf32, #tpu.memory_space<vmem_shared>>
      %dma_wait3A_161 = arith.constant 0 : i32
      %dma_wait3A_162 = arith.constant 0 : i32
      %dma_wait3A_163 = tpu.memref_slice %arg8[%dma_wait3A_161, %dma_wait3A_162] : memref<128x128xf32, #tpu.memory_space<vmem>> -> memref<64x128xf32, #tpu.memory_space<vmem>>
      tpu.wait_dma2 semaphore(%run_scoped3A : memref<!tpu.dma_semaphore, #tpu.memory_space<semaphore_mem>>) src(%dma_wait3A_163 : memref<64x128xf32, #tpu.memory_space<vmem>>) dst(%dma_wait3A_160 : memref<64x128xf32, #tpu.memory_space<vmem_shared>>)
      tpu.yield
    }) : () -> ()
    %mul3A_49 = arith.constant 11 : i32
    %mul3A_50 = arith.muli %arg1, %mul3A_49 : i32
    %add3A_51 = arith.constant 7 : i32
    %add3A_52 = arith.addi %mul3A_50, %add3A_51 : i32
    %mul3A_53 = arith.constant 64 : i32
    %mul3A_54 = arith.muli %add3A_52, %mul3A_53 : i32
    "tpu.region"() ({
      %run_scoped3A = tpu.sem_alloc : memref<!tpu.dma_semaphore, #tpu.memory_space<semaphore_mem>>
      %dma_start3A = arith.constant 0 : i32
      %dma_start3A_146 = arith.constant 0 : i32
      %dma_start3A_147 = tpu.memref_slice %arg8[%dma_start3A, %dma_start3A_146] : memref<128x128xf32, #tpu.memory_space<vmem>> -> memref<64x128xf32, #tpu.memory_space<vmem>>
      %dma_start3A_148 = arith.constant 0 : i32
      %dma_start3A_149 = tpu.memref_slice %arg9[%mul3A_54, %dma_start3A_148] : memref<11264x128xf32, #tpu.memory_space<vmem_shared>> -> memref<64x128xf32, #tpu.memory_space<vmem_shared>>
      %dma_start3A_150 = arith.constant 0 : i32
      %dma_start3A_151 = tpu.memref_slice %arg9[%mul3A_54, %dma_start3A_150] : memref<11264x128xf32, #tpu.memory_space<vmem_shared>> -> memref<64x128xf32, #tpu.memory_space<vmem_shared>>
      %dma_start3A_152 = arith.constant 0 : i32
      %dma_start3A_153 = arith.constant 0 : i32
      %dma_start3A_154 = tpu.memref_slice %arg8[%dma_start3A_152, %dma_start3A_153] : memref<128x128xf32, #tpu.memory_space<vmem>> -> memref<64x128xf32, #tpu.memory_space<vmem>>
      tpu.enqueue_dma source(%dma_start3A_154 : memref<64x128xf32, #tpu.memory_space<vmem>>) target(%dma_start3A_151 : memref<64x128xf32, #tpu.memory_space<vmem_shared>>) target_semaphore(%run_scoped3A : memref<!tpu.dma_semaphore, #tpu.memory_space<semaphore_mem>>)
      %dma_wait3A = arith.constant 0 : i32
      %dma_wait3A_155 = arith.constant 0 : i32
      %dma_wait3A_156 = tpu.memref_slice %arg8[%dma_wait3A, %dma_wait3A_155] : memref<128x128xf32, #tpu.memory_space<vmem>> -> memref<64x128xf32, #tpu.memory_space<vmem>>
      %dma_wait3A_157 = arith.constant 0 : i32
      %dma_wait3A_158 = tpu.memref_slice %arg9[%mul3A_54, %dma_wait3A_157] : memref<11264x128xf32, #tpu.memory_space<vmem_shared>> -> memref<64x128xf32, #tpu.memory_space<vmem_shared>>
      %dma_wait3A_159 = arith.constant 0 : i32
      %dma_wait3A_160 = tpu.memref_slice %arg9[%mul3A_54, %dma_wait3A_159] : memref<11264x128xf32, #tpu.memory_space<vmem_shared>> -> memref<64x128xf32, #tpu.memory_space<vmem_shared>>
      %dma_wait3A_161 = arith.constant 0 : i32
      %dma_wait3A_162 = arith.constant 0 : i32
      %dma_wait3A_163 = tpu.memref_slice %arg8[%dma_wait3A_161, %dma_wait3A_162] : memref<128x128xf32, #tpu.memory_space<vmem>> -> memref<64x128xf32, #tpu.memory_space<vmem>>
      tpu.wait_dma2 semaphore(%run_scoped3A : memref<!tpu.dma_semaphore, #tpu.memory_space<semaphore_mem>>) src(%dma_wait3A_163 : memref<64x128xf32, #tpu.memory_space<vmem>>) dst(%dma_wait3A_160 : memref<64x128xf32, #tpu.memory_space<vmem_shared>>)
      tpu.yield
    }) : () -> ()
    %mul3A_55 = arith.constant 11 : i32
    %mul3A_56 = arith.muli %arg1, %mul3A_55 : i32
    %add3A_57 = arith.constant 8 : i32
    %add3A_58 = arith.addi %mul3A_56, %add3A_57 : i32
    %mul3A_59 = arith.constant 64 : i32
    %mul3A_60 = arith.muli %add3A_58, %mul3A_59 : i32
    "tpu.region"() ({
      %run_scoped3A = tpu.sem_alloc : memref<!tpu.dma_semaphore, #tpu.memory_space<semaphore_mem>>
      %dma_start3A = arith.constant 0 : i32
      %dma_start3A_146 = arith.constant 0 : i32
      %dma_start3A_147 = tpu.memref_slice %arg8[%dma_start3A, %dma_start3A_146] : memref<128x128xf32, #tpu.memory_space<vmem>> -> memref<64x128xf32, #tpu.memory_space<vmem>>
      %dma_start3A_148 = arith.constant 0 : i32
      %dma_start3A_149 = tpu.memref_slice %arg9[%mul3A_60, %dma_start3A_148] : memref<11264x128xf32, #tpu.memory_space<vmem_shared>> -> memref<64x128xf32, #tpu.memory_space<vmem_shared>>
      %dma_start3A_150 = arith.constant 0 : i32
      %dma_start3A_151 = tpu.memref_slice %arg9[%mul3A_60, %dma_start3A_150] : memref<11264x128xf32, #tpu.memory_space<vmem_shared>> -> memref<64x128xf32, #tpu.memory_space<vmem_shared>>
      %dma_start3A_152 = arith.constant 0 : i32
      %dma_start3A_153 = arith.constant 0 : i32
      %dma_start3A_154 = tpu.memref_slice %arg8[%dma_start3A_152, %dma_start3A_153] : memref<128x128xf32, #tpu.memory_space<vmem>> -> memref<64x128xf32, #tpu.memory_space<vmem>>
      tpu.enqueue_dma source(%dma_start3A_154 : memref<64x128xf32, #tpu.memory_space<vmem>>) target(%dma_start3A_151 : memref<64x128xf32, #tpu.memory_space<vmem_shared>>) target_semaphore(%run_scoped3A : memref<!tpu.dma_semaphore, #tpu.memory_space<semaphore_mem>>)
      %dma_wait3A = arith.constant 0 : i32
      %dma_wait3A_155 = arith.constant 0 : i32
      %dma_wait3A_156 = tpu.memref_slice %arg8[%dma_wait3A, %dma_wait3A_155] : memref<128x128xf32, #tpu.memory_space<vmem>> -> memref<64x128xf32, #tpu.memory_space<vmem>>
      %dma_wait3A_157 = arith.constant 0 : i32
      %dma_wait3A_158 = tpu.memref_slice %arg9[%mul3A_60, %dma_wait3A_157] : memref<11264x128xf32, #tpu.memory_space<vmem_shared>> -> memref<64x128xf32, #tpu.memory_space<vmem_shared>>
      %dma_wait3A_159 = arith.constant 0 : i32
      %dma_wait3A_160 = tpu.memref_slice %arg9[%mul3A_60, %dma_wait3A_159] : memref<11264x128xf32, #tpu.memory_space<vmem_shared>> -> memref<64x128xf32, #tpu.memory_space<vmem_shared>>
      %dma_wait3A_161 = arith.constant 0 : i32
      %dma_wait3A_162 = arith.constant 0 : i32
      %dma_wait3A_163 = tpu.memref_slice %arg8[%dma_wait3A_161, %dma_wait3A_162] : memref<128x128xf32, #tpu.memory_space<vmem>> -> memref<64x128xf32, #tpu.memory_space<vmem>>
      tpu.wait_dma2 semaphore(%run_scoped3A : memref<!tpu.dma_semaphore, #tpu.memory_space<semaphore_mem>>) src(%dma_wait3A_163 : memref<64x128xf32, #tpu.memory_space<vmem>>) dst(%dma_wait3A_160 : memref<64x128xf32, #tpu.memory_space<vmem_shared>>)
      tpu.yield
    }) : () -> ()
    %mul3A_61 = arith.constant 11 : i32
    %mul3A_62 = arith.muli %arg1, %mul3A_61 : i32
    %add3A_63 = arith.constant 9 : i32
    %add3A_64 = arith.addi %mul3A_62, %add3A_63 : i32
    %mul3A_65 = arith.constant 64 : i32
    %mul3A_66 = arith.muli %add3A_64, %mul3A_65 : i32
    "tpu.region"() ({
      %run_scoped3A = tpu.sem_alloc : memref<!tpu.dma_semaphore, #tpu.memory_space<semaphore_mem>>
      %dma_start3A = arith.constant 0 : i32
      %dma_start3A_146 = arith.constant 0 : i32
      %dma_start3A_147 = tpu.memref_slice %arg8[%dma_start3A, %dma_start3A_146] : memref<128x128xf32, #tpu.memory_space<vmem>> -> memref<64x128xf32, #tpu.memory_space<vmem>>
      %dma_start3A_148 = arith.constant 0 : i32
      %dma_start3A_149 = tpu.memref_slice %arg9[%mul3A_66, %dma_start3A_148] : memref<11264x128xf32, #tpu.memory_space<vmem_shared>> -> memref<64x128xf32, #tpu.memory_space<vmem_shared>>
      %dma_start3A_150 = arith.constant 0 : i32
      %dma_start3A_151 = tpu.memref_slice %arg9[%mul3A_66, %dma_start3A_150] : memref<11264x128xf32, #tpu.memory_space<vmem_shared>> -> memref<64x128xf32, #tpu.memory_space<vmem_shared>>
      %dma_start3A_152 = arith.constant 0 : i32
      %dma_start3A_153 = arith.constant 0 : i32
      %dma_start3A_154 = tpu.memref_slice %arg8[%dma_start3A_152, %dma_start3A_153] : memref<128x128xf32, #tpu.memory_space<vmem>> -> memref<64x128xf32, #tpu.memory_space<vmem>>
      tpu.enqueue_dma source(%dma_start3A_154 : memref<64x128xf32, #tpu.memory_space<vmem>>) target(%dma_start3A_151 : memref<64x128xf32, #tpu.memory_space<vmem_shared>>) target_semaphore(%run_scoped3A : memref<!tpu.dma_semaphore, #tpu.memory_space<semaphore_mem>>)
      %dma_wait3A = arith.constant 0 : i32
      %dma_wait3A_155 = arith.constant 0 : i32
      %dma_wait3A_156 = tpu.memref_slice %arg8[%dma_wait3A, %dma_wait3A_155] : memref<128x128xf32, #tpu.memory_space<vmem>> -> memref<64x128xf32, #tpu.memory_space<vmem>>
      %dma_wait3A_157 = arith.constant 0 : i32
      %dma_wait3A_158 = tpu.memref_slice %arg9[%mul3A_66, %dma_wait3A_157] : memref<11264x128xf32, #tpu.memory_space<vmem_shared>> -> memref<64x128xf32, #tpu.memory_space<vmem_shared>>
      %dma_wait3A_159 = arith.constant 0 : i32
      %dma_wait3A_160 = tpu.memref_slice %arg9[%mul3A_66, %dma_wait3A_159] : memref<11264x128xf32, #tpu.memory_space<vmem_shared>> -> memref<64x128xf32, #tpu.memory_space<vmem_shared>>
      %dma_wait3A_161 = arith.constant 0 : i32
      %dma_wait3A_162 = arith.constant 0 : i32
      %dma_wait3A_163 = tpu.memref_slice %arg8[%dma_wait3A_161, %dma_wait3A_162] : memref<128x128xf32, #tpu.memory_space<vmem>> -> memref<64x128xf32, #tpu.memory_space<vmem>>
      tpu.wait_dma2 semaphore(%run_scoped3A : memref<!tpu.dma_semaphore, #tpu.memory_space<semaphore_mem>>) src(%dma_wait3A_163 : memref<64x128xf32, #tpu.memory_space<vmem>>) dst(%dma_wait3A_160 : memref<64x128xf32, #tpu.memory_space<vmem_shared>>)
      tpu.yield
    }) : () -> ()
    %mul3A_67 = arith.constant 11 : i32
    %mul3A_68 = arith.muli %arg1, %mul3A_67 : i32
    %add3A_69 = arith.constant 10 : i32
    %add3A_70 = arith.addi %mul3A_68, %add3A_69 : i32
    %mul3A_71 = arith.constant 64 : i32
    %mul3A_72 = arith.muli %add3A_70, %mul3A_71 : i32
    "tpu.region"() ({
      %run_scoped3A = tpu.sem_alloc : memref<!tpu.dma_semaphore, #tpu.memory_space<semaphore_mem>>
      %dma_start3A = arith.constant 0 : i32
      %dma_start3A_146 = arith.constant 0 : i32
      %dma_start3A_147 = tpu.memref_slice %arg8[%dma_start3A, %dma_start3A_146] : memref<128x128xf32, #tpu.memory_space<vmem>> -> memref<64x128xf32, #tpu.memory_space<vmem>>
      %dma_start3A_148 = arith.constant 0 : i32
      %dma_start3A_149 = tpu.memref_slice %arg9[%mul3A_72, %dma_start3A_148] : memref<11264x128xf32, #tpu.memory_space<vmem_shared>> -> memref<64x128xf32, #tpu.memory_space<vmem_shared>>
      %dma_start3A_150 = arith.constant 0 : i32
      %dma_start3A_151 = tpu.memref_slice %arg9[%mul3A_72, %dma_start3A_150] : memref<11264x128xf32, #tpu.memory_space<vmem_shared>> -> memref<64x128xf32, #tpu.memory_space<vmem_shared>>
      %dma_start3A_152 = arith.constant 0 : i32
      %dma_start3A_153 = arith.constant 0 : i32
      %dma_start3A_154 = tpu.memref_slice %arg8[%dma_start3A_152, %dma_start3A_153] : memref<128x128xf32, #tpu.memory_space<vmem>> -> memref<64x128xf32, #tpu.memory_space<vmem>>
      tpu.enqueue_dma source(%dma_start3A_154 : memref<64x128xf32, #tpu.memory_space<vmem>>) target(%dma_start3A_151 : memref<64x128xf32, #tpu.memory_space<vmem_shared>>) target_semaphore(%run_scoped3A : memref<!tpu.dma_semaphore, #tpu.memory_space<semaphore_mem>>)
      %dma_wait3A = arith.constant 0 : i32
      %dma_wait3A_155 = arith.constant 0 : i32
      %dma_wait3A_156 = tpu.memref_slice %arg8[%dma_wait3A, %dma_wait3A_155] : memref<128x128xf32, #tpu.memory_space<vmem>> -> memref<64x128xf32, #tpu.memory_space<vmem>>
      %dma_wait3A_157 = arith.constant 0 : i32
      %dma_wait3A_158 = tpu.memref_slice %arg9[%mul3A_72, %dma_wait3A_157] : memref<11264x128xf32, #tpu.memory_space<vmem_shared>> -> memref<64x128xf32, #tpu.memory_space<vmem_shared>>
      %dma_wait3A_159 = arith.constant 0 : i32
      %dma_wait3A_160 = tpu.memref_slice %arg9[%mul3A_72, %dma_wait3A_159] : memref<11264x128xf32, #tpu.memory_space<vmem_shared>> -> memref<64x128xf32, #tpu.memory_space<vmem_shared>>
      %dma_wait3A_161 = arith.constant 0 : i32
      %dma_wait3A_162 = arith.constant 0 : i32
      %dma_wait3A_163 = tpu.memref_slice %arg8[%dma_wait3A_161, %dma_wait3A_162] : memref<128x128xf32, #tpu.memory_space<vmem>> -> memref<64x128xf32, #tpu.memory_space<vmem>>
      tpu.wait_dma2 semaphore(%run_scoped3A : memref<!tpu.dma_semaphore, #tpu.memory_space<semaphore_mem>>) src(%dma_wait3A_163 : memref<64x128xf32, #tpu.memory_space<vmem>>) dst(%dma_wait3A_160 : memref<64x128xf32, #tpu.memory_space<vmem_shared>>)
      tpu.yield
    }) : () -> ()
    "tpu.region"() ({
      %run_scoped3A = tpu.sem_alloc : memref<!tpu.dma_semaphore, #tpu.memory_space<semaphore_mem>>
      %dma_start3A = arith.constant 0 : i32
      %dma_start3A_146 = arith.constant 0 : i32
      %dma_start3A_147 = tpu.memref_slice %arg3[%add3A, %dma_start3A, %dma_start3A_146] : memref<32x79x128xi32, #tpu.memory_space<hbm>> -> memref<1x79x128xi32, #tpu.memory_space<hbm>>
      %dma_start3A_148 = tpu.memref_squeeze %dma_start3A_147 : memref<1x79x128xi32, #tpu.memory_space<hbm>> -> memref<79x128xi32, #tpu.memory_space<hbm>>
      %dma_start3A_149 = arith.constant 0 : i32
      %dma_start3A_150 = arith.constant 0 : i32
      %dma_start3A_151 = tpu.memref_slice %arg3[%add3A, %dma_start3A_149, %dma_start3A_150] : memref<32x79x128xi32, #tpu.memory_space<hbm>> -> memref<1x79x128xi32, #tpu.memory_space<hbm>>
      %dma_start3A_152 = tpu.memref_squeeze %dma_start3A_151 : memref<1x79x128xi32, #tpu.memory_space<hbm>> -> memref<79x128xi32, #tpu.memory_space<hbm>>
      tpu.enqueue_dma source(%dma_start3A_152 : memref<79x128xi32, #tpu.memory_space<hbm>>) target(%arg6 : memref<79x128xi32, #tpu.memory_space<vmem>>) target_semaphore(%run_scoped3A : memref<!tpu.dma_semaphore, #tpu.memory_space<semaphore_mem>>)
      %dma_wait3A = arith.constant 0 : i32
      %dma_wait3A_153 = arith.constant 0 : i32
      %dma_wait3A_154 = tpu.memref_slice %arg3[%add3A, %dma_wait3A, %dma_wait3A_153] : memref<32x79x128xi32, #tpu.memory_space<hbm>> -> memref<1x79x128xi32, #tpu.memory_space<hbm>>
      %dma_wait3A_155 = tpu.memref_squeeze %dma_wait3A_154 : memref<1x79x128xi32, #tpu.memory_space<hbm>> -> memref<79x128xi32, #tpu.memory_space<hbm>>
      %dma_wait3A_156 = arith.constant 0 : i32
      %dma_wait3A_157 = arith.constant 0 : i32
      %dma_wait3A_158 = tpu.memref_slice %arg3[%add3A, %dma_wait3A_156, %dma_wait3A_157] : memref<32x79x128xi32, #tpu.memory_space<hbm>> -> memref<1x79x128xi32, #tpu.memory_space<hbm>>
      %dma_wait3A_159 = tpu.memref_squeeze %dma_wait3A_158 : memref<1x79x128xi32, #tpu.memory_space<hbm>> -> memref<79x128xi32, #tpu.memory_space<hbm>>
      tpu.wait_dma2 semaphore(%run_scoped3A : memref<!tpu.dma_semaphore, #tpu.memory_space<semaphore_mem>>) src(%dma_wait3A_159 : memref<79x128xi32, #tpu.memory_space<hbm>>) dst(%arg6 : memref<79x128xi32, #tpu.memory_space<vmem>>)
      tpu.yield
    }) : () -> ()
    "tpu.region"() ({
      %run_scoped3A = tpu.sem_alloc : memref<!tpu.dma_semaphore, #tpu.memory_space<semaphore_mem>>
      %dma_start3A = arith.constant 0 : i32
      %dma_start3A_146 = arith.constant 0 : i32
      %dma_start3A_147 = tpu.memref_slice %arg4[%add3A, %dma_start3A, %dma_start3A_146] : memref<32x79x128xi32, #tpu.memory_space<hbm>> -> memref<1x79x128xi32, #tpu.memory_space<hbm>>
      %dma_start3A_148 = tpu.memref_squeeze %dma_start3A_147 : memref<1x79x128xi32, #tpu.memory_space<hbm>> -> memref<79x128xi32, #tpu.memory_space<hbm>>
      %dma_start3A_149 = arith.constant 0 : i32
      %dma_start3A_150 = arith.constant 0 : i32
      %dma_start3A_151 = tpu.memref_slice %arg4[%add3A, %dma_start3A_149, %dma_start3A_150] : memref<32x79x128xi32, #tpu.memory_space<hbm>> -> memref<1x79x128xi32, #tpu.memory_space<hbm>>
      %dma_start3A_152 = tpu.memref_squeeze %dma_start3A_151 : memref<1x79x128xi32, #tpu.memory_space<hbm>> -> memref<79x128xi32, #tpu.memory_space<hbm>>
      tpu.enqueue_dma source(%dma_start3A_152 : memref<79x128xi32, #tpu.memory_space<hbm>>) target(%arg7 : memref<79x128xi32, #tpu.memory_space<vmem>>) target_semaphore(%run_scoped3A : memref<!tpu.dma_semaphore, #tpu.memory_space<semaphore_mem>>)
      %dma_wait3A = arith.constant 0 : i32
      %dma_wait3A_153 = arith.constant 0 : i32
      %dma_wait3A_154 = tpu.memref_slice %arg4[%add3A, %dma_wait3A, %dma_wait3A_153] : memref<32x79x128xi32, #tpu.memory_space<hbm>> -> memref<1x79x128xi32, #tpu.memory_space<hbm>>
      %dma_wait3A_155 = tpu.memref_squeeze %dma_wait3A_154 : memref<1x79x128xi32, #tpu.memory_space<hbm>> -> memref<79x128xi32, #tpu.memory_space<hbm>>
      %dma_wait3A_156 = arith.constant 0 : i32
      %dma_wait3A_157 = arith.constant 0 : i32
      %dma_wait3A_158 = tpu.memref_slice %arg4[%add3A, %dma_wait3A_156, %dma_wait3A_157] : memref<32x79x128xi32, #tpu.memory_space<hbm>> -> memref<1x79x128xi32, #tpu.memory_space<hbm>>
      %dma_wait3A_159 = tpu.memref_squeeze %dma_wait3A_158 : memref<1x79x128xi32, #tpu.memory_space<hbm>> -> memref<79x128xi32, #tpu.memory_space<hbm>>
      tpu.wait_dma2 semaphore(%run_scoped3A : memref<!tpu.dma_semaphore, #tpu.memory_space<semaphore_mem>>) src(%dma_wait3A_159 : memref<79x128xi32, #tpu.memory_space<hbm>>) dst(%arg7 : memref<79x128xi32, #tpu.memory_space<vmem>>)
      tpu.yield
    }) : () -> ()
    %barrier3A = arith.constant 0 : index
    tpu.barrier barrier_id(%barrier3A)
    %scan3A_73 = arith.constant 0 : i32
    %scan3A_74 = arith.constant 0 : i32
    %scan3A_75 = arith.constant 79 : i32
    %scan3A_76 = arith.addi %scan3A_74, %scan3A_75 : i32
    %scan3A_77 = arith.constant 1 : i32
    scf.for %scan3A_146 = %scan3A_74 to %scan3A_76 step %scan3A_77  : i32 {
      %dma_start3A = arith.constant 0 : i32
      %dma_start3A_147 = tpu.memref_slice %arg6[%scan3A_146, %dma_start3A] : memref<79x128xi32, #tpu.memory_space<vmem>> -> memref<1x128xi32, #tpu.memory_space<vmem>>
      %dma_start3A_148 = tpu.memref_squeeze %dma_start3A_147 : memref<1x128xi32, #tpu.memory_space<vmem>> -> memref<128xi32, #tpu.memory_space<vmem>>
      %dma_start3A_149 = arith.constant 0 : i32
      %dma_start3A_150 = arith.constant 0 : i32
      %dma_start3A_151 = tpu.memref_slice %arg2[%dma_start3A_149, %dma_start3A_150] : memref<10000x128xf32, #tpu.memory_space<hbm>> -> memref<10000x128xf32, #tpu.memory_space<hbm>>
      tpu.enqueue_indirect_dma source(%dma_start3A_151 : memref<10000x128xf32, #tpu.memory_space<hbm>>) target(%arg8 : memref<128x128xf32, #tpu.memory_space<vmem>>) offsets(%dma_start3A_148 : memref<128xi32, #tpu.memory_space<vmem>>) semaphore(%arg10 : memref<!tpu.dma_semaphore, #tpu.memory_space<semaphore_mem>>)
      %dma_wait3A = arith.constant 0 : i32
      %dma_wait3A_152 = tpu.memref_slice %arg6[%scan3A_146, %dma_wait3A] : memref<79x128xi32, #tpu.memory_space<vmem>> -> memref<1x128xi32, #tpu.memory_space<vmem>>
      %dma_wait3A_153 = tpu.memref_squeeze %dma_wait3A_152 : memref<1x128xi32, #tpu.memory_space<vmem>> -> memref<128xi32, #tpu.memory_space<vmem>>
      %dma_wait3A_154 = arith.constant 0 : i32
      %dma_wait3A_155 = arith.constant 0 : i32
      %dma_wait3A_156 = tpu.memref_slice %arg2[%dma_wait3A_154, %dma_wait3A_155] : memref<10000x128xf32, #tpu.memory_space<hbm>> -> memref<10000x128xf32, #tpu.memory_space<hbm>>
      tpu.wait_indirect_dma semaphore(%arg10 : memref<!tpu.dma_semaphore, #tpu.memory_space<semaphore_mem>>) src(%dma_wait3A_156 : memref<10000x128xf32, #tpu.memory_space<hbm>>) dst(%arg8 : memref<128x128xf32, #tpu.memory_space<vmem>>)
      "tpu.region"() ({
        %run_scoped3A = tpu.sem_alloc : memref<!tpu.dma_semaphore, #tpu.memory_space<semaphore_mem>>
        %dma_start3A_157 = arith.constant 0 : i32
        %dma_start3A_158 = tpu.memref_slice %arg7[%scan3A_146, %dma_start3A_157] : memref<79x128xi32, #tpu.memory_space<vmem>> -> memref<1x128xi32, #tpu.memory_space<vmem>>
        %dma_start3A_159 = tpu.memref_squeeze %dma_start3A_158 : memref<1x128xi32, #tpu.memory_space<vmem>> -> memref<128xi32, #tpu.memory_space<vmem>>
        %dma_start3A_160 = arith.constant 0 : i32
        %dma_start3A_161 = arith.constant 0 : i32
        %dma_start3A_162 = tpu.memref_slice %arg9[%dma_start3A_160, %dma_start3A_161] : memref<11264x128xf32, #tpu.memory_space<vmem_shared>> -> memref<11264x128xf32, #tpu.memory_space<vmem_shared>>
        tpu.enqueue_indirect_dma source(%arg8 : memref<128x128xf32, #tpu.memory_space<vmem>>) target(%dma_start3A_162 : memref<11264x128xf32, #tpu.memory_space<vmem_shared>>) offsets(%dma_start3A_159 : memref<128xi32, #tpu.memory_space<vmem>>) semaphore(%run_scoped3A : memref<!tpu.dma_semaphore, #tpu.memory_space<semaphore_mem>>) {add = true}
        %dma_wait3A_163 = arith.constant 0 : i32
        %dma_wait3A_164 = tpu.memref_slice %arg7[%scan3A_146, %dma_wait3A_163] : memref<79x128xi32, #tpu.memory_space<vmem>> -> memref<1x128xi32, #tpu.memory_space<vmem>>
        %dma_wait3A_165 = tpu.memref_squeeze %dma_wait3A_164 : memref<1x128xi32, #tpu.memory_space<vmem>> -> memref<128xi32, #tpu.memory_space<vmem>>
        %dma_wait3A_166 = arith.constant 0 : i32
        %dma_wait3A_167 = arith.constant 0 : i32
        %dma_wait3A_168 = tpu.memref_slice %arg9[%dma_wait3A_166, %dma_wait3A_167] : memref<11264x128xf32, #tpu.memory_space<vmem_shared>> -> memref<11264x128xf32, #tpu.memory_space<vmem_shared>>
        tpu.wait_indirect_dma semaphore(%run_scoped3A : memref<!tpu.dma_semaphore, #tpu.memory_space<semaphore_mem>>) src(%arg8 : memref<128x128xf32, #tpu.memory_space<vmem>>) dst(%dma_wait3A_168 : memref<11264x128xf32, #tpu.memory_space<vmem_shared>>)
        tpu.yield
      }) : () -> ()
    }
    %scan3A_78 = arith.constant 79 : i32
    %barrier3A_79 = arith.constant 0 : index
    tpu.barrier barrier_id(%barrier3A_79)
    %mul3A_80 = arith.constant 11 : i32
    %mul3A_81 = arith.muli %arg1, %mul3A_80 : i32
    %add3A_82 = arith.constant 0 : i32
    %add3A_83 = arith.addi %mul3A_81, %add3A_82 : i32
    %mul3A_84 = arith.constant 64 : i32
    %mul3A_85 = arith.muli %add3A_83, %mul3A_84 : i32
    "tpu.region"() ({
      %run_scoped3A = tpu.sem_alloc : memref<!tpu.dma_semaphore, #tpu.memory_space<semaphore_mem>>
      %dma_start3A = arith.constant 0 : i32
      %dma_start3A_146 = tpu.memref_slice %arg5[%arg0, %mul3A_85, %dma_start3A] : memref<2x11264x128xf32, #tpu.memory_space<hbm>> -> memref<1x64x128xf32, #tpu.memory_space<hbm>>
      %dma_start3A_147 = tpu.memref_squeeze %dma_start3A_146 : memref<1x64x128xf32, #tpu.memory_space<hbm>> -> memref<64x128xf32, #tpu.memory_space<hbm>>
      %dma_start3A_148 = arith.constant 0 : i32
      %dma_start3A_149 = tpu.memref_slice %arg9[%mul3A_85, %dma_start3A_148] : memref<11264x128xf32, #tpu.memory_space<vmem_shared>> -> memref<64x128xf32, #tpu.memory_space<vmem_shared>>
      tpu.enqueue_dma source(%dma_start3A_149 : memref<64x128xf32, #tpu.memory_space<vmem_shared>>) target(%dma_start3A_147 : memref<64x128xf32, #tpu.memory_space<hbm>>) target_semaphore(%run_scoped3A : memref<!tpu.dma_semaphore, #tpu.memory_space<semaphore_mem>>)
      %dma_wait3A = arith.constant 0 : i32
      %dma_wait3A_150 = tpu.memref_slice %arg5[%arg0, %mul3A_85, %dma_wait3A] : memref<2x11264x128xf32, #tpu.memory_space<hbm>> -> memref<1x64x128xf32, #tpu.memory_space<hbm>>
      %dma_wait3A_151 = tpu.memref_squeeze %dma_wait3A_150 : memref<1x64x128xf32, #tpu.memory_space<hbm>> -> memref<64x128xf32, #tpu.memory_space<hbm>>
      %dma_wait3A_152 = arith.constant 0 : i32
      %dma_wait3A_153 = tpu.memref_slice %arg9[%mul3A_85, %dma_wait3A_152] : memref<11264x128xf32, #tpu.memory_space<vmem_shared>> -> memref<64x128xf32, #tpu.memory_space<vmem_shared>>
      tpu.wait_dma2 semaphore(%run_scoped3A : memref<!tpu.dma_semaphore, #tpu.memory_space<semaphore_mem>>) src(%dma_wait3A_153 : memref<64x128xf32, #tpu.memory_space<vmem_shared>>) dst(%dma_wait3A_151 : memref<64x128xf32, #tpu.memory_space<hbm>>)
      tpu.yield
    }) : () -> ()
    %mul3A_86 = arith.constant 11 : i32
    %mul3A_87 = arith.muli %arg1, %mul3A_86 : i32
    %add3A_88 = arith.constant 1 : i32
    %add3A_89 = arith.addi %mul3A_87, %add3A_88 : i32
    %mul3A_90 = arith.constant 64 : i32
    %mul3A_91 = arith.muli %add3A_89, %mul3A_90 : i32
    "tpu.region"() ({
      %run_scoped3A = tpu.sem_alloc : memref<!tpu.dma_semaphore, #tpu.memory_space<semaphore_mem>>
      %dma_start3A = arith.constant 0 : i32
      %dma_start3A_146 = tpu.memref_slice %arg5[%arg0, %mul3A_91, %dma_start3A] : memref<2x11264x128xf32, #tpu.memory_space<hbm>> -> memref<1x64x128xf32, #tpu.memory_space<hbm>>
      %dma_start3A_147 = tpu.memref_squeeze %dma_start3A_146 : memref<1x64x128xf32, #tpu.memory_space<hbm>> -> memref<64x128xf32, #tpu.memory_space<hbm>>
      %dma_start3A_148 = arith.constant 0 : i32
      %dma_start3A_149 = tpu.memref_slice %arg9[%mul3A_91, %dma_start3A_148] : memref<11264x128xf32, #tpu.memory_space<vmem_shared>> -> memref<64x128xf32, #tpu.memory_space<vmem_shared>>
      tpu.enqueue_dma source(%dma_start3A_149 : memref<64x128xf32, #tpu.memory_space<vmem_shared>>) target(%dma_start3A_147 : memref<64x128xf32, #tpu.memory_space<hbm>>) target_semaphore(%run_scoped3A : memref<!tpu.dma_semaphore, #tpu.memory_space<semaphore_mem>>)
      %dma_wait3A = arith.constant 0 : i32
      %dma_wait3A_150 = tpu.memref_slice %arg5[%arg0, %mul3A_91, %dma_wait3A] : memref<2x11264x128xf32, #tpu.memory_space<hbm>> -> memref<1x64x128xf32, #tpu.memory_space<hbm>>
      %dma_wait3A_151 = tpu.memref_squeeze %dma_wait3A_150 : memref<1x64x128xf32, #tpu.memory_space<hbm>> -> memref<64x128xf32, #tpu.memory_space<hbm>>
      %dma_wait3A_152 = arith.constant 0 : i32
      %dma_wait3A_153 = tpu.memref_slice %arg9[%mul3A_91, %dma_wait3A_152] : memref<11264x128xf32, #tpu.memory_space<vmem_shared>> -> memref<64x128xf32, #tpu.memory_space<vmem_shared>>
      tpu.wait_dma2 semaphore(%run_scoped3A : memref<!tpu.dma_semaphore, #tpu.memory_space<semaphore_mem>>) src(%dma_wait3A_153 : memref<64x128xf32, #tpu.memory_space<vmem_shared>>) dst(%dma_wait3A_151 : memref<64x128xf32, #tpu.memory_space<hbm>>)
      tpu.yield
    }) : () -> ()
    %mul3A_92 = arith.constant 11 : i32
    %mul3A_93 = arith.muli %arg1, %mul3A_92 : i32
    %add3A_94 = arith.constant 2 : i32
    %add3A_95 = arith.addi %mul3A_93, %add3A_94 : i32
    %mul3A_96 = arith.constant 64 : i32
    %mul3A_97 = arith.muli %add3A_95, %mul3A_96 : i32
    "tpu.region"() ({
      %run_scoped3A = tpu.sem_alloc : memref<!tpu.dma_semaphore, #tpu.memory_space<semaphore_mem>>
      %dma_start3A = arith.constant 0 : i32
      %dma_start3A_146 = tpu.memref_slice %arg5[%arg0, %mul3A_97, %dma_start3A] : memref<2x11264x128xf32, #tpu.memory_space<hbm>> -> memref<1x64x128xf32, #tpu.memory_space<hbm>>
      %dma_start3A_147 = tpu.memref_squeeze %dma_start3A_146 : memref<1x64x128xf32, #tpu.memory_space<hbm>> -> memref<64x128xf32, #tpu.memory_space<hbm>>
      %dma_start3A_148 = arith.constant 0 : i32
      %dma_start3A_149 = tpu.memref_slice %arg9[%mul3A_97, %dma_start3A_148] : memref<11264x128xf32, #tpu.memory_space<vmem_shared>> -> memref<64x128xf32, #tpu.memory_space<vmem_shared>>
      tpu.enqueue_dma source(%dma_start3A_149 : memref<64x128xf32, #tpu.memory_space<vmem_shared>>) target(%dma_start3A_147 : memref<64x128xf32, #tpu.memory_space<hbm>>) target_semaphore(%run_scoped3A : memref<!tpu.dma_semaphore, #tpu.memory_space<semaphore_mem>>)
      %dma_wait3A = arith.constant 0 : i32
      %dma_wait3A_150 = tpu.memref_slice %arg5[%arg0, %mul3A_97, %dma_wait3A] : memref<2x11264x128xf32, #tpu.memory_space<hbm>> -> memref<1x64x128xf32, #tpu.memory_space<hbm>>
      %dma_wait3A_151 = tpu.memref_squeeze %dma_wait3A_150 : memref<1x64x128xf32, #tpu.memory_space<hbm>> -> memref<64x128xf32, #tpu.memory_space<hbm>>
      %dma_wait3A_152 = arith.constant 0 : i32
      %dma_wait3A_153 = tpu.memref_slice %arg9[%mul3A_97, %dma_wait3A_152] : memref<11264x128xf32, #tpu.memory_space<vmem_shared>> -> memref<64x128xf32, #tpu.memory_space<vmem_shared>>
      tpu.wait_dma2 semaphore(%run_scoped3A : memref<!tpu.dma_semaphore, #tpu.memory_space<semaphore_mem>>) src(%dma_wait3A_153 : memref<64x128xf32, #tpu.memory_space<vmem_shared>>) dst(%dma_wait3A_151 : memref<64x128xf32, #tpu.memory_space<hbm>>)
      tpu.yield
    }) : () -> ()
    %mul3A_98 = arith.constant 11 : i32
    %mul3A_99 = arith.muli %arg1, %mul3A_98 : i32
    %add3A_100 = arith.constant 3 : i32
    %add3A_101 = arith.addi %mul3A_99, %add3A_100 : i32
    %mul3A_102 = arith.constant 64 : i32
    %mul3A_103 = arith.muli %add3A_101, %mul3A_102 : i32
    "tpu.region"() ({
      %run_scoped3A = tpu.sem_alloc : memref<!tpu.dma_semaphore, #tpu.memory_space<semaphore_mem>>
      %dma_start3A = arith.constant 0 : i32
      %dma_start3A_146 = tpu.memref_slice %arg5[%arg0, %mul3A_103, %dma_start3A] : memref<2x11264x128xf32, #tpu.memory_space<hbm>> -> memref<1x64x128xf32, #tpu.memory_space<hbm>>
      %dma_start3A_147 = tpu.memref_squeeze %dma_start3A_146 : memref<1x64x128xf32, #tpu.memory_space<hbm>> -> memref<64x128xf32, #tpu.memory_space<hbm>>
      %dma_start3A_148 = arith.constant 0 : i32
      %dma_start3A_149 = tpu.memref_slice %arg9[%mul3A_103, %dma_start3A_148] : memref<11264x128xf32, #tpu.memory_space<vmem_shared>> -> memref<64x128xf32, #tpu.memory_space<vmem_shared>>
      tpu.enqueue_dma source(%dma_start3A_149 : memref<64x128xf32, #tpu.memory_space<vmem_shared>>) target(%dma_start3A_147 : memref<64x128xf32, #tpu.memory_space<hbm>>) target_semaphore(%run_scoped3A : memref<!tpu.dma_semaphore, #tpu.memory_space<semaphore_mem>>)
      %dma_wait3A = arith.constant 0 : i32
      %dma_wait3A_150 = tpu.memref_slice %arg5[%arg0, %mul3A_103, %dma_wait3A] : memref<2x11264x128xf32, #tpu.memory_space<hbm>> -> memref<1x64x128xf32, #tpu.memory_space<hbm>>
      %dma_wait3A_151 = tpu.memref_squeeze %dma_wait3A_150 : memref<1x64x128xf32, #tpu.memory_space<hbm>> -> memref<64x128xf32, #tpu.memory_space<hbm>>
      %dma_wait3A_152 = arith.constant 0 : i32
      %dma_wait3A_153 = tpu.memref_slice %arg9[%mul3A_103, %dma_wait3A_152] : memref<11264x128xf32, #tpu.memory_space<vmem_shared>> -> memref<64x128xf32, #tpu.memory_space<vmem_shared>>
      tpu.wait_dma2 semaphore(%run_scoped3A : memref<!tpu.dma_semaphore, #tpu.memory_space<semaphore_mem>>) src(%dma_wait3A_153 : memref<64x128xf32, #tpu.memory_space<vmem_shared>>) dst(%dma_wait3A_151 : memref<64x128xf32, #tpu.memory_space<hbm>>)
      tpu.yield
    }) : () -> ()
    %mul3A_104 = arith.constant 11 : i32
    %mul3A_105 = arith.muli %arg1, %mul3A_104 : i32
    %add3A_106 = arith.constant 4 : i32
    %add3A_107 = arith.addi %mul3A_105, %add3A_106 : i32
    %mul3A_108 = arith.constant 64 : i32
    %mul3A_109 = arith.muli %add3A_107, %mul3A_108 : i32
    "tpu.region"() ({
      %run_scoped3A = tpu.sem_alloc : memref<!tpu.dma_semaphore, #tpu.memory_space<semaphore_mem>>
      %dma_start3A = arith.constant 0 : i32
      %dma_start3A_146 = tpu.memref_slice %arg5[%arg0, %mul3A_109, %dma_start3A] : memref<2x11264x128xf32, #tpu.memory_space<hbm>> -> memref<1x64x128xf32, #tpu.memory_space<hbm>>
      %dma_start3A_147 = tpu.memref_squeeze %dma_start3A_146 : memref<1x64x128xf32, #tpu.memory_space<hbm>> -> memref<64x128xf32, #tpu.memory_space<hbm>>
      %dma_start3A_148 = arith.constant 0 : i32
      %dma_start3A_149 = tpu.memref_slice %arg9[%mul3A_109, %dma_start3A_148] : memref<11264x128xf32, #tpu.memory_space<vmem_shared>> -> memref<64x128xf32, #tpu.memory_space<vmem_shared>>
      tpu.enqueue_dma source(%dma_start3A_149 : memref<64x128xf32, #tpu.memory_space<vmem_shared>>) target(%dma_start3A_147 : memref<64x128xf32, #tpu.memory_space<hbm>>) target_semaphore(%run_scoped3A : memref<!tpu.dma_semaphore, #tpu.memory_space<semaphore_mem>>)
      %dma_wait3A = arith.constant 0 : i32
      %dma_wait3A_150 = tpu.memref_slice %arg5[%arg0, %mul3A_109, %dma_wait3A] : memref<2x11264x128xf32, #tpu.memory_space<hbm>> -> memref<1x64x128xf32, #tpu.memory_space<hbm>>
      %dma_wait3A_151 = tpu.memref_squeeze %dma_wait3A_150 : memref<1x64x128xf32, #tpu.memory_space<hbm>> -> memref<64x128xf32, #tpu.memory_space<hbm>>
      %dma_wait3A_152 = arith.constant 0 : i32
      %dma_wait3A_153 = tpu.memref_slice %arg9[%mul3A_109, %dma_wait3A_152] : memref<11264x128xf32, #tpu.memory_space<vmem_shared>> -> memref<64x128xf32, #tpu.memory_space<vmem_shared>>
      tpu.wait_dma2 semaphore(%run_scoped3A : memref<!tpu.dma_semaphore, #tpu.memory_space<semaphore_mem>>) src(%dma_wait3A_153 : memref<64x128xf32, #tpu.memory_space<vmem_shared>>) dst(%dma_wait3A_151 : memref<64x128xf32, #tpu.memory_space<hbm>>)
      tpu.yield
    }) : () -> ()
    %mul3A_110 = arith.constant 11 : i32
    %mul3A_111 = arith.muli %arg1, %mul3A_110 : i32
    %add3A_112 = arith.constant 5 : i32
    %add3A_113 = arith.addi %mul3A_111, %add3A_112 : i32
    %mul3A_114 = arith.constant 64 : i32
    %mul3A_115 = arith.muli %add3A_113, %mul3A_114 : i32
    "tpu.region"() ({
      %run_scoped3A = tpu.sem_alloc : memref<!tpu.dma_semaphore, #tpu.memory_space<semaphore_mem>>
      %dma_start3A = arith.constant 0 : i32
      %dma_start3A_146 = tpu.memref_slice %arg5[%arg0, %mul3A_115, %dma_start3A] : memref<2x11264x128xf32, #tpu.memory_space<hbm>> -> memref<1x64x128xf32, #tpu.memory_space<hbm>>
      %dma_start3A_147 = tpu.memref_squeeze %dma_start3A_146 : memref<1x64x128xf32, #tpu.memory_space<hbm>> -> memref<64x128xf32, #tpu.memory_space<hbm>>
      %dma_start3A_148 = arith.constant 0 : i32
      %dma_start3A_149 = tpu.memref_slice %arg9[%mul3A_115, %dma_start3A_148] : memref<11264x128xf32, #tpu.memory_space<vmem_shared>> -> memref<64x128xf32, #tpu.memory_space<vmem_shared>>
      tpu.enqueue_dma source(%dma_start3A_149 : memref<64x128xf32, #tpu.memory_space<vmem_shared>>) target(%dma_start3A_147 : memref<64x128xf32, #tpu.memory_space<hbm>>) target_semaphore(%run_scoped3A : memref<!tpu.dma_semaphore, #tpu.memory_space<semaphore_mem>>)
      %dma_wait3A = arith.constant 0 : i32
      %dma_wait3A_150 = tpu.memref_slice %arg5[%arg0, %mul3A_115, %dma_wait3A] : memref<2x11264x128xf32, #tpu.memory_space<hbm>> -> memref<1x64x128xf32, #tpu.memory_space<hbm>>
      %dma_wait3A_151 = tpu.memref_squeeze %dma_wait3A_150 : memref<1x64x128xf32, #tpu.memory_space<hbm>> -> memref<64x128xf32, #tpu.memory_space<hbm>>
      %dma_wait3A_152 = arith.constant 0 : i32
      %dma_wait3A_153 = tpu.memref_slice %arg9[%mul3A_115, %dma_wait3A_152] : memref<11264x128xf32, #tpu.memory_space<vmem_shared>> -> memref<64x128xf32, #tpu.memory_space<vmem_shared>>
      tpu.wait_dma2 semaphore(%run_scoped3A : memref<!tpu.dma_semaphore, #tpu.memory_space<semaphore_mem>>) src(%dma_wait3A_153 : memref<64x128xf32, #tpu.memory_space<vmem_shared>>) dst(%dma_wait3A_151 : memref<64x128xf32, #tpu.memory_space<hbm>>)
      tpu.yield
    }) : () -> ()
    %mul3A_116 = arith.constant 11 : i32
    %mul3A_117 = arith.muli %arg1, %mul3A_116 : i32
    %add3A_118 = arith.constant 6 : i32
    %add3A_119 = arith.addi %mul3A_117, %add3A_118 : i32
    %mul3A_120 = arith.constant 64 : i32
    %mul3A_121 = arith.muli %add3A_119, %mul3A_120 : i32
    "tpu.region"() ({
      %run_scoped3A = tpu.sem_alloc : memref<!tpu.dma_semaphore, #tpu.memory_space<semaphore_mem>>
      %dma_start3A = arith.constant 0 : i32
      %dma_start3A_146 = tpu.memref_slice %arg5[%arg0, %mul3A_121, %dma_start3A] : memref<2x11264x128xf32, #tpu.memory_space<hbm>> -> memref<1x64x128xf32, #tpu.memory_space<hbm>>
      %dma_start3A_147 = tpu.memref_squeeze %dma_start3A_146 : memref<1x64x128xf32, #tpu.memory_space<hbm>> -> memref<64x128xf32, #tpu.memory_space<hbm>>
      %dma_start3A_148 = arith.constant 0 : i32
      %dma_start3A_149 = tpu.memref_slice %arg9[%mul3A_121, %dma_start3A_148] : memref<11264x128xf32, #tpu.memory_space<vmem_shared>> -> memref<64x128xf32, #tpu.memory_space<vmem_shared>>
      tpu.enqueue_dma source(%dma_start3A_149 : memref<64x128xf32, #tpu.memory_space<vmem_shared>>) target(%dma_start3A_147 : memref<64x128xf32, #tpu.memory_space<hbm>>) target_semaphore(%run_scoped3A : memref<!tpu.dma_semaphore, #tpu.memory_space<semaphore_mem>>)
      %dma_wait3A = arith.constant 0 : i32
      %dma_wait3A_150 = tpu.memref_slice %arg5[%arg0, %mul3A_121, %dma_wait3A] : memref<2x11264x128xf32, #tpu.memory_space<hbm>> -> memref<1x64x128xf32, #tpu.memory_space<hbm>>
      %dma_wait3A_151 = tpu.memref_squeeze %dma_wait3A_150 : memref<1x64x128xf32, #tpu.memory_space<hbm>> -> memref<64x128xf32, #tpu.memory_space<hbm>>
      %dma_wait3A_152 = arith.constant 0 : i32
      %dma_wait3A_153 = tpu.memref_slice %arg9[%mul3A_121, %dma_wait3A_152] : memref<11264x128xf32, #tpu.memory_space<vmem_shared>> -> memref<64x128xf32, #tpu.memory_space<vmem_shared>>
      tpu.wait_dma2 semaphore(%run_scoped3A : memref<!tpu.dma_semaphore, #tpu.memory_space<semaphore_mem>>) src(%dma_wait3A_153 : memref<64x128xf32, #tpu.memory_space<vmem_shared>>) dst(%dma_wait3A_151 : memref<64x128xf32, #tpu.memory_space<hbm>>)
      tpu.yield
    }) : () -> ()
    %mul3A_122 = arith.constant 11 : i32
    %mul3A_123 = arith.muli %arg1, %mul3A_122 : i32
    %add3A_124 = arith.constant 7 : i32
    %add3A_125 = arith.addi %mul3A_123, %add3A_124 : i32
    %mul3A_126 = arith.constant 64 : i32
    %mul3A_127 = arith.muli %add3A_125, %mul3A_126 : i32
    "tpu.region"() ({
      %run_scoped3A = tpu.sem_alloc : memref<!tpu.dma_semaphore, #tpu.memory_space<semaphore_mem>>
      %dma_start3A = arith.constant 0 : i32
      %dma_start3A_146 = tpu.memref_slice %arg5[%arg0, %mul3A_127, %dma_start3A] : memref<2x11264x128xf32, #tpu.memory_space<hbm>> -> memref<1x64x128xf32, #tpu.memory_space<hbm>>
      %dma_start3A_147 = tpu.memref_squeeze %dma_start3A_146 : memref<1x64x128xf32, #tpu.memory_space<hbm>> -> memref<64x128xf32, #tpu.memory_space<hbm>>
      %dma_start3A_148 = arith.constant 0 : i32
      %dma_start3A_149 = tpu.memref_slice %arg9[%mul3A_127, %dma_start3A_148] : memref<11264x128xf32, #tpu.memory_space<vmem_shared>> -> memref<64x128xf32, #tpu.memory_space<vmem_shared>>
      tpu.enqueue_dma source(%dma_start3A_149 : memref<64x128xf32, #tpu.memory_space<vmem_shared>>) target(%dma_start3A_147 : memref<64x128xf32, #tpu.memory_space<hbm>>) target_semaphore(%run_scoped3A : memref<!tpu.dma_semaphore, #tpu.memory_space<semaphore_mem>>)
      %dma_wait3A = arith.constant 0 : i32
      %dma_wait3A_150 = tpu.memref_slice %arg5[%arg0, %mul3A_127, %dma_wait3A] : memref<2x11264x128xf32, #tpu.memory_space<hbm>> -> memref<1x64x128xf32, #tpu.memory_space<hbm>>
      %dma_wait3A_151 = tpu.memref_squeeze %dma_wait3A_150 : memref<1x64x128xf32, #tpu.memory_space<hbm>> -> memref<64x128xf32, #tpu.memory_space<hbm>>
      %dma_wait3A_152 = arith.constant 0 : i32
      %dma_wait3A_153 = tpu.memref_slice %arg9[%mul3A_127, %dma_wait3A_152] : memref<11264x128xf32, #tpu.memory_space<vmem_shared>> -> memref<64x128xf32, #tpu.memory_space<vmem_shared>>
      tpu.wait_dma2 semaphore(%run_scoped3A : memref<!tpu.dma_semaphore, #tpu.memory_space<semaphore_mem>>) src(%dma_wait3A_153 : memref<64x128xf32, #tpu.memory_space<vmem_shared>>) dst(%dma_wait3A_151 : memref<64x128xf32, #tpu.memory_space<hbm>>)
      tpu.yield
    }) : () -> ()
    %mul3A_128 = arith.constant 11 : i32
    %mul3A_129 = arith.muli %arg1, %mul3A_128 : i32
    %add3A_130 = arith.constant 8 : i32
    %add3A_131 = arith.addi %mul3A_129, %add3A_130 : i32
    %mul3A_132 = arith.constant 64 : i32
    %mul3A_133 = arith.muli %add3A_131, %mul3A_132 : i32
    "tpu.region"() ({
      %run_scoped3A = tpu.sem_alloc : memref<!tpu.dma_semaphore, #tpu.memory_space<semaphore_mem>>
      %dma_start3A = arith.constant 0 : i32
      %dma_start3A_146 = tpu.memref_slice %arg5[%arg0, %mul3A_133, %dma_start3A] : memref<2x11264x128xf32, #tpu.memory_space<hbm>> -> memref<1x64x128xf32, #tpu.memory_space<hbm>>
      %dma_start3A_147 = tpu.memref_squeeze %dma_start3A_146 : memref<1x64x128xf32, #tpu.memory_space<hbm>> -> memref<64x128xf32, #tpu.memory_space<hbm>>
      %dma_start3A_148 = arith.constant 0 : i32
      %dma_start3A_149 = tpu.memref_slice %arg9[%mul3A_133, %dma_start3A_148] : memref<11264x128xf32, #tpu.memory_space<vmem_shared>> -> memref<64x128xf32, #tpu.memory_space<vmem_shared>>
      tpu.enqueue_dma source(%dma_start3A_149 : memref<64x128xf32, #tpu.memory_space<vmem_shared>>) target(%dma_start3A_147 : memref<64x128xf32, #tpu.memory_space<hbm>>) target_semaphore(%run_scoped3A : memref<!tpu.dma_semaphore, #tpu.memory_space<semaphore_mem>>)
      %dma_wait3A = arith.constant 0 : i32
      %dma_wait3A_150 = tpu.memref_slice %arg5[%arg0, %mul3A_133, %dma_wait3A] : memref<2x11264x128xf32, #tpu.memory_space<hbm>> -> memref<1x64x128xf32, #tpu.memory_space<hbm>>
      %dma_wait3A_151 = tpu.memref_squeeze %dma_wait3A_150 : memref<1x64x128xf32, #tpu.memory_space<hbm>> -> memref<64x128xf32, #tpu.memory_space<hbm>>
      %dma_wait3A_152 = arith.constant 0 : i32
      %dma_wait3A_153 = tpu.memref_slice %arg9[%mul3A_133, %dma_wait3A_152] : memref<11264x128xf32, #tpu.memory_space<vmem_shared>> -> memref<64x128xf32, #tpu.memory_space<vmem_shared>>
      tpu.wait_dma2 semaphore(%run_scoped3A : memref<!tpu.dma_semaphore, #tpu.memory_space<semaphore_mem>>) src(%dma_wait3A_153 : memref<64x128xf32, #tpu.memory_space<vmem_shared>>) dst(%dma_wait3A_151 : memref<64x128xf32, #tpu.memory_space<hbm>>)
      tpu.yield
    }) : () -> ()
    %mul3A_134 = arith.constant 11 : i32
    %mul3A_135 = arith.muli %arg1, %mul3A_134 : i32
    %add3A_136 = arith.constant 9 : i32
    %add3A_137 = arith.addi %mul3A_135, %add3A_136 : i32
    %mul3A_138 = arith.constant 64 : i32
    %mul3A_139 = arith.muli %add3A_137, %mul3A_138 : i32
    "tpu.region"() ({
      %run_scoped3A = tpu.sem_alloc : memref<!tpu.dma_semaphore, #tpu.memory_space<semaphore_mem>>
      %dma_start3A = arith.constant 0 : i32
      %dma_start3A_146 = tpu.memref_slice %arg5[%arg0, %mul3A_139, %dma_start3A] : memref<2x11264x128xf32, #tpu.memory_space<hbm>> -> memref<1x64x128xf32, #tpu.memory_space<hbm>>
      %dma_start3A_147 = tpu.memref_squeeze %dma_start3A_146 : memref<1x64x128xf32, #tpu.memory_space<hbm>> -> memref<64x128xf32, #tpu.memory_space<hbm>>
      %dma_start3A_148 = arith.constant 0 : i32
      %dma_start3A_149 = tpu.memref_slice %arg9[%mul3A_139, %dma_start3A_148] : memref<11264x128xf32, #tpu.memory_space<vmem_shared>> -> memref<64x128xf32, #tpu.memory_space<vmem_shared>>
      tpu.enqueue_dma source(%dma_start3A_149 : memref<64x128xf32, #tpu.memory_space<vmem_shared>>) target(%dma_start3A_147 : memref<64x128xf32, #tpu.memory_space<hbm>>) target_semaphore(%run_scoped3A : memref<!tpu.dma_semaphore, #tpu.memory_space<semaphore_mem>>)
      %dma_wait3A = arith.constant 0 : i32
      %dma_wait3A_150 = tpu.memref_slice %arg5[%arg0, %mul3A_139, %dma_wait3A] : memref<2x11264x128xf32, #tpu.memory_space<hbm>> -> memref<1x64x128xf32, #tpu.memory_space<hbm>>
      %dma_wait3A_151 = tpu.memref_squeeze %dma_wait3A_150 : memref<1x64x128xf32, #tpu.memory_space<hbm>> -> memref<64x128xf32, #tpu.memory_space<hbm>>
      %dma_wait3A_152 = arith.constant 0 : i32
      %dma_wait3A_153 = tpu.memref_slice %arg9[%mul3A_139, %dma_wait3A_152] : memref<11264x128xf32, #tpu.memory_space<vmem_shared>> -> memref<64x128xf32, #tpu.memory_space<vmem_shared>>
      tpu.wait_dma2 semaphore(%run_scoped3A : memref<!tpu.dma_semaphore, #tpu.memory_space<semaphore_mem>>) src(%dma_wait3A_153 : memref<64x128xf32, #tpu.memory_space<vmem_shared>>) dst(%dma_wait3A_151 : memref<64x128xf32, #tpu.memory_space<hbm>>)
      tpu.yield
    }) : () -> ()
    %mul3A_140 = arith.constant 11 : i32
    %mul3A_141 = arith.muli %arg1, %mul3A_140 : i32
    %add3A_142 = arith.constant 10 : i32
    %add3A_143 = arith.addi %mul3A_141, %add3A_142 : i32
    %mul3A_144 = arith.constant 64 : i32
    %mul3A_145 = arith.muli %add3A_143, %mul3A_144 : i32
    "tpu.region"() ({
      %run_scoped3A = tpu.sem_alloc : memref<!tpu.dma_semaphore, #tpu.memory_space<semaphore_mem>>
      %dma_start3A = arith.constant 0 : i32
      %dma_start3A_146 = tpu.memref_slice %arg5[%arg0, %mul3A_145, %dma_start3A] : memref<2x11264x128xf32, #tpu.memory_space<hbm>> -> memref<1x64x128xf32, #tpu.memory_space<hbm>>
      %dma_start3A_147 = tpu.memref_squeeze %dma_start3A_146 : memref<1x64x128xf32, #tpu.memory_space<hbm>> -> memref<64x128xf32, #tpu.memory_space<hbm>>
      %dma_start3A_148 = arith.constant 0 : i32
      %dma_start3A_149 = tpu.memref_slice %arg9[%mul3A_145, %dma_start3A_148] : memref<11264x128xf32, #tpu.memory_space<vmem_shared>> -> memref<64x128xf32, #tpu.memory_space<vmem_shared>>
      tpu.enqueue_dma source(%dma_start3A_149 : memref<64x128xf32, #tpu.memory_space<vmem_shared>>) target(%dma_start3A_147 : memref<64x128xf32, #tpu.memory_space<hbm>>) target_semaphore(%run_scoped3A : memref<!tpu.dma_semaphore, #tpu.memory_space<semaphore_mem>>)
      %dma_wait3A = arith.constant 0 : i32
      %dma_wait3A_150 = tpu.memref_slice %arg5[%arg0, %mul3A_145, %dma_wait3A] : memref<2x11264x128xf32, #tpu.memory_space<hbm>> -> memref<1x64x128xf32, #tpu.memory_space<hbm>>
      %dma_wait3A_151 = tpu.memref_squeeze %dma_wait3A_150 : memref<1x64x128xf32, #tpu.memory_space<hbm>> -> memref<64x128xf32, #tpu.memory_space<hbm>>
      %dma_wait3A_152 = arith.constant 0 : i32
      %dma_wait3A_153 = tpu.memref_slice %arg9[%mul3A_145, %dma_wait3A_152] : memref<11264x128xf32, #tpu.memory_space<vmem_shared>> -> memref<64x128xf32, #tpu.memory_space<vmem_shared>>
      tpu.wait_dma2 semaphore(%run_scoped3A : memref<!tpu.dma_semaphore, #tpu.memory_space<semaphore_mem>>) src(%dma_wait3A_153 : memref<64x128xf32, #tpu.memory_space<vmem_shared>>) dst(%dma_wait3A_151 : memref<64x128xf32, #tpu.memory_space<hbm>>)
      tpu.yield
    }) : () -> ()
    return
  }
}

#map = affine_map<(d0, d1) -> (0, 0)>
#map1 = affine_map<(d0, d1) -> (0, 0, 0)>
module attributes {stable_mosaic.version = 14 : i64} {
  func.func @k(%arg0: i32, %arg1: i32, %arg2: memref<10000x128xf32, #tpu.memory_space<hbm>>, %arg3: memref<32x79x128xi32, #tpu.memory_space<hbm>>, %arg4: memref<32x79x128xi32, #tpu.memory_space<hbm>>, %arg5: memref<2x11264x128xf32, #tpu.memory_space<hbm>>, %arg6: memref<79x128xi32, #tpu.memory_space<vmem>>, %arg7: memref<79x128xi32, #tpu.memory_space<vmem>>, %arg8: memref<128x128xf32, #tpu.memory_space<vmem>>, %arg9: memref<11264x128xf32, #tpu.memory_space<vmem_shared>>, %arg10: memref<!tpu.dma_semaphore, #tpu.memory_space<semaphore_mem>>) attributes {dimension_semantics = [#tpu.dimension_semantics<core_parallel>, #tpu.dimension_semantics<subcore_parallel>], iteration_bounds = array<i64: 2, 16>, scalar_prefetch = 0 : i64, scratch_operands = 5 : i64, tpu.core_type = #tpu.core_type<sc_vector_subcore>, window_params = [{transform_indices = #map}, {transform_indices = #map1}, {transform_indices = #map1}, {transform_indices = #map1}]} {
    %mul3A = arith.constant 16 : i32
    %mul3A_0 = arith.muli %arg0, %mul3A : i32
    %add3A = arith.addi %mul3A_0, %arg1 : i32
    %broadcast_in_dim3A = arith.constant 0.000000e+00 : f32
    %broadcast_in_dim3A_1 = vector.broadcast %broadcast_in_dim3A : f32 to vector<16xf32>
    %scan3A = arith.constant 0 : i32
    %scan3A_2 = arith.constant 0 : i32
    %scan3A_3 = arith.constant 1024 : i32
    %scan3A_4 = arith.addi %scan3A_2, %scan3A_3 : i32
    %scan3A_5 = arith.constant 1 : i32
    scf.for %scan3A_146 = %scan3A_2 to %scan3A_4 step %scan3A_5  : i32 {
      %jit3A = arith.constant 8 : i32
      %div3A = arith.divsi %scan3A_146, %jit3A : i32
      %sign3A = arith.constant 0 : i32
      %sign3A_147 = arith.cmpi sgt, %scan3A_146, %sign3A : i32
      %sign3A_148 = arith.extui %sign3A_147 : i1 to i32
      %sign3A_149 = arith.constant 0 : i32
      %sign3A_150 = arith.cmpi slt, %scan3A_146, %sign3A_149 : i32
      %sign3A_151 = arith.extui %sign3A_150 : i1 to i32
      %sign3A_152 = arith.subi %sign3A_148, %sign3A_151 : i32
      %sign3A_153 = arith.constant 0 : i32
      %sign3A_154 = arith.cmpi sgt, %jit3A, %sign3A_153 : i32
      %sign3A_155 = arith.extui %sign3A_154 : i1 to i32
      %sign3A_156 = arith.constant 0 : i32
      %sign3A_157 = arith.cmpi slt, %jit3A, %sign3A_156 : i32
      %sign3A_158 = arith.extui %sign3A_157 : i1 to i32
      %sign3A_159 = arith.subi %sign3A_155, %sign3A_158 : i32
      %ne3A = arith.cmpi ne, %sign3A_152, %sign3A_159 : i32
      %rem3A = arith.remsi %scan3A_146, %jit3A : i32
      %ne3A_160 = arith.constant 0 : i32
      %ne3A_161 = arith.cmpi ne, %rem3A, %ne3A_160 : i32
      %and3A = arith.andi %ne3A, %ne3A_161 : i1
      %sub3A = arith.constant 1 : i32
      %sub3A_162 = arith.subi %div3A, %sub3A : i32
      %select_n3A = arith.select %and3A, %sub3A_162, %div3A : i32
      %jit3A_163 = arith.constant 8 : i32
      %eq3A = arith.constant 0 : i32
      %eq3A_164 = arith.cmpi eq, %jit3A_163, %eq3A : i32
      %jit3A_165 = arith.constant 1 : i32
      %select_n3A_166 = arith.select %eq3A_164, %jit3A_165, %jit3A_163 : i32
      %rem3A_167 = arith.remsi %scan3A_146, %select_n3A_166 : i32
      %ne3A_168 = arith.constant 0 : i32
      %ne3A_169 = arith.cmpi ne, %rem3A_167, %ne3A_168 : i32
      %lt3A = arith.constant 0 : i32
      %lt3A_170 = arith.cmpi slt, %rem3A_167, %lt3A : i32
      %lt3A_171 = arith.constant 0 : i32
      %lt3A_172 = arith.cmpi slt, %select_n3A_166, %lt3A_171 : i32
      %ne3A_173 = arith.xori %lt3A_170, %lt3A_172 : i1
      %and3A_174 = arith.andi %ne3A_173, %ne3A_169 : i1
      %add3A_175 = arith.addi %rem3A_167, %select_n3A_166 : i32
      %select_n3A_176 = arith.select %and3A_174, %add3A_175, %rem3A_167 : i32
      %mul3A_177 = arith.constant 16 : i32
      %mul3A_178 = arith.muli %select_n3A_176, %mul3A_177 : i32
      %swap3A = arith.index_cast %select_n3A : i32 to index
      %swap3A_179 = arith.index_cast %mul3A_178 : i32 to index
      %swap3A_180 = tpu.vector_load %arg8[%swap3A, %swap3A_179] {strides = array<i32>} : memref<128x128xf32, #tpu.memory_space<vmem>>, vector<1x16xf32>,
      %swap3A_181 = vector.shape_cast %swap3A_180 : vector<1x16xf32> to vector<16xf32>
      %swap3A_182 = vector.shape_cast %broadcast_in_dim3A_1 : vector<16xf32> to vector<1x16xf32>
      tpu.vector_store %arg8[%swap3A, %swap3A_179], %swap3A_182 {strides = array<i32>} : memref<128x128xf32, #tpu.memory_space<vmem>>, vector<1x16xf32>,
    }
    %scan3A_6 = arith.constant 1024 : i32
    %mul3A_7 = arith.constant 11 : i32
    %mul3A_8 = arith.muli %arg1, %mul3A_7 : i32
    %add3A_9 = arith.constant 0 : i32
    %add3A_10 = arith.addi %mul3A_8, %add3A_9 : i32
    %mul3A_11 = arith.constant 64 : i32
    %mul3A_12 = arith.muli %add3A_10, %mul3A_11 : i32
    "tpu.region"() ({
      %run_scoped3A = tpu.sem_alloc : memref<!tpu.dma_semaphore, #tpu.memory_space<semaphore_mem>>
      %dma_start3A = arith.constant 0 : i32
      %dma_start3A_146 = arith.constant 0 : i32
      %dma_start3A_147 = tpu.memref_slice %arg8[%dma_start3A, %dma_start3A_146] : memref<128x128xf32, #tpu.memory_space<vmem>> -> memref<64x128xf32, #tpu.memory_space<vmem>>
      %dma_start3A_148 = arith.constant 0 : i32
      %dma_start3A_149 = tpu.memref_slice %arg9[%mul3A_12, %dma_start3A_148] : memref<11264x128xf32, #tpu.memory_space<vmem_shared>> -> memref<64x128xf32, #tpu.memory_space<vmem_shared>>
      %dma_start3A_150 = arith.constant 0 : i32
      %dma_start3A_151 = tpu.memref_slice %arg9[%mul3A_12, %dma_start3A_150] : memref<11264x128xf32, #tpu.memory_space<vmem_shared>> -> memref<64x128xf32, #tpu.memory_space<vmem_shared>>
      %dma_start3A_152 = arith.constant 0 : i32
      %dma_start3A_153 = arith.constant 0 : i32
      %dma_start3A_154 = tpu.memref_slice %arg8[%dma_start3A_152, %dma_start3A_153] : memref<128x128xf32, #tpu.memory_space<vmem>> -> memref<64x128xf32, #tpu.memory_space<vmem>>
      tpu.enqueue_dma source(%dma_start3A_154 : memref<64x128xf32, #tpu.memory_space<vmem>>) target(%dma_start3A_151 : memref<64x128xf32, #tpu.memory_space<vmem_shared>>) target_semaphore(%run_scoped3A : memref<!tpu.dma_semaphore, #tpu.memory_space<semaphore_mem>>)
      %dma_wait3A = arith.constant 0 : i32
      %dma_wait3A_155 = arith.constant 0 : i32
      %dma_wait3A_156 = tpu.memref_slice %arg8[%dma_wait3A, %dma_wait3A_155] : memref<128x128xf32, #tpu.memory_space<vmem>> -> memref<64x128xf32, #tpu.memory_space<vmem>>
      %dma_wait3A_157 = arith.constant 0 : i32
      %dma_wait3A_158 = tpu.memref_slice %arg9[%mul3A_12, %dma_wait3A_157] : memref<11264x128xf32, #tpu.memory_space<vmem_shared>> -> memref<64x128xf32, #tpu.memory_space<vmem_shared>>
      %dma_wait3A_159 = arith.constant 0 : i32
      %dma_wait3A_160 = tpu.memref_slice %arg9[%mul3A_12, %dma_wait3A_159] : memref<11264x128xf32, #tpu.memory_space<vmem_shared>> -> memref<64x128xf32, #tpu.memory_space<vmem_shared>>
      %dma_wait3A_161 = arith.constant 0 : i32
      %dma_wait3A_162 = arith.constant 0 : i32
      %dma_wait3A_163 = tpu.memref_slice %arg8[%dma_wait3A_161, %dma_wait3A_162] : memref<128x128xf32, #tpu.memory_space<vmem>> -> memref<64x128xf32, #tpu.memory_space<vmem>>
      tpu.wait_dma2 semaphore(%run_scoped3A : memref<!tpu.dma_semaphore, #tpu.memory_space<semaphore_mem>>) src(%dma_wait3A_163 : memref<64x128xf32, #tpu.memory_space<vmem>>) dst(%dma_wait3A_160 : memref<64x128xf32, #tpu.memory_space<vmem_shared>>)
      tpu.yield
    }) : () -> ()
    %mul3A_13 = arith.constant 11 : i32
    %mul3A_14 = arith.muli %arg1, %mul3A_13 : i32
    %add3A_15 = arith.constant 1 : i32
    %add3A_16 = arith.addi %mul3A_14, %add3A_15 : i32
    %mul3A_17 = arith.constant 64 : i32
    %mul3A_18 = arith.muli %add3A_16, %mul3A_17 : i32
    "tpu.region"() ({
      %run_scoped3A = tpu.sem_alloc : memref<!tpu.dma_semaphore, #tpu.memory_space<semaphore_mem>>
      %dma_start3A = arith.constant 0 : i32
      %dma_start3A_146 = arith.constant 0 : i32
      %dma_start3A_147 = tpu.memref_slice %arg8[%dma_start3A, %dma_start3A_146] : memref<128x128xf32, #tpu.memory_space<vmem>> -> memref<64x128xf32, #tpu.memory_space<vmem>>
      %dma_start3A_148 = arith.constant 0 : i32
      %dma_start3A_149 = tpu.memref_slice %arg9[%mul3A_18, %dma_start3A_148] : memref<11264x128xf32, #tpu.memory_space<vmem_shared>> -> memref<64x128xf32, #tpu.memory_space<vmem_shared>>
      %dma_start3A_150 = arith.constant 0 : i32
      %dma_start3A_151 = tpu.memref_slice %arg9[%mul3A_18, %dma_start3A_150] : memref<11264x128xf32, #tpu.memory_space<vmem_shared>> -> memref<64x128xf32, #tpu.memory_space<vmem_shared>>
      %dma_start3A_152 = arith.constant 0 : i32
      %dma_start3A_153 = arith.constant 0 : i32
      %dma_start3A_154 = tpu.memref_slice %arg8[%dma_start3A_152, %dma_start3A_153] : memref<128x128xf32, #tpu.memory_space<vmem>> -> memref<64x128xf32, #tpu.memory_space<vmem>>
      tpu.enqueue_dma source(%dma_start3A_154 : memref<64x128xf32, #tpu.memory_space<vmem>>) target(%dma_start3A_151 : memref<64x128xf32, #tpu.memory_space<vmem_shared>>) target_semaphore(%run_scoped3A : memref<!tpu.dma_semaphore, #tpu.memory_space<semaphore_mem>>)
      %dma_wait3A = arith.constant 0 : i32
      %dma_wait3A_155 = arith.constant 0 : i32
      %dma_wait3A_156 = tpu.memref_slice %arg8[%dma_wait3A, %dma_wait3A_155] : memref<128x128xf32, #tpu.memory_space<vmem>> -> memref<64x128xf32, #tpu.memory_space<vmem>>
      %dma_wait3A_157 = arith.constant 0 : i32
      %dma_wait3A_158 = tpu.memref_slice %arg9[%mul3A_18, %dma_wait3A_157] : memref<11264x128xf32, #tpu.memory_space<vmem_shared>> -> memref<64x128xf32, #tpu.memory_space<vmem_shared>>
      %dma_wait3A_159 = arith.constant 0 : i32
      %dma_wait3A_160 = tpu.memref_slice %arg9[%mul3A_18, %dma_wait3A_159] : memref<11264x128xf32, #tpu.memory_space<vmem_shared>> -> memref<64x128xf32, #tpu.memory_space<vmem_shared>>
      %dma_wait3A_161 = arith.constant 0 : i32
      %dma_wait3A_162 = arith.constant 0 : i32
      %dma_wait3A_163 = tpu.memref_slice %arg8[%dma_wait3A_161, %dma_wait3A_162] : memref<128x128xf32, #tpu.memory_space<vmem>> -> memref<64x128xf32, #tpu.memory_space<vmem>>
      tpu.wait_dma2 semaphore(%run_scoped3A : memref<!tpu.dma_semaphore, #tpu.memory_space<semaphore_mem>>) src(%dma_wait3A_163 : memref<64x128xf32, #tpu.memory_space<vmem>>) dst(%dma_wait3A_160 : memref<64x128xf32, #tpu.memory_space<vmem_shared>>)
      tpu.yield
    }) : () -> ()
    %mul3A_19 = arith.constant 11 : i32
    %mul3A_20 = arith.muli %arg1, %mul3A_19 : i32
    %add3A_21 = arith.constant 2 : i32
    %add3A_22 = arith.addi %mul3A_20, %add3A_21 : i32
    %mul3A_23 = arith.constant 64 : i32
    %mul3A_24 = arith.muli %add3A_22, %mul3A_23 : i32
    "tpu.region"() ({
      %run_scoped3A = tpu.sem_alloc : memref<!tpu.dma_semaphore, #tpu.memory_space<semaphore_mem>>
      %dma_start3A = arith.constant 0 : i32
      %dma_start3A_146 = arith.constant 0 : i32
      %dma_start3A_147 = tpu.memref_slice %arg8[%dma_start3A, %dma_start3A_146] : memref<128x128xf32, #tpu.memory_space<vmem>> -> memref<64x128xf32, #tpu.memory_space<vmem>>
      %dma_start3A_148 = arith.constant 0 : i32
      %dma_start3A_149 = tpu.memref_slice %arg9[%mul3A_24, %dma_start3A_148] : memref<11264x128xf32, #tpu.memory_space<vmem_shared>> -> memref<64x128xf32, #tpu.memory_space<vmem_shared>>
      %dma_start3A_150 = arith.constant 0 : i32
      %dma_start3A_151 = tpu.memref_slice %arg9[%mul3A_24, %dma_start3A_150] : memref<11264x128xf32, #tpu.memory_space<vmem_shared>> -> memref<64x128xf32, #tpu.memory_space<vmem_shared>>
      %dma_start3A_152 = arith.constant 0 : i32
      %dma_start3A_153 = arith.constant 0 : i32
      %dma_start3A_154 = tpu.memref_slice %arg8[%dma_start3A_152, %dma_start3A_153] : memref<128x128xf32, #tpu.memory_space<vmem>> -> memref<64x128xf32, #tpu.memory_space<vmem>>
      tpu.enqueue_dma source(%dma_start3A_154 : memref<64x128xf32, #tpu.memory_space<vmem>>) target(%dma_start3A_151 : memref<64x128xf32, #tpu.memory_space<vmem_shared>>) target_semaphore(%run_scoped3A : memref<!tpu.dma_semaphore, #tpu.memory_space<semaphore_mem>>)
      %dma_wait3A = arith.constant 0 : i32
      %dma_wait3A_155 = arith.constant 0 : i32
      %dma_wait3A_156 = tpu.memref_slice %arg8[%dma_wait3A, %dma_wait3A_155] : memref<128x128xf32, #tpu.memory_space<vmem>> -> memref<64x128xf32, #tpu.memory_space<vmem>>
      %dma_wait3A_157 = arith.constant 0 : i32
      %dma_wait3A_158 = tpu.memref_slice %arg9[%mul3A_24, %dma_wait3A_157] : memref<11264x128xf32, #tpu.memory_space<vmem_shared>> -> memref<64x128xf32, #tpu.memory_space<vmem_shared>>
      %dma_wait3A_159 = arith.constant 0 : i32
      %dma_wait3A_160 = tpu.memref_slice %arg9[%mul3A_24, %dma_wait3A_159] : memref<11264x128xf32, #tpu.memory_space<vmem_shared>> -> memref<64x128xf32, #tpu.memory_space<vmem_shared>>
      %dma_wait3A_161 = arith.constant 0 : i32
      %dma_wait3A_162 = arith.constant 0 : i32
      %dma_wait3A_163 = tpu.memref_slice %arg8[%dma_wait3A_161, %dma_wait3A_162] : memref<128x128xf32, #tpu.memory_space<vmem>> -> memref<64x128xf32, #tpu.memory_space<vmem>>
      tpu.wait_dma2 semaphore(%run_scoped3A : memref<!tpu.dma_semaphore, #tpu.memory_space<semaphore_mem>>) src(%dma_wait3A_163 : memref<64x128xf32, #tpu.memory_space<vmem>>) dst(%dma_wait3A_160 : memref<64x128xf32, #tpu.memory_space<vmem_shared>>)
      tpu.yield
    }) : () -> ()
    %mul3A_25 = arith.constant 11 : i32
    %mul3A_26 = arith.muli %arg1, %mul3A_25 : i32
    %add3A_27 = arith.constant 3 : i32
    %add3A_28 = arith.addi %mul3A_26, %add3A_27 : i32
    %mul3A_29 = arith.constant 64 : i32
    %mul3A_30 = arith.muli %add3A_28, %mul3A_29 : i32
    "tpu.region"() ({
      %run_scoped3A = tpu.sem_alloc : memref<!tpu.dma_semaphore, #tpu.memory_space<semaphore_mem>>
      %dma_start3A = arith.constant 0 : i32
      %dma_start3A_146 = arith.constant 0 : i32
      %dma_start3A_147 = tpu.memref_slice %arg8[%dma_start3A, %dma_start3A_146] : memref<128x128xf32, #tpu.memory_space<vmem>> -> memref<64x128xf32, #tpu.memory_space<vmem>>
      %dma_start3A_148 = arith.constant 0 : i32
      %dma_start3A_149 = tpu.memref_slice %arg9[%mul3A_30, %dma_start3A_148] : memref<11264x128xf32, #tpu.memory_space<vmem_shared>> -> memref<64x128xf32, #tpu.memory_space<vmem_shared>>
      %dma_start3A_150 = arith.constant 0 : i32
      %dma_start3A_151 = tpu.memref_slice %arg9[%mul3A_30, %dma_start3A_150] : memref<11264x128xf32, #tpu.memory_space<vmem_shared>> -> memref<64x128xf32, #tpu.memory_space<vmem_shared>>
      %dma_start3A_152 = arith.constant 0 : i32
      %dma_start3A_153 = arith.constant 0 : i32
      %dma_start3A_154 = tpu.memref_slice %arg8[%dma_start3A_152, %dma_start3A_153] : memref<128x128xf32, #tpu.memory_space<vmem>> -> memref<64x128xf32, #tpu.memory_space<vmem>>
      tpu.enqueue_dma source(%dma_start3A_154 : memref<64x128xf32, #tpu.memory_space<vmem>>) target(%dma_start3A_151 : memref<64x128xf32, #tpu.memory_space<vmem_shared>>) target_semaphore(%run_scoped3A : memref<!tpu.dma_semaphore, #tpu.memory_space<semaphore_mem>>)
      %dma_wait3A = arith.constant 0 : i32
      %dma_wait3A_155 = arith.constant 0 : i32
      %dma_wait3A_156 = tpu.memref_slice %arg8[%dma_wait3A, %dma_wait3A_155] : memref<128x128xf32, #tpu.memory_space<vmem>> -> memref<64x128xf32, #tpu.memory_space<vmem>>
      %dma_wait3A_157 = arith.constant 0 : i32
      %dma_wait3A_158 = tpu.memref_slice %arg9[%mul3A_30, %dma_wait3A_157] : memref<11264x128xf32, #tpu.memory_space<vmem_shared>> -> memref<64x128xf32, #tpu.memory_space<vmem_shared>>
      %dma_wait3A_159 = arith.constant 0 : i32
      %dma_wait3A_160 = tpu.memref_slice %arg9[%mul3A_30, %dma_wait3A_159] : memref<11264x128xf32, #tpu.memory_space<vmem_shared>> -> memref<64x128xf32, #tpu.memory_space<vmem_shared>>
      %dma_wait3A_161 = arith.constant 0 : i32
      %dma_wait3A_162 = arith.constant 0 : i32
      %dma_wait3A_163 = tpu.memref_slice %arg8[%dma_wait3A_161, %dma_wait3A_162] : memref<128x128xf32, #tpu.memory_space<vmem>> -> memref<64x128xf32, #tpu.memory_space<vmem>>
      tpu.wait_dma2 semaphore(%run_scoped3A : memref<!tpu.dma_semaphore, #tpu.memory_space<semaphore_mem>>) src(%dma_wait3A_163 : memref<64x128xf32, #tpu.memory_space<vmem>>) dst(%dma_wait3A_160 : memref<64x128xf32, #tpu.memory_space<vmem_shared>>)
      tpu.yield
    }) : () -> ()
    %mul3A_31 = arith.constant 11 : i32
    %mul3A_32 = arith.muli %arg1, %mul3A_31 : i32
    %add3A_33 = arith.constant 4 : i32
    %add3A_34 = arith.addi %mul3A_32, %add3A_33 : i32
    %mul3A_35 = arith.constant 64 : i32
    %mul3A_36 = arith.muli %add3A_34, %mul3A_35 : i32
    "tpu.region"() ({
      %run_scoped3A = tpu.sem_alloc : memref<!tpu.dma_semaphore, #tpu.memory_space<semaphore_mem>>
      %dma_start3A = arith.constant 0 : i32
      %dma_start3A_146 = arith.constant 0 : i32
      %dma_start3A_147 = tpu.memref_slice %arg8[%dma_start3A, %dma_start3A_146] : memref<128x128xf32, #tpu.memory_space<vmem>> -> memref<64x128xf32, #tpu.memory_space<vmem>>
      %dma_start3A_148 = arith.constant 0 : i32
      %dma_start3A_149 = tpu.memref_slice %arg9[%mul3A_36, %dma_start3A_148] : memref<11264x128xf32, #tpu.memory_space<vmem_shared>> -> memref<64x128xf32, #tpu.memory_space<vmem_shared>>
      %dma_start3A_150 = arith.constant 0 : i32
      %dma_start3A_151 = tpu.memref_slice %arg9[%mul3A_36, %dma_start3A_150] : memref<11264x128xf32, #tpu.memory_space<vmem_shared>> -> memref<64x128xf32, #tpu.memory_space<vmem_shared>>
      %dma_start3A_152 = arith.constant 0 : i32
      %dma_start3A_153 = arith.constant 0 : i32
      %dma_start3A_154 = tpu.memref_slice %arg8[%dma_start3A_152, %dma_start3A_153] : memref<128x128xf32, #tpu.memory_space<vmem>> -> memref<64x128xf32, #tpu.memory_space<vmem>>
      tpu.enqueue_dma source(%dma_start3A_154 : memref<64x128xf32, #tpu.memory_space<vmem>>) target(%dma_start3A_151 : memref<64x128xf32, #tpu.memory_space<vmem_shared>>) target_semaphore(%run_scoped3A : memref<!tpu.dma_semaphore, #tpu.memory_space<semaphore_mem>>)
      %dma_wait3A = arith.constant 0 : i32
      %dma_wait3A_155 = arith.constant 0 : i32
      %dma_wait3A_156 = tpu.memref_slice %arg8[%dma_wait3A, %dma_wait3A_155] : memref<128x128xf32, #tpu.memory_space<vmem>> -> memref<64x128xf32, #tpu.memory_space<vmem>>
      %dma_wait3A_157 = arith.constant 0 : i32
      %dma_wait3A_158 = tpu.memref_slice %arg9[%mul3A_36, %dma_wait3A_157] : memref<11264x128xf32, #tpu.memory_space<vmem_shared>> -> memref<64x128xf32, #tpu.memory_space<vmem_shared>>
      %dma_wait3A_159 = arith.constant 0 : i32
      %dma_wait3A_160 = tpu.memref_slice %arg9[%mul3A_36, %dma_wait3A_159] : memref<11264x128xf32, #tpu.memory_space<vmem_shared>> -> memref<64x128xf32, #tpu.memory_space<vmem_shared>>
      %dma_wait3A_161 = arith.constant 0 : i32
      %dma_wait3A_162 = arith.constant 0 : i32
      %dma_wait3A_163 = tpu.memref_slice %arg8[%dma_wait3A_161, %dma_wait3A_162] : memref<128x128xf32, #tpu.memory_space<vmem>> -> memref<64x128xf32, #tpu.memory_space<vmem>>
      tpu.wait_dma2 semaphore(%run_scoped3A : memref<!tpu.dma_semaphore, #tpu.memory_space<semaphore_mem>>) src(%dma_wait3A_163 : memref<64x128xf32, #tpu.memory_space<vmem>>) dst(%dma_wait3A_160 : memref<64x128xf32, #tpu.memory_space<vmem_shared>>)
      tpu.yield
    }) : () -> ()
    %mul3A_37 = arith.constant 11 : i32
    %mul3A_38 = arith.muli %arg1, %mul3A_37 : i32
    %add3A_39 = arith.constant 5 : i32
    %add3A_40 = arith.addi %mul3A_38, %add3A_39 : i32
    %mul3A_41 = arith.constant 64 : i32
    %mul3A_42 = arith.muli %add3A_40, %mul3A_41 : i32
    "tpu.region"() ({
      %run_scoped3A = tpu.sem_alloc : memref<!tpu.dma_semaphore, #tpu.memory_space<semaphore_mem>>
      %dma_start3A = arith.constant 0 : i32
      %dma_start3A_146 = arith.constant 0 : i32
      %dma_start3A_147 = tpu.memref_slice %arg8[%dma_start3A, %dma_start3A_146] : memref<128x128xf32, #tpu.memory_space<vmem>> -> memref<64x128xf32, #tpu.memory_space<vmem>>
      %dma_start3A_148 = arith.constant 0 : i32
      %dma_start3A_149 = tpu.memref_slice %arg9[%mul3A_42, %dma_start3A_148] : memref<11264x128xf32, #tpu.memory_space<vmem_shared>> -> memref<64x128xf32, #tpu.memory_space<vmem_shared>>
      %dma_start3A_150 = arith.constant 0 : i32
      %dma_start3A_151 = tpu.memref_slice %arg9[%mul3A_42, %dma_start3A_150] : memref<11264x128xf32, #tpu.memory_space<vmem_shared>> -> memref<64x128xf32, #tpu.memory_space<vmem_shared>>
      %dma_start3A_152 = arith.constant 0 : i32
      %dma_start3A_153 = arith.constant 0 : i32
      %dma_start3A_154 = tpu.memref_slice %arg8[%dma_start3A_152, %dma_start3A_153] : memref<128x128xf32, #tpu.memory_space<vmem>> -> memref<64x128xf32, #tpu.memory_space<vmem>>
      tpu.enqueue_dma source(%dma_start3A_154 : memref<64x128xf32, #tpu.memory_space<vmem>>) target(%dma_start3A_151 : memref<64x128xf32, #tpu.memory_space<vmem_shared>>) target_semaphore(%run_scoped3A : memref<!tpu.dma_semaphore, #tpu.memory_space<semaphore_mem>>)
      %dma_wait3A = arith.constant 0 : i32
      %dma_wait3A_155 = arith.constant 0 : i32
      %dma_wait3A_156 = tpu.memref_slice %arg8[%dma_wait3A, %dma_wait3A_155] : memref<128x128xf32, #tpu.memory_space<vmem>> -> memref<64x128xf32, #tpu.memory_space<vmem>>
      %dma_wait3A_157 = arith.constant 0 : i32
      %dma_wait3A_158 = tpu.memref_slice %arg9[%mul3A_42, %dma_wait3A_157] : memref<11264x128xf32, #tpu.memory_space<vmem_shared>> -> memref<64x128xf32, #tpu.memory_space<vmem_shared>>
      %dma_wait3A_159 = arith.constant 0 : i32
      %dma_wait3A_160 = tpu.memref_slice %arg9[%mul3A_42, %dma_wait3A_159] : memref<11264x128xf32, #tpu.memory_space<vmem_shared>> -> memref<64x128xf32, #tpu.memory_space<vmem_shared>>
      %dma_wait3A_161 = arith.constant 0 : i32
      %dma_wait3A_162 = arith.constant 0 : i32
      %dma_wait3A_163 = tpu.memref_slice %arg8[%dma_wait3A_161, %dma_wait3A_162] : memref<128x128xf32, #tpu.memory_space<vmem>> -> memref<64x128xf32, #tpu.memory_space<vmem>>
      tpu.wait_dma2 semaphore(%run_scoped3A : memref<!tpu.dma_semaphore, #tpu.memory_space<semaphore_mem>>) src(%dma_wait3A_163 : memref<64x128xf32, #tpu.memory_space<vmem>>) dst(%dma_wait3A_160 : memref<64x128xf32, #tpu.memory_space<vmem_shared>>)
      tpu.yield
    }) : () -> ()
    %mul3A_43 = arith.constant 11 : i32
    %mul3A_44 = arith.muli %arg1, %mul3A_43 : i32
    %add3A_45 = arith.constant 6 : i32
    %add3A_46 = arith.addi %mul3A_44, %add3A_45 : i32
    %mul3A_47 = arith.constant 64 : i32
    %mul3A_48 = arith.muli %add3A_46, %mul3A_47 : i32
    "tpu.region"() ({
      %run_scoped3A = tpu.sem_alloc : memref<!tpu.dma_semaphore, #tpu.memory_space<semaphore_mem>>
      %dma_start3A = arith.constant 0 : i32
      %dma_start3A_146 = arith.constant 0 : i32
      %dma_start3A_147 = tpu.memref_slice %arg8[%dma_start3A, %dma_start3A_146] : memref<128x128xf32, #tpu.memory_space<vmem>> -> memref<64x128xf32, #tpu.memory_space<vmem>>
      %dma_start3A_148 = arith.constant 0 : i32
      %dma_start3A_149 = tpu.memref_slice %arg9[%mul3A_48, %dma_start3A_148] : memref<11264x128xf32, #tpu.memory_space<vmem_shared>> -> memref<64x128xf32, #tpu.memory_space<vmem_shared>>
      %dma_start3A_150 = arith.constant 0 : i32
      %dma_start3A_151 = tpu.memref_slice %arg9[%mul3A_48, %dma_start3A_150] : memref<11264x128xf32, #tpu.memory_space<vmem_shared>> -> memref<64x128xf32, #tpu.memory_space<vmem_shared>>
      %dma_start3A_152 = arith.constant 0 : i32
      %dma_start3A_153 = arith.constant 0 : i32
      %dma_start3A_154 = tpu.memref_slice %arg8[%dma_start3A_152, %dma_start3A_153] : memref<128x128xf32, #tpu.memory_space<vmem>> -> memref<64x128xf32, #tpu.memory_space<vmem>>
      tpu.enqueue_dma source(%dma_start3A_154 : memref<64x128xf32, #tpu.memory_space<vmem>>) target(%dma_start3A_151 : memref<64x128xf32, #tpu.memory_space<vmem_shared>>) target_semaphore(%run_scoped3A : memref<!tpu.dma_semaphore, #tpu.memory_space<semaphore_mem>>)
      %dma_wait3A = arith.constant 0 : i32
      %dma_wait3A_155 = arith.constant 0 : i32
      %dma_wait3A_156 = tpu.memref_slice %arg8[%dma_wait3A, %dma_wait3A_155] : memref<128x128xf32, #tpu.memory_space<vmem>> -> memref<64x128xf32, #tpu.memory_space<vmem>>
      %dma_wait3A_157 = arith.constant 0 : i32
      %dma_wait3A_158 = tpu.memref_slice %arg9[%mul3A_48, %dma_wait3A_157] : memref<11264x128xf32, #tpu.memory_space<vmem_shared>> -> memref<64x128xf32, #tpu.memory_space<vmem_shared>>
      %dma_wait3A_159 = arith.constant 0 : i32
      %dma_wait3A_160 = tpu.memref_slice %arg9[%mul3A_48, %dma_wait3A_159] : memref<11264x128xf32, #tpu.memory_space<vmem_shared>> -> memref<64x128xf32, #tpu.memory_space<vmem_shared>>
      %dma_wait3A_161 = arith.constant 0 : i32
      %dma_wait3A_162 = arith.constant 0 : i32
      %dma_wait3A_163 = tpu.memref_slice %arg8[%dma_wait3A_161, %dma_wait3A_162] : memref<128x128xf32, #tpu.memory_space<vmem>> -> memref<64x128xf32, #tpu.memory_space<vmem>>
      tpu.wait_dma2 semaphore(%run_scoped3A : memref<!tpu.dma_semaphore, #tpu.memory_space<semaphore_mem>>) src(%dma_wait3A_163 : memref<64x128xf32, #tpu.memory_space<vmem>>) dst(%dma_wait3A_160 : memref<64x128xf32, #tpu.memory_space<vmem_shared>>)
      tpu.yield
    }) : () -> ()
    %mul3A_49 = arith.constant 11 : i32
    %mul3A_50 = arith.muli %arg1, %mul3A_49 : i32
    %add3A_51 = arith.constant 7 : i32
    %add3A_52 = arith.addi %mul3A_50, %add3A_51 : i32
    %mul3A_53 = arith.constant 64 : i32
    %mul3A_54 = arith.muli %add3A_52, %mul3A_53 : i32
    "tpu.region"() ({
      %run_scoped3A = tpu.sem_alloc : memref<!tpu.dma_semaphore, #tpu.memory_space<semaphore_mem>>
      %dma_start3A = arith.constant 0 : i32
      %dma_start3A_146 = arith.constant 0 : i32
      %dma_start3A_147 = tpu.memref_slice %arg8[%dma_start3A, %dma_start3A_146] : memref<128x128xf32, #tpu.memory_space<vmem>> -> memref<64x128xf32, #tpu.memory_space<vmem>>
      %dma_start3A_148 = arith.constant 0 : i32
      %dma_start3A_149 = tpu.memref_slice %arg9[%mul3A_54, %dma_start3A_148] : memref<11264x128xf32, #tpu.memory_space<vmem_shared>> -> memref<64x128xf32, #tpu.memory_space<vmem_shared>>
      %dma_start3A_150 = arith.constant 0 : i32
      %dma_start3A_151 = tpu.memref_slice %arg9[%mul3A_54, %dma_start3A_150] : memref<11264x128xf32, #tpu.memory_space<vmem_shared>> -> memref<64x128xf32, #tpu.memory_space<vmem_shared>>
      %dma_start3A_152 = arith.constant 0 : i32
      %dma_start3A_153 = arith.constant 0 : i32
      %dma_start3A_154 = tpu.memref_slice %arg8[%dma_start3A_152, %dma_start3A_153] : memref<128x128xf32, #tpu.memory_space<vmem>> -> memref<64x128xf32, #tpu.memory_space<vmem>>
      tpu.enqueue_dma source(%dma_start3A_154 : memref<64x128xf32, #tpu.memory_space<vmem>>) target(%dma_start3A_151 : memref<64x128xf32, #tpu.memory_space<vmem_shared>>) target_semaphore(%run_scoped3A : memref<!tpu.dma_semaphore, #tpu.memory_space<semaphore_mem>>)
      %dma_wait3A = arith.constant 0 : i32
      %dma_wait3A_155 = arith.constant 0 : i32
      %dma_wait3A_156 = tpu.memref_slice %arg8[%dma_wait3A, %dma_wait3A_155] : memref<128x128xf32, #tpu.memory_space<vmem>> -> memref<64x128xf32, #tpu.memory_space<vmem>>
      %dma_wait3A_157 = arith.constant 0 : i32
      %dma_wait3A_158 = tpu.memref_slice %arg9[%mul3A_54, %dma_wait3A_157] : memref<11264x128xf32, #tpu.memory_space<vmem_shared>> -> memref<64x128xf32, #tpu.memory_space<vmem_shared>>
      %dma_wait3A_159 = arith.constant 0 : i32
      %dma_wait3A_160 = tpu.memref_slice %arg9[%mul3A_54, %dma_wait3A_159] : memref<11264x128xf32, #tpu.memory_space<vmem_shared>> -> memref<64x128xf32, #tpu.memory_space<vmem_shared>>
      %dma_wait3A_161 = arith.constant 0 : i32
      %dma_wait3A_162 = arith.constant 0 : i32
      %dma_wait3A_163 = tpu.memref_slice %arg8[%dma_wait3A_161, %dma_wait3A_162] : memref<128x128xf32, #tpu.memory_space<vmem>> -> memref<64x128xf32, #tpu.memory_space<vmem>>
      tpu.wait_dma2 semaphore(%run_scoped3A : memref<!tpu.dma_semaphore, #tpu.memory_space<semaphore_mem>>) src(%dma_wait3A_163 : memref<64x128xf32, #tpu.memory_space<vmem>>) dst(%dma_wait3A_160 : memref<64x128xf32, #tpu.memory_space<vmem_shared>>)
      tpu.yield
    }) : () -> ()
    %mul3A_55 = arith.constant 11 : i32
    %mul3A_56 = arith.muli %arg1, %mul3A_55 : i32
    %add3A_57 = arith.constant 8 : i32
    %add3A_58 = arith.addi %mul3A_56, %add3A_57 : i32
    %mul3A_59 = arith.constant 64 : i32
    %mul3A_60 = arith.muli %add3A_58, %mul3A_59 : i32
    "tpu.region"() ({
      %run_scoped3A = tpu.sem_alloc : memref<!tpu.dma_semaphore, #tpu.memory_space<semaphore_mem>>
      %dma_start3A = arith.constant 0 : i32
      %dma_start3A_146 = arith.constant 0 : i32
      %dma_start3A_147 = tpu.memref_slice %arg8[%dma_start3A, %dma_start3A_146] : memref<128x128xf32, #tpu.memory_space<vmem>> -> memref<64x128xf32, #tpu.memory_space<vmem>>
      %dma_start3A_148 = arith.constant 0 : i32
      %dma_start3A_149 = tpu.memref_slice %arg9[%mul3A_60, %dma_start3A_148] : memref<11264x128xf32, #tpu.memory_space<vmem_shared>> -> memref<64x128xf32, #tpu.memory_space<vmem_shared>>
      %dma_start3A_150 = arith.constant 0 : i32
      %dma_start3A_151 = tpu.memref_slice %arg9[%mul3A_60, %dma_start3A_150] : memref<11264x128xf32, #tpu.memory_space<vmem_shared>> -> memref<64x128xf32, #tpu.memory_space<vmem_shared>>
      %dma_start3A_152 = arith.constant 0 : i32
      %dma_start3A_153 = arith.constant 0 : i32
      %dma_start3A_154 = tpu.memref_slice %arg8[%dma_start3A_152, %dma_start3A_153] : memref<128x128xf32, #tpu.memory_space<vmem>> -> memref<64x128xf32, #tpu.memory_space<vmem>>
      tpu.enqueue_dma source(%dma_start3A_154 : memref<64x128xf32, #tpu.memory_space<vmem>>) target(%dma_start3A_151 : memref<64x128xf32, #tpu.memory_space<vmem_shared>>) target_semaphore(%run_scoped3A : memref<!tpu.dma_semaphore, #tpu.memory_space<semaphore_mem>>)
      %dma_wait3A = arith.constant 0 : i32
      %dma_wait3A_155 = arith.constant 0 : i32
      %dma_wait3A_156 = tpu.memref_slice %arg8[%dma_wait3A, %dma_wait3A_155] : memref<128x128xf32, #tpu.memory_space<vmem>> -> memref<64x128xf32, #tpu.memory_space<vmem>>
      %dma_wait3A_157 = arith.constant 0 : i32
      %dma_wait3A_158 = tpu.memref_slice %arg9[%mul3A_60, %dma_wait3A_157] : memref<11264x128xf32, #tpu.memory_space<vmem_shared>> -> memref<64x128xf32, #tpu.memory_space<vmem_shared>>
      %dma_wait3A_159 = arith.constant 0 : i32
      %dma_wait3A_160 = tpu.memref_slice %arg9[%mul3A_60, %dma_wait3A_159] : memref<11264x128xf32, #tpu.memory_space<vmem_shared>> -> memref<64x128xf32, #tpu.memory_space<vmem_shared>>
      %dma_wait3A_161 = arith.constant 0 : i32
      %dma_wait3A_162 = arith.constant 0 : i32
      %dma_wait3A_163 = tpu.memref_slice %arg8[%dma_wait3A_161, %dma_wait3A_162] : memref<128x128xf32, #tpu.memory_space<vmem>> -> memref<64x128xf32, #tpu.memory_space<vmem>>
      tpu.wait_dma2 semaphore(%run_scoped3A : memref<!tpu.dma_semaphore, #tpu.memory_space<semaphore_mem>>) src(%dma_wait3A_163 : memref<64x128xf32, #tpu.memory_space<vmem>>) dst(%dma_wait3A_160 : memref<64x128xf32, #tpu.memory_space<vmem_shared>>)
      tpu.yield
    }) : () -> ()
    %mul3A_61 = arith.constant 11 : i32
    %mul3A_62 = arith.muli %arg1, %mul3A_61 : i32
    %add3A_63 = arith.constant 9 : i32
    %add3A_64 = arith.addi %mul3A_62, %add3A_63 : i32
    %mul3A_65 = arith.constant 64 : i32
    %mul3A_66 = arith.muli %add3A_64, %mul3A_65 : i32
    "tpu.region"() ({
      %run_scoped3A = tpu.sem_alloc : memref<!tpu.dma_semaphore, #tpu.memory_space<semaphore_mem>>
      %dma_start3A = arith.constant 0 : i32
      %dma_start3A_146 = arith.constant 0 : i32
      %dma_start3A_147 = tpu.memref_slice %arg8[%dma_start3A, %dma_start3A_146] : memref<128x128xf32, #tpu.memory_space<vmem>> -> memref<64x128xf32, #tpu.memory_space<vmem>>
      %dma_start3A_148 = arith.constant 0 : i32
      %dma_start3A_149 = tpu.memref_slice %arg9[%mul3A_66, %dma_start3A_148] : memref<11264x128xf32, #tpu.memory_space<vmem_shared>> -> memref<64x128xf32, #tpu.memory_space<vmem_shared>>
      %dma_start3A_150 = arith.constant 0 : i32
      %dma_start3A_151 = tpu.memref_slice %arg9[%mul3A_66, %dma_start3A_150] : memref<11264x128xf32, #tpu.memory_space<vmem_shared>> -> memref<64x128xf32, #tpu.memory_space<vmem_shared>>
      %dma_start3A_152 = arith.constant 0 : i32
      %dma_start3A_153 = arith.constant 0 : i32
      %dma_start3A_154 = tpu.memref_slice %arg8[%dma_start3A_152, %dma_start3A_153] : memref<128x128xf32, #tpu.memory_space<vmem>> -> memref<64x128xf32, #tpu.memory_space<vmem>>
      tpu.enqueue_dma source(%dma_start3A_154 : memref<64x128xf32, #tpu.memory_space<vmem>>) target(%dma_start3A_151 : memref<64x128xf32, #tpu.memory_space<vmem_shared>>) target_semaphore(%run_scoped3A : memref<!tpu.dma_semaphore, #tpu.memory_space<semaphore_mem>>)
      %dma_wait3A = arith.constant 0 : i32
      %dma_wait3A_155 = arith.constant 0 : i32
      %dma_wait3A_156 = tpu.memref_slice %arg8[%dma_wait3A, %dma_wait3A_155] : memref<128x128xf32, #tpu.memory_space<vmem>> -> memref<64x128xf32, #tpu.memory_space<vmem>>
      %dma_wait3A_157 = arith.constant 0 : i32
      %dma_wait3A_158 = tpu.memref_slice %arg9[%mul3A_66, %dma_wait3A_157] : memref<11264x128xf32, #tpu.memory_space<vmem_shared>> -> memref<64x128xf32, #tpu.memory_space<vmem_shared>>
      %dma_wait3A_159 = arith.constant 0 : i32
      %dma_wait3A_160 = tpu.memref_slice %arg9[%mul3A_66, %dma_wait3A_159] : memref<11264x128xf32, #tpu.memory_space<vmem_shared>> -> memref<64x128xf32, #tpu.memory_space<vmem_shared>>
      %dma_wait3A_161 = arith.constant 0 : i32
      %dma_wait3A_162 = arith.constant 0 : i32
      %dma_wait3A_163 = tpu.memref_slice %arg8[%dma_wait3A_161, %dma_wait3A_162] : memref<128x128xf32, #tpu.memory_space<vmem>> -> memref<64x128xf32, #tpu.memory_space<vmem>>
      tpu.wait_dma2 semaphore(%run_scoped3A : memref<!tpu.dma_semaphore, #tpu.memory_space<semaphore_mem>>) src(%dma_wait3A_163 : memref<64x128xf32, #tpu.memory_space<vmem>>) dst(%dma_wait3A_160 : memref<64x128xf32, #tpu.memory_space<vmem_shared>>)
      tpu.yield
    }) : () -> ()
    %mul3A_67 = arith.constant 11 : i32
    %mul3A_68 = arith.muli %arg1, %mul3A_67 : i32
    %add3A_69 = arith.constant 10 : i32
    %add3A_70 = arith.addi %mul3A_68, %add3A_69 : i32
    %mul3A_71 = arith.constant 64 : i32
    %mul3A_72 = arith.muli %add3A_70, %mul3A_71 : i32
    "tpu.region"() ({
      %run_scoped3A = tpu.sem_alloc : memref<!tpu.dma_semaphore, #tpu.memory_space<semaphore_mem>>
      %dma_start3A = arith.constant 0 : i32
      %dma_start3A_146 = arith.constant 0 : i32
      %dma_start3A_147 = tpu.memref_slice %arg8[%dma_start3A, %dma_start3A_146] : memref<128x128xf32, #tpu.memory_space<vmem>> -> memref<64x128xf32, #tpu.memory_space<vmem>>
      %dma_start3A_148 = arith.constant 0 : i32
      %dma_start3A_149 = tpu.memref_slice %arg9[%mul3A_72, %dma_start3A_148] : memref<11264x128xf32, #tpu.memory_space<vmem_shared>> -> memref<64x128xf32, #tpu.memory_space<vmem_shared>>
      %dma_start3A_150 = arith.constant 0 : i32
      %dma_start3A_151 = tpu.memref_slice %arg9[%mul3A_72, %dma_start3A_150] : memref<11264x128xf32, #tpu.memory_space<vmem_shared>> -> memref<64x128xf32, #tpu.memory_space<vmem_shared>>
      %dma_start3A_152 = arith.constant 0 : i32
      %dma_start3A_153 = arith.constant 0 : i32
      %dma_start3A_154 = tpu.memref_slice %arg8[%dma_start3A_152, %dma_start3A_153] : memref<128x128xf32, #tpu.memory_space<vmem>> -> memref<64x128xf32, #tpu.memory_space<vmem>>
      tpu.enqueue_dma source(%dma_start3A_154 : memref<64x128xf32, #tpu.memory_space<vmem>>) target(%dma_start3A_151 : memref<64x128xf32, #tpu.memory_space<vmem_shared>>) target_semaphore(%run_scoped3A : memref<!tpu.dma_semaphore, #tpu.memory_space<semaphore_mem>>)
      %dma_wait3A = arith.constant 0 : i32
      %dma_wait3A_155 = arith.constant 0 : i32
      %dma_wait3A_156 = tpu.memref_slice %arg8[%dma_wait3A, %dma_wait3A_155] : memref<128x128xf32, #tpu.memory_space<vmem>> -> memref<64x128xf32, #tpu.memory_space<vmem>>
      %dma_wait3A_157 = arith.constant 0 : i32
      %dma_wait3A_158 = tpu.memref_slice %arg9[%mul3A_72, %dma_wait3A_157] : memref<11264x128xf32, #tpu.memory_space<vmem_shared>> -> memref<64x128xf32, #tpu.memory_space<vmem_shared>>
      %dma_wait3A_159 = arith.constant 0 : i32
      %dma_wait3A_160 = tpu.memref_slice %arg9[%mul3A_72, %dma_wait3A_159] : memref<11264x128xf32, #tpu.memory_space<vmem_shared>> -> memref<64x128xf32, #tpu.memory_space<vmem_shared>>
      %dma_wait3A_161 = arith.constant 0 : i32
      %dma_wait3A_162 = arith.constant 0 : i32
      %dma_wait3A_163 = tpu.memref_slice %arg8[%dma_wait3A_161, %dma_wait3A_162] : memref<128x128xf32, #tpu.memory_space<vmem>> -> memref<64x128xf32, #tpu.memory_space<vmem>>
      tpu.wait_dma2 semaphore(%run_scoped3A : memref<!tpu.dma_semaphore, #tpu.memory_space<semaphore_mem>>) src(%dma_wait3A_163 : memref<64x128xf32, #tpu.memory_space<vmem>>) dst(%dma_wait3A_160 : memref<64x128xf32, #tpu.memory_space<vmem_shared>>)
      tpu.yield
    }) : () -> ()
    "tpu.region"() ({
      %run_scoped3A = tpu.sem_alloc : memref<!tpu.dma_semaphore, #tpu.memory_space<semaphore_mem>>
      %dma_start3A = arith.constant 0 : i32
      %dma_start3A_146 = arith.constant 0 : i32
      %dma_start3A_147 = tpu.memref_slice %arg3[%add3A, %dma_start3A, %dma_start3A_146] : memref<32x79x128xi32, #tpu.memory_space<hbm>> -> memref<1x79x128xi32, #tpu.memory_space<hbm>>
      %dma_start3A_148 = tpu.memref_squeeze %dma_start3A_147 : memref<1x79x128xi32, #tpu.memory_space<hbm>> -> memref<79x128xi32, #tpu.memory_space<hbm>>
      %dma_start3A_149 = arith.constant 0 : i32
      %dma_start3A_150 = arith.constant 0 : i32
      %dma_start3A_151 = tpu.memref_slice %arg3[%add3A, %dma_start3A_149, %dma_start3A_150] : memref<32x79x128xi32, #tpu.memory_space<hbm>> -> memref<1x79x128xi32, #tpu.memory_space<hbm>>
      %dma_start3A_152 = tpu.memref_squeeze %dma_start3A_151 : memref<1x79x128xi32, #tpu.memory_space<hbm>> -> memref<79x128xi32, #tpu.memory_space<hbm>>
      tpu.enqueue_dma source(%dma_start3A_152 : memref<79x128xi32, #tpu.memory_space<hbm>>) target(%arg6 : memref<79x128xi32, #tpu.memory_space<vmem>>) target_semaphore(%run_scoped3A : memref<!tpu.dma_semaphore, #tpu.memory_space<semaphore_mem>>)
      %dma_wait3A = arith.constant 0 : i32
      %dma_wait3A_153 = arith.constant 0 : i32
      %dma_wait3A_154 = tpu.memref_slice %arg3[%add3A, %dma_wait3A, %dma_wait3A_153] : memref<32x79x128xi32, #tpu.memory_space<hbm>> -> memref<1x79x128xi32, #tpu.memory_space<hbm>>
      %dma_wait3A_155 = tpu.memref_squeeze %dma_wait3A_154 : memref<1x79x128xi32, #tpu.memory_space<hbm>> -> memref<79x128xi32, #tpu.memory_space<hbm>>
      %dma_wait3A_156 = arith.constant 0 : i32
      %dma_wait3A_157 = arith.constant 0 : i32
      %dma_wait3A_158 = tpu.memref_slice %arg3[%add3A, %dma_wait3A_156, %dma_wait3A_157] : memref<32x79x128xi32, #tpu.memory_space<hbm>> -> memref<1x79x128xi32, #tpu.memory_space<hbm>>
      %dma_wait3A_159 = tpu.memref_squeeze %dma_wait3A_158 : memref<1x79x128xi32, #tpu.memory_space<hbm>> -> memref<79x128xi32, #tpu.memory_space<hbm>>
      tpu.wait_dma2 semaphore(%run_scoped3A : memref<!tpu.dma_semaphore, #tpu.memory_space<semaphore_mem>>) src(%dma_wait3A_159 : memref<79x128xi32, #tpu.memory_space<hbm>>) dst(%arg6 : memref<79x128xi32, #tpu.memory_space<vmem>>)
      tpu.yield
    }) : () -> ()
    "tpu.region"() ({
      %run_scoped3A = tpu.sem_alloc : memref<!tpu.dma_semaphore, #tpu.memory_space<semaphore_mem>>
      %dma_start3A = arith.constant 0 : i32
      %dma_start3A_146 = arith.constant 0 : i32
      %dma_start3A_147 = tpu.memref_slice %arg4[%add3A, %dma_start3A, %dma_start3A_146] : memref<32x79x128xi32, #tpu.memory_space<hbm>> -> memref<1x79x128xi32, #tpu.memory_space<hbm>>
      %dma_start3A_148 = tpu.memref_squeeze %dma_start3A_147 : memref<1x79x128xi32, #tpu.memory_space<hbm>> -> memref<79x128xi32, #tpu.memory_space<hbm>>
      %dma_start3A_149 = arith.constant 0 : i32
      %dma_start3A_150 = arith.constant 0 : i32
      %dma_start3A_151 = tpu.memref_slice %arg4[%add3A, %dma_start3A_149, %dma_start3A_150] : memref<32x79x128xi32, #tpu.memory_space<hbm>> -> memref<1x79x128xi32, #tpu.memory_space<hbm>>
      %dma_start3A_152 = tpu.memref_squeeze %dma_start3A_151 : memref<1x79x128xi32, #tpu.memory_space<hbm>> -> memref<79x128xi32, #tpu.memory_space<hbm>>
      tpu.enqueue_dma source(%dma_start3A_152 : memref<79x128xi32, #tpu.memory_space<hbm>>) target(%arg7 : memref<79x128xi32, #tpu.memory_space<vmem>>) target_semaphore(%run_scoped3A : memref<!tpu.dma_semaphore, #tpu.memory_space<semaphore_mem>>)
      %dma_wait3A = arith.constant 0 : i32
      %dma_wait3A_153 = arith.constant 0 : i32
      %dma_wait3A_154 = tpu.memref_slice %arg4[%add3A, %dma_wait3A, %dma_wait3A_153] : memref<32x79x128xi32, #tpu.memory_space<hbm>> -> memref<1x79x128xi32, #tpu.memory_space<hbm>>
      %dma_wait3A_155 = tpu.memref_squeeze %dma_wait3A_154 : memref<1x79x128xi32, #tpu.memory_space<hbm>> -> memref<79x128xi32, #tpu.memory_space<hbm>>
      %dma_wait3A_156 = arith.constant 0 : i32
      %dma_wait3A_157 = arith.constant 0 : i32
      %dma_wait3A_158 = tpu.memref_slice %arg4[%add3A, %dma_wait3A_156, %dma_wait3A_157] : memref<32x79x128xi32, #tpu.memory_space<hbm>> -> memref<1x79x128xi32, #tpu.memory_space<hbm>>
      %dma_wait3A_159 = tpu.memref_squeeze %dma_wait3A_158 : memref<1x79x128xi32, #tpu.memory_space<hbm>> -> memref<79x128xi32, #tpu.memory_space<hbm>>
      tpu.wait_dma2 semaphore(%run_scoped3A : memref<!tpu.dma_semaphore, #tpu.memory_space<semaphore_mem>>) src(%dma_wait3A_159 : memref<79x128xi32, #tpu.memory_space<hbm>>) dst(%arg7 : memref<79x128xi32, #tpu.memory_space<vmem>>)
      tpu.yield
    }) : () -> ()
    %barrier3A = arith.constant 0 : index
    tpu.barrier barrier_id(%barrier3A)
    %scan3A_73 = arith.constant 0 : i32
    %scan3A_74 = arith.constant 0 : i32
    %scan3A_75 = arith.constant 79 : i32
    %scan3A_76 = arith.addi %scan3A_74, %scan3A_75 : i32
    %scan3A_77 = arith.constant 1 : i32
    scf.for %scan3A_146 = %scan3A_74 to %scan3A_76 step %scan3A_77  : i32 {
      %dma_start3A = arith.constant 0 : i32
      %dma_start3A_147 = tpu.memref_slice %arg6[%scan3A_146, %dma_start3A] : memref<79x128xi32, #tpu.memory_space<vmem>> -> memref<1x128xi32, #tpu.memory_space<vmem>>
      %dma_start3A_148 = tpu.memref_squeeze %dma_start3A_147 : memref<1x128xi32, #tpu.memory_space<vmem>> -> memref<128xi32, #tpu.memory_space<vmem>>
      %dma_start3A_149 = arith.constant 0 : i32
      %dma_start3A_150 = arith.constant 0 : i32
      %dma_start3A_151 = tpu.memref_slice %arg2[%dma_start3A_149, %dma_start3A_150] : memref<10000x128xf32, #tpu.memory_space<hbm>> -> memref<10000x128xf32, #tpu.memory_space<hbm>>
      tpu.enqueue_indirect_dma source(%dma_start3A_151 : memref<10000x128xf32, #tpu.memory_space<hbm>>) target(%arg8 : memref<128x128xf32, #tpu.memory_space<vmem>>) offsets(%dma_start3A_148 : memref<128xi32, #tpu.memory_space<vmem>>) semaphore(%arg10 : memref<!tpu.dma_semaphore, #tpu.memory_space<semaphore_mem>>)
      %dma_wait3A = arith.constant 0 : i32
      %dma_wait3A_152 = tpu.memref_slice %arg6[%scan3A_146, %dma_wait3A] : memref<79x128xi32, #tpu.memory_space<vmem>> -> memref<1x128xi32, #tpu.memory_space<vmem>>
      %dma_wait3A_153 = tpu.memref_squeeze %dma_wait3A_152 : memref<1x128xi32, #tpu.memory_space<vmem>> -> memref<128xi32, #tpu.memory_space<vmem>>
      %dma_wait3A_154 = arith.constant 0 : i32
      %dma_wait3A_155 = arith.constant 0 : i32
      %dma_wait3A_156 = tpu.memref_slice %arg2[%dma_wait3A_154, %dma_wait3A_155] : memref<10000x128xf32, #tpu.memory_space<hbm>> -> memref<10000x128xf32, #tpu.memory_space<hbm>>
      tpu.wait_indirect_dma semaphore(%arg10 : memref<!tpu.dma_semaphore, #tpu.memory_space<semaphore_mem>>) src(%dma_wait3A_156 : memref<10000x128xf32, #tpu.memory_space<hbm>>) dst(%arg8 : memref<128x128xf32, #tpu.memory_space<vmem>>)
      "tpu.region"() ({
        %run_scoped3A = tpu.sem_alloc : memref<!tpu.dma_semaphore, #tpu.memory_space<semaphore_mem>>
        %dma_start3A_157 = arith.constant 0 : i32
        %dma_start3A_158 = tpu.memref_slice %arg7[%scan3A_146, %dma_start3A_157] : memref<79x128xi32, #tpu.memory_space<vmem>> -> memref<1x128xi32, #tpu.memory_space<vmem>>
        %dma_start3A_159 = tpu.memref_squeeze %dma_start3A_158 : memref<1x128xi32, #tpu.memory_space<vmem>> -> memref<128xi32, #tpu.memory_space<vmem>>
        %dma_start3A_160 = arith.constant 0 : i32
        %dma_start3A_161 = arith.constant 0 : i32
        %dma_start3A_162 = tpu.memref_slice %arg9[%dma_start3A_160, %dma_start3A_161] : memref<11264x128xf32, #tpu.memory_space<vmem_shared>> -> memref<11264x128xf32, #tpu.memory_space<vmem_shared>>
        tpu.enqueue_indirect_dma source(%arg8 : memref<128x128xf32, #tpu.memory_space<vmem>>) target(%dma_start3A_162 : memref<11264x128xf32, #tpu.memory_space<vmem_shared>>) offsets(%dma_start3A_159 : memref<128xi32, #tpu.memory_space<vmem>>) semaphore(%run_scoped3A : memref<!tpu.dma_semaphore, #tpu.memory_space<semaphore_mem>>) {add = true}
        %dma_wait3A_163 = arith.constant 0 : i32
        %dma_wait3A_164 = tpu.memref_slice %arg7[%scan3A_146, %dma_wait3A_163] : memref<79x128xi32, #tpu.memory_space<vmem>> -> memref<1x128xi32, #tpu.memory_space<vmem>>
        %dma_wait3A_165 = tpu.memref_squeeze %dma_wait3A_164 : memref<1x128xi32, #tpu.memory_space<vmem>> -> memref<128xi32, #tpu.memory_space<vmem>>
        %dma_wait3A_166 = arith.constant 0 : i32
        %dma_wait3A_167 = arith.constant 0 : i32
        %dma_wait3A_168 = tpu.memref_slice %arg9[%dma_wait3A_166, %dma_wait3A_167] : memref<11264x128xf32, #tpu.memory_space<vmem_shared>> -> memref<11264x128xf32, #tpu.memory_space<vmem_shared>>
        tpu.wait_indirect_dma semaphore(%run_scoped3A : memref<!tpu.dma_semaphore, #tpu.memory_space<semaphore_mem>>) src(%arg8 : memref<128x128xf32, #tpu.memory_space<vmem>>) dst(%dma_wait3A_168 : memref<11264x128xf32, #tpu.memory_space<vmem_shared>>)
        tpu.yield
      }) : () -> ()
    }
    %scan3A_78 = arith.constant 79 : i32
    %barrier3A_79 = arith.constant 0 : index
    tpu.barrier barrier_id(%barrier3A_79)
    %mul3A_80 = arith.constant 11 : i32
    %mul3A_81 = arith.muli %arg1, %mul3A_80 : i32
    %add3A_82 = arith.constant 0 : i32
    %add3A_83 = arith.addi %mul3A_81, %add3A_82 : i32
    %mul3A_84 = arith.constant 64 : i32
    %mul3A_85 = arith.muli %add3A_83, %mul3A_84 : i32
    "tpu.region"() ({
      %run_scoped3A = tpu.sem_alloc : memref<!tpu.dma_semaphore, #tpu.memory_space<semaphore_mem>>
      %dma_start3A = arith.constant 0 : i32
      %dma_start3A_146 = tpu.memref_slice %arg5[%arg0, %mul3A_85, %dma_start3A] : memref<2x11264x128xf32, #tpu.memory_space<hbm>> -> memref<1x64x128xf32, #tpu.memory_space<hbm>>
      %dma_start3A_147 = tpu.memref_squeeze %dma_start3A_146 : memref<1x64x128xf32, #tpu.memory_space<hbm>> -> memref<64x128xf32, #tpu.memory_space<hbm>>
      %dma_start3A_148 = arith.constant 0 : i32
      %dma_start3A_149 = tpu.memref_slice %arg9[%mul3A_85, %dma_start3A_148] : memref<11264x128xf32, #tpu.memory_space<vmem_shared>> -> memref<64x128xf32, #tpu.memory_space<vmem_shared>>
      tpu.enqueue_dma source(%dma_start3A_149 : memref<64x128xf32, #tpu.memory_space<vmem_shared>>) target(%dma_start3A_147 : memref<64x128xf32, #tpu.memory_space<hbm>>) target_semaphore(%run_scoped3A : memref<!tpu.dma_semaphore, #tpu.memory_space<semaphore_mem>>)
      %dma_wait3A = arith.constant 0 : i32
      %dma_wait3A_150 = tpu.memref_slice %arg5[%arg0, %mul3A_85, %dma_wait3A] : memref<2x11264x128xf32, #tpu.memory_space<hbm>> -> memref<1x64x128xf32, #tpu.memory_space<hbm>>
      %dma_wait3A_151 = tpu.memref_squeeze %dma_wait3A_150 : memref<1x64x128xf32, #tpu.memory_space<hbm>> -> memref<64x128xf32, #tpu.memory_space<hbm>>
      %dma_wait3A_152 = arith.constant 0 : i32
      %dma_wait3A_153 = tpu.memref_slice %arg9[%mul3A_85, %dma_wait3A_152] : memref<11264x128xf32, #tpu.memory_space<vmem_shared>> -> memref<64x128xf32, #tpu.memory_space<vmem_shared>>
      tpu.wait_dma2 semaphore(%run_scoped3A : memref<!tpu.dma_semaphore, #tpu.memory_space<semaphore_mem>>) src(%dma_wait3A_153 : memref<64x128xf32, #tpu.memory_space<vmem_shared>>) dst(%dma_wait3A_151 : memref<64x128xf32, #tpu.memory_space<hbm>>)
      tpu.yield
    }) : () -> ()
    %mul3A_86 = arith.constant 11 : i32
    %mul3A_87 = arith.muli %arg1, %mul3A_86 : i32
    %add3A_88 = arith.constant 1 : i32
    %add3A_89 = arith.addi %mul3A_87, %add3A_88 : i32
    %mul3A_90 = arith.constant 64 : i32
    %mul3A_91 = arith.muli %add3A_89, %mul3A_90 : i32
    "tpu.region"() ({
      %run_scoped3A = tpu.sem_alloc : memref<!tpu.dma_semaphore, #tpu.memory_space<semaphore_mem>>
      %dma_start3A = arith.constant 0 : i32
      %dma_start3A_146 = tpu.memref_slice %arg5[%arg0, %mul3A_91, %dma_start3A] : memref<2x11264x128xf32, #tpu.memory_space<hbm>> -> memref<1x64x128xf32, #tpu.memory_space<hbm>>
      %dma_start3A_147 = tpu.memref_squeeze %dma_start3A_146 : memref<1x64x128xf32, #tpu.memory_space<hbm>> -> memref<64x128xf32, #tpu.memory_space<hbm>>
      %dma_start3A_148 = arith.constant 0 : i32
      %dma_start3A_149 = tpu.memref_slice %arg9[%mul3A_91, %dma_start3A_148] : memref<11264x128xf32, #tpu.memory_space<vmem_shared>> -> memref<64x128xf32, #tpu.memory_space<vmem_shared>>
      tpu.enqueue_dma source(%dma_start3A_149 : memref<64x128xf32, #tpu.memory_space<vmem_shared>>) target(%dma_start3A_147 : memref<64x128xf32, #tpu.memory_space<hbm>>) target_semaphore(%run_scoped3A : memref<!tpu.dma_semaphore, #tpu.memory_space<semaphore_mem>>)
      %dma_wait3A = arith.constant 0 : i32
      %dma_wait3A_150 = tpu.memref_slice %arg5[%arg0, %mul3A_91, %dma_wait3A] : memref<2x11264x128xf32, #tpu.memory_space<hbm>> -> memref<1x64x128xf32, #tpu.memory_space<hbm>>
      %dma_wait3A_151 = tpu.memref_squeeze %dma_wait3A_150 : memref<1x64x128xf32, #tpu.memory_space<hbm>> -> memref<64x128xf32, #tpu.memory_space<hbm>>
      %dma_wait3A_152 = arith.constant 0 : i32
      %dma_wait3A_153 = tpu.memref_slice %arg9[%mul3A_91, %dma_wait3A_152] : memref<11264x128xf32, #tpu.memory_space<vmem_shared>> -> memref<64x128xf32, #tpu.memory_space<vmem_shared>>
      tpu.wait_dma2 semaphore(%run_scoped3A : memref<!tpu.dma_semaphore, #tpu.memory_space<semaphore_mem>>) src(%dma_wait3A_153 : memref<64x128xf32, #tpu.memory_space<vmem_shared>>) dst(%dma_wait3A_151 : memref<64x128xf32, #tpu.memory_space<hbm>>)
      tpu.yield
    }) : () -> ()
    %mul3A_92 = arith.constant 11 : i32
    %mul3A_93 = arith.muli %arg1, %mul3A_92 : i32
    %add3A_94 = arith.constant 2 : i32
    %add3A_95 = arith.addi %mul3A_93, %add3A_94 : i32
    %mul3A_96 = arith.constant 64 : i32
    %mul3A_97 = arith.muli %add3A_95, %mul3A_96 : i32
    "tpu.region"() ({
      %run_scoped3A = tpu.sem_alloc : memref<!tpu.dma_semaphore, #tpu.memory_space<semaphore_mem>>
      %dma_start3A = arith.constant 0 : i32
      %dma_start3A_146 = tpu.memref_slice %arg5[%arg0, %mul3A_97, %dma_start3A] : memref<2x11264x128xf32, #tpu.memory_space<hbm>> -> memref<1x64x128xf32, #tpu.memory_space<hbm>>
      %dma_start3A_147 = tpu.memref_squeeze %dma_start3A_146 : memref<1x64x128xf32, #tpu.memory_space<hbm>> -> memref<64x128xf32, #tpu.memory_space<hbm>>
      %dma_start3A_148 = arith.constant 0 : i32
      %dma_start3A_149 = tpu.memref_slice %arg9[%mul3A_97, %dma_start3A_148] : memref<11264x128xf32, #tpu.memory_space<vmem_shared>> -> memref<64x128xf32, #tpu.memory_space<vmem_shared>>
      tpu.enqueue_dma source(%dma_start3A_149 : memref<64x128xf32, #tpu.memory_space<vmem_shared>>) target(%dma_start3A_147 : memref<64x128xf32, #tpu.memory_space<hbm>>) target_semaphore(%run_scoped3A : memref<!tpu.dma_semaphore, #tpu.memory_space<semaphore_mem>>)
      %dma_wait3A = arith.constant 0 : i32
      %dma_wait3A_150 = tpu.memref_slice %arg5[%arg0, %mul3A_97, %dma_wait3A] : memref<2x11264x128xf32, #tpu.memory_space<hbm>> -> memref<1x64x128xf32, #tpu.memory_space<hbm>>
      %dma_wait3A_151 = tpu.memref_squeeze %dma_wait3A_150 : memref<1x64x128xf32, #tpu.memory_space<hbm>> -> memref<64x128xf32, #tpu.memory_space<hbm>>
      %dma_wait3A_152 = arith.constant 0 : i32
      %dma_wait3A_153 = tpu.memref_slice %arg9[%mul3A_97, %dma_wait3A_152] : memref<11264x128xf32, #tpu.memory_space<vmem_shared>> -> memref<64x128xf32, #tpu.memory_space<vmem_shared>>
      tpu.wait_dma2 semaphore(%run_scoped3A : memref<!tpu.dma_semaphore, #tpu.memory_space<semaphore_mem>>) src(%dma_wait3A_153 : memref<64x128xf32, #tpu.memory_space<vmem_shared>>) dst(%dma_wait3A_151 : memref<64x128xf32, #tpu.memory_space<hbm>>)
      tpu.yield
    }) : () -> ()
    %mul3A_98 = arith.constant 11 : i32
    %mul3A_99 = arith.muli %arg1, %mul3A_98 : i32
    %add3A_100 = arith.constant 3 : i32
    %add3A_101 = arith.addi %mul3A_99, %add3A_100 : i32
    %mul3A_102 = arith.constant 64 : i32
    %mul3A_103 = arith.muli %add3A_101, %mul3A_102 : i32
    "tpu.region"() ({
      %run_scoped3A = tpu.sem_alloc : memref<!tpu.dma_semaphore, #tpu.memory_space<semaphore_mem>>
      %dma_start3A = arith.constant 0 : i32
      %dma_start3A_146 = tpu.memref_slice %arg5[%arg0, %mul3A_103, %dma_start3A] : memref<2x11264x128xf32, #tpu.memory_space<hbm>> -> memref<1x64x128xf32, #tpu.memory_space<hbm>>
      %dma_start3A_147 = tpu.memref_squeeze %dma_start3A_146 : memref<1x64x128xf32, #tpu.memory_space<hbm>> -> memref<64x128xf32, #tpu.memory_space<hbm>>
      %dma_start3A_148 = arith.constant 0 : i32
      %dma_start3A_149 = tpu.memref_slice %arg9[%mul3A_103, %dma_start3A_148] : memref<11264x128xf32, #tpu.memory_space<vmem_shared>> -> memref<64x128xf32, #tpu.memory_space<vmem_shared>>
      tpu.enqueue_dma source(%dma_start3A_149 : memref<64x128xf32, #tpu.memory_space<vmem_shared>>) target(%dma_start3A_147 : memref<64x128xf32, #tpu.memory_space<hbm>>) target_semaphore(%run_scoped3A : memref<!tpu.dma_semaphore, #tpu.memory_space<semaphore_mem>>)
      %dma_wait3A = arith.constant 0 : i32
      %dma_wait3A_150 = tpu.memref_slice %arg5[%arg0, %mul3A_103, %dma_wait3A] : memref<2x11264x128xf32, #tpu.memory_space<hbm>> -> memref<1x64x128xf32, #tpu.memory_space<hbm>>
      %dma_wait3A_151 = tpu.memref_squeeze %dma_wait3A_150 : memref<1x64x128xf32, #tpu.memory_space<hbm>> -> memref<64x128xf32, #tpu.memory_space<hbm>>
      %dma_wait3A_152 = arith.constant 0 : i32
      %dma_wait3A_153 = tpu.memref_slice %arg9[%mul3A_103, %dma_wait3A_152] : memref<11264x128xf32, #tpu.memory_space<vmem_shared>> -> memref<64x128xf32, #tpu.memory_space<vmem_shared>>
      tpu.wait_dma2 semaphore(%run_scoped3A : memref<!tpu.dma_semaphore, #tpu.memory_space<semaphore_mem>>) src(%dma_wait3A_153 : memref<64x128xf32, #tpu.memory_space<vmem_shared>>) dst(%dma_wait3A_151 : memref<64x128xf32, #tpu.memory_space<hbm>>)
      tpu.yield
    }) : () -> ()
    %mul3A_104 = arith.constant 11 : i32
    %mul3A_105 = arith.muli %arg1, %mul3A_104 : i32
    %add3A_106 = arith.constant 4 : i32
    %add3A_107 = arith.addi %mul3A_105, %add3A_106 : i32
    %mul3A_108 = arith.constant 64 : i32
    %mul3A_109 = arith.muli %add3A_107, %mul3A_108 : i32
    "tpu.region"() ({
      %run_scoped3A = tpu.sem_alloc : memref<!tpu.dma_semaphore, #tpu.memory_space<semaphore_mem>>
      %dma_start3A = arith.constant 0 : i32
      %dma_start3A_146 = tpu.memref_slice %arg5[%arg0, %mul3A_109, %dma_start3A] : memref<2x11264x128xf32, #tpu.memory_space<hbm>> -> memref<1x64x128xf32, #tpu.memory_space<hbm>>
      %dma_start3A_147 = tpu.memref_squeeze %dma_start3A_146 : memref<1x64x128xf32, #tpu.memory_space<hbm>> -> memref<64x128xf32, #tpu.memory_space<hbm>>
      %dma_start3A_148 = arith.constant 0 : i32
      %dma_start3A_149 = tpu.memref_slice %arg9[%mul3A_109, %dma_start3A_148] : memref<11264x128xf32, #tpu.memory_space<vmem_shared>> -> memref<64x128xf32, #tpu.memory_space<vmem_shared>>
      tpu.enqueue_dma source(%dma_start3A_149 : memref<64x128xf32, #tpu.memory_space<vmem_shared>>) target(%dma_start3A_147 : memref<64x128xf32, #tpu.memory_space<hbm>>) target_semaphore(%run_scoped3A : memref<!tpu.dma_semaphore, #tpu.memory_space<semaphore_mem>>)
      %dma_wait3A = arith.constant 0 : i32
      %dma_wait3A_150 = tpu.memref_slice %arg5[%arg0, %mul3A_109, %dma_wait3A] : memref<2x11264x128xf32, #tpu.memory_space<hbm>> -> memref<1x64x128xf32, #tpu.memory_space<hbm>>
      %dma_wait3A_151 = tpu.memref_squeeze %dma_wait3A_150 : memref<1x64x128xf32, #tpu.memory_space<hbm>> -> memref<64x128xf32, #tpu.memory_space<hbm>>
      %dma_wait3A_152 = arith.constant 0 : i32
      %dma_wait3A_153 = tpu.memref_slice %arg9[%mul3A_109, %dma_wait3A_152] : memref<11264x128xf32, #tpu.memory_space<vmem_shared>> -> memref<64x128xf32, #tpu.memory_space<vmem_shared>>
      tpu.wait_dma2 semaphore(%run_scoped3A : memref<!tpu.dma_semaphore, #tpu.memory_space<semaphore_mem>>) src(%dma_wait3A_153 : memref<64x128xf32, #tpu.memory_space<vmem_shared>>) dst(%dma_wait3A_151 : memref<64x128xf32, #tpu.memory_space<hbm>>)
      tpu.yield
    }) : () -> ()
    %mul3A_110 = arith.constant 11 : i32
    %mul3A_111 = arith.muli %arg1, %mul3A_110 : i32
    %add3A_112 = arith.constant 5 : i32
    %add3A_113 = arith.addi %mul3A_111, %add3A_112 : i32
    %mul3A_114 = arith.constant 64 : i32
    %mul3A_115 = arith.muli %add3A_113, %mul3A_114 : i32
    "tpu.region"() ({
      %run_scoped3A = tpu.sem_alloc : memref<!tpu.dma_semaphore, #tpu.memory_space<semaphore_mem>>
      %dma_start3A = arith.constant 0 : i32
      %dma_start3A_146 = tpu.memref_slice %arg5[%arg0, %mul3A_115, %dma_start3A] : memref<2x11264x128xf32, #tpu.memory_space<hbm>> -> memref<1x64x128xf32, #tpu.memory_space<hbm>>
      %dma_start3A_147 = tpu.memref_squeeze %dma_start3A_146 : memref<1x64x128xf32, #tpu.memory_space<hbm>> -> memref<64x128xf32, #tpu.memory_space<hbm>>
      %dma_start3A_148 = arith.constant 0 : i32
      %dma_start3A_149 = tpu.memref_slice %arg9[%mul3A_115, %dma_start3A_148] : memref<11264x128xf32, #tpu.memory_space<vmem_shared>> -> memref<64x128xf32, #tpu.memory_space<vmem_shared>>
      tpu.enqueue_dma source(%dma_start3A_149 : memref<64x128xf32, #tpu.memory_space<vmem_shared>>) target(%dma_start3A_147 : memref<64x128xf32, #tpu.memory_space<hbm>>) target_semaphore(%run_scoped3A : memref<!tpu.dma_semaphore, #tpu.memory_space<semaphore_mem>>)
      %dma_wait3A = arith.constant 0 : i32
      %dma_wait3A_150 = tpu.memref_slice %arg5[%arg0, %mul3A_115, %dma_wait3A] : memref<2x11264x128xf32, #tpu.memory_space<hbm>> -> memref<1x64x128xf32, #tpu.memory_space<hbm>>
      %dma_wait3A_151 = tpu.memref_squeeze %dma_wait3A_150 : memref<1x64x128xf32, #tpu.memory_space<hbm>> -> memref<64x128xf32, #tpu.memory_space<hbm>>
      %dma_wait3A_152 = arith.constant 0 : i32
      %dma_wait3A_153 = tpu.memref_slice %arg9[%mul3A_115, %dma_wait3A_152] : memref<11264x128xf32, #tpu.memory_space<vmem_shared>> -> memref<64x128xf32, #tpu.memory_space<vmem_shared>>
      tpu.wait_dma2 semaphore(%run_scoped3A : memref<!tpu.dma_semaphore, #tpu.memory_space<semaphore_mem>>) src(%dma_wait3A_153 : memref<64x128xf32, #tpu.memory_space<vmem_shared>>) dst(%dma_wait3A_151 : memref<64x128xf32, #tpu.memory_space<hbm>>)
      tpu.yield
    }) : () -> ()
    %mul3A_116 = arith.constant 11 : i32
    %mul3A_117 = arith.muli %arg1, %mul3A_116 : i32
    %add3A_118 = arith.constant 6 : i32
    %add3A_119 = arith.addi %mul3A_117, %add3A_118 : i32
    %mul3A_120 = arith.constant 64 : i32
    %mul3A_121 = arith.muli %add3A_119, %mul3A_120 : i32
    "tpu.region"() ({
      %run_scoped3A = tpu.sem_alloc : memref<!tpu.dma_semaphore, #tpu.memory_space<semaphore_mem>>
      %dma_start3A = arith.constant 0 : i32
      %dma_start3A_146 = tpu.memref_slice %arg5[%arg0, %mul3A_121, %dma_start3A] : memref<2x11264x128xf32, #tpu.memory_space<hbm>> -> memref<1x64x128xf32, #tpu.memory_space<hbm>>
      %dma_start3A_147 = tpu.memref_squeeze %dma_start3A_146 : memref<1x64x128xf32, #tpu.memory_space<hbm>> -> memref<64x128xf32, #tpu.memory_space<hbm>>
      %dma_start3A_148 = arith.constant 0 : i32
      %dma_start3A_149 = tpu.memref_slice %arg9[%mul3A_121, %dma_start3A_148] : memref<11264x128xf32, #tpu.memory_space<vmem_shared>> -> memref<64x128xf32, #tpu.memory_space<vmem_shared>>
      tpu.enqueue_dma source(%dma_start3A_149 : memref<64x128xf32, #tpu.memory_space<vmem_shared>>) target(%dma_start3A_147 : memref<64x128xf32, #tpu.memory_space<hbm>>) target_semaphore(%run_scoped3A : memref<!tpu.dma_semaphore, #tpu.memory_space<semaphore_mem>>)
      %dma_wait3A = arith.constant 0 : i32
      %dma_wait3A_150 = tpu.memref_slice %arg5[%arg0, %mul3A_121, %dma_wait3A] : memref<2x11264x128xf32, #tpu.memory_space<hbm>> -> memref<1x64x128xf32, #tpu.memory_space<hbm>>
      %dma_wait3A_151 = tpu.memref_squeeze %dma_wait3A_150 : memref<1x64x128xf32, #tpu.memory_space<hbm>> -> memref<64x128xf32, #tpu.memory_space<hbm>>
      %dma_wait3A_152 = arith.constant 0 : i32
      %dma_wait3A_153 = tpu.memref_slice %arg9[%mul3A_121, %dma_wait3A_152] : memref<11264x128xf32, #tpu.memory_space<vmem_shared>> -> memref<64x128xf32, #tpu.memory_space<vmem_shared>>
      tpu.wait_dma2 semaphore(%run_scoped3A : memref<!tpu.dma_semaphore, #tpu.memory_space<semaphore_mem>>) src(%dma_wait3A_153 : memref<64x128xf32, #tpu.memory_space<vmem_shared>>) dst(%dma_wait3A_151 : memref<64x128xf32, #tpu.memory_space<hbm>>)
      tpu.yield
    }) : () -> ()
    %mul3A_122 = arith.constant 11 : i32
    %mul3A_123 = arith.muli %arg1, %mul3A_122 : i32
    %add3A_124 = arith.constant 7 : i32
    %add3A_125 = arith.addi %mul3A_123, %add3A_124 : i32
    %mul3A_126 = arith.constant 64 : i32
    %mul3A_127 = arith.muli %add3A_125, %mul3A_126 : i32
    "tpu.region"() ({
      %run_scoped3A = tpu.sem_alloc : memref<!tpu.dma_semaphore, #tpu.memory_space<semaphore_mem>>
      %dma_start3A = arith.constant 0 : i32
      %dma_start3A_146 = tpu.memref_slice %arg5[%arg0, %mul3A_127, %dma_start3A] : memref<2x11264x128xf32, #tpu.memory_space<hbm>> -> memref<1x64x128xf32, #tpu.memory_space<hbm>>
      %dma_start3A_147 = tpu.memref_squeeze %dma_start3A_146 : memref<1x64x128xf32, #tpu.memory_space<hbm>> -> memref<64x128xf32, #tpu.memory_space<hbm>>
      %dma_start3A_148 = arith.constant 0 : i32
      %dma_start3A_149 = tpu.memref_slice %arg9[%mul3A_127, %dma_start3A_148] : memref<11264x128xf32, #tpu.memory_space<vmem_shared>> -> memref<64x128xf32, #tpu.memory_space<vmem_shared>>
      tpu.enqueue_dma source(%dma_start3A_149 : memref<64x128xf32, #tpu.memory_space<vmem_shared>>) target(%dma_start3A_147 : memref<64x128xf32, #tpu.memory_space<hbm>>) target_semaphore(%run_scoped3A : memref<!tpu.dma_semaphore, #tpu.memory_space<semaphore_mem>>)
      %dma_wait3A = arith.constant 0 : i32
      %dma_wait3A_150 = tpu.memref_slice %arg5[%arg0, %mul3A_127, %dma_wait3A] : memref<2x11264x128xf32, #tpu.memory_space<hbm>> -> memref<1x64x128xf32, #tpu.memory_space<hbm>>
      %dma_wait3A_151 = tpu.memref_squeeze %dma_wait3A_150 : memref<1x64x128xf32, #tpu.memory_space<hbm>> -> memref<64x128xf32, #tpu.memory_space<hbm>>
      %dma_wait3A_152 = arith.constant 0 : i32
      %dma_wait3A_153 = tpu.memref_slice %arg9[%mul3A_127, %dma_wait3A_152] : memref<11264x128xf32, #tpu.memory_space<vmem_shared>> -> memref<64x128xf32, #tpu.memory_space<vmem_shared>>
      tpu.wait_dma2 semaphore(%run_scoped3A : memref<!tpu.dma_semaphore, #tpu.memory_space<semaphore_mem>>) src(%dma_wait3A_153 : memref<64x128xf32, #tpu.memory_space<vmem_shared>>) dst(%dma_wait3A_151 : memref<64x128xf32, #tpu.memory_space<hbm>>)
      tpu.yield
    }) : () -> ()
    %mul3A_128 = arith.constant 11 : i32
    %mul3A_129 = arith.muli %arg1, %mul3A_128 : i32
    %add3A_130 = arith.constant 8 : i32
    %add3A_131 = arith.addi %mul3A_129, %add3A_130 : i32
    %mul3A_132 = arith.constant 64 : i32
    %mul3A_133 = arith.muli %add3A_131, %mul3A_132 : i32
    "tpu.region"() ({
      %run_scoped3A = tpu.sem_alloc : memref<!tpu.dma_semaphore, #tpu.memory_space<semaphore_mem>>
      %dma_start3A = arith.constant 0 : i32
      %dma_start3A_146 = tpu.memref_slice %arg5[%arg0, %mul3A_133, %dma_start3A] : memref<2x11264x128xf32, #tpu.memory_space<hbm>> -> memref<1x64x128xf32, #tpu.memory_space<hbm>>
      %dma_start3A_147 = tpu.memref_squeeze %dma_start3A_146 : memref<1x64x128xf32, #tpu.memory_space<hbm>> -> memref<64x128xf32, #tpu.memory_space<hbm>>
      %dma_start3A_148 = arith.constant 0 : i32
      %dma_start3A_149 = tpu.memref_slice %arg9[%mul3A_133, %dma_start3A_148] : memref<11264x128xf32, #tpu.memory_space<vmem_shared>> -> memref<64x128xf32, #tpu.memory_space<vmem_shared>>
      tpu.enqueue_dma source(%dma_start3A_149 : memref<64x128xf32, #tpu.memory_space<vmem_shared>>) target(%dma_start3A_147 : memref<64x128xf32, #tpu.memory_space<hbm>>) target_semaphore(%run_scoped3A : memref<!tpu.dma_semaphore, #tpu.memory_space<semaphore_mem>>)
      %dma_wait3A = arith.constant 0 : i32
      %dma_wait3A_150 = tpu.memref_slice %arg5[%arg0, %mul3A_133, %dma_wait3A] : memref<2x11264x128xf32, #tpu.memory_space<hbm>> -> memref<1x64x128xf32, #tpu.memory_space<hbm>>
      %dma_wait3A_151 = tpu.memref_squeeze %dma_wait3A_150 : memref<1x64x128xf32, #tpu.memory_space<hbm>> -> memref<64x128xf32, #tpu.memory_space<hbm>>
      %dma_wait3A_152 = arith.constant 0 : i32
      %dma_wait3A_153 = tpu.memref_slice %arg9[%mul3A_133, %dma_wait3A_152] : memref<11264x128xf32, #tpu.memory_space<vmem_shared>> -> memref<64x128xf32, #tpu.memory_space<vmem_shared>>
      tpu.wait_dma2 semaphore(%run_scoped3A : memref<!tpu.dma_semaphore, #tpu.memory_space<semaphore_mem>>) src(%dma_wait3A_153 : memref<64x128xf32, #tpu.memory_space<vmem_shared>>) dst(%dma_wait3A_151 : memref<64x128xf32, #tpu.memory_space<hbm>>)
      tpu.yield
    }) : () -> ()
    %mul3A_134 = arith.constant 11 : i32
    %mul3A_135 = arith.muli %arg1, %mul3A_134 : i32
    %add3A_136 = arith.constant 9 : i32
    %add3A_137 = arith.addi %mul3A_135, %add3A_136 : i32
    %mul3A_138 = arith.constant 64 : i32
    %mul3A_139 = arith.muli %add3A_137, %mul3A_138 : i32
    "tpu.region"() ({
      %run_scoped3A = tpu.sem_alloc : memref<!tpu.dma_semaphore, #tpu.memory_space<semaphore_mem>>
      %dma_start3A = arith.constant 0 : i32
      %dma_start3A_146 = tpu.memref_slice %arg5[%arg0, %mul3A_139, %dma_start3A] : memref<2x11264x128xf32, #tpu.memory_space<hbm>> -> memref<1x64x128xf32, #tpu.memory_space<hbm>>
      %dma_start3A_147 = tpu.memref_squeeze %dma_start3A_146 : memref<1x64x128xf32, #tpu.memory_space<hbm>> -> memref<64x128xf32, #tpu.memory_space<hbm>>
      %dma_start3A_148 = arith.constant 0 : i32
      %dma_start3A_149 = tpu.memref_slice %arg9[%mul3A_139, %dma_start3A_148] : memref<11264x128xf32, #tpu.memory_space<vmem_shared>> -> memref<64x128xf32, #tpu.memory_space<vmem_shared>>
      tpu.enqueue_dma source(%dma_start3A_149 : memref<64x128xf32, #tpu.memory_space<vmem_shared>>) target(%dma_start3A_147 : memref<64x128xf32, #tpu.memory_space<hbm>>) target_semaphore(%run_scoped3A : memref<!tpu.dma_semaphore, #tpu.memory_space<semaphore_mem>>)
      %dma_wait3A = arith.constant 0 : i32
      %dma_wait3A_150 = tpu.memref_slice %arg5[%arg0, %mul3A_139, %dma_wait3A] : memref<2x11264x128xf32, #tpu.memory_space<hbm>> -> memref<1x64x128xf32, #tpu.memory_space<hbm>>
      %dma_wait3A_151 = tpu.memref_squeeze %dma_wait3A_150 : memref<1x64x128xf32, #tpu.memory_space<hbm>> -> memref<64x128xf32, #tpu.memory_space<hbm>>
      %dma_wait3A_152 = arith.constant 0 : i32
      %dma_wait3A_153 = tpu.memref_slice %arg9[%mul3A_139, %dma_wait3A_152] : memref<11264x128xf32, #tpu.memory_space<vmem_shared>> -> memref<64x128xf32, #tpu.memory_space<vmem_shared>>
      tpu.wait_dma2 semaphore(%run_scoped3A : memref<!tpu.dma_semaphore, #tpu.memory_space<semaphore_mem>>) src(%dma_wait3A_153 : memref<64x128xf32, #tpu.memory_space<vmem_shared>>) dst(%dma_wait3A_151 : memref<64x128xf32, #tpu.memory_space<hbm>>)
      tpu.yield
    }) : () -> ()
    %mul3A_140 = arith.constant 11 : i32
    %mul3A_141 = arith.muli %arg1, %mul3A_140 : i32
    %add3A_142 = arith.constant 10 : i32
    %add3A_143 = arith.addi %mul3A_141, %add3A_142 : i32
    %mul3A_144 = arith.constant 64 : i32
    %mul3A_145 = arith.muli %add3A_143, %mul3A_144 : i32
    "tpu.region"() ({
      %run_scoped3A = tpu.sem_alloc : memref<!tpu.dma_semaphore, #tpu.memory_space<semaphore_mem>>
      %dma_start3A = arith.constant 0 : i32
      %dma_start3A_146 = tpu.memref_slice %arg5[%arg0, %mul3A_145, %dma_start3A] : memref<2x11264x128xf32, #tpu.memory_space<hbm>> -> memref<1x64x128xf32, #tpu.memory_space<hbm>>
      %dma_start3A_147 = tpu.memref_squeeze %dma_start3A_146 : memref<1x64x128xf32, #tpu.memory_space<hbm>> -> memref<64x128xf32, #tpu.memory_space<hbm>>
      %dma_start3A_148 = arith.constant 0 : i32
      %dma_start3A_149 = tpu.memref_slice %arg9[%mul3A_145, %dma_start3A_148] : memref<11264x128xf32, #tpu.memory_space<vmem_shared>> -> memref<64x128xf32, #tpu.memory_space<vmem_shared>>
      tpu.enqueue_dma source(%dma_start3A_149 : memref<64x128xf32, #tpu.memory_space<vmem_shared>>) target(%dma_start3A_147 : memref<64x128xf32, #tpu.memory_space<hbm>>) target_semaphore(%run_scoped3A : memref<!tpu.dma_semaphore, #tpu.memory_space<semaphore_mem>>)
      %dma_wait3A = arith.constant 0 : i32
      %dma_wait3A_150 = tpu.memref_slice %arg5[%arg0, %mul3A_145, %dma_wait3A] : memref<2x11264x128xf32, #tpu.memory_space<hbm>> -> memref<1x64x128xf32, #tpu.memory_space<hbm>>
      %dma_wait3A_151 = tpu.memref_squeeze %dma_wait3A_150 : memref<1x64x128xf32, #tpu.memory_space<hbm>> -> memref<64x128xf32, #tpu.memory_space<hbm>>
      %dma_wait3A_152 = arith.constant 0 : i32
      %dma_wait3A_153 = tpu.memref_slice %arg9[%mul3A_145, %dma_wait3A_152] : memref<11264x128xf32, #tpu.memory_space<vmem_shared>> -> memref<64x128xf32, #tpu.memory_space<vmem_shared>>
      tpu.wait_dma2 semaphore(%run_scoped3A : memref<!tpu.dma_semaphore, #tpu.memory_space<semaphore_mem>>) src(%dma_wait3A_153 : memref<64x128xf32, #tpu.memory_space<vmem_shared>>) dst(%dma_wait3A_151 : memref<64x128xf32, #tpu.memory_space<hbm>>)
      tpu.yield
    }) : () -> ()
    return
  }
}

module attributes {stable_mosaic.version = 14 : i64} {
  func.func @body(%arg0: i32, %arg1: memref<2000x128xf32, #tpu.memory_space<vmem>>, %arg2: memref<128x128xf32, #tpu.memory_space<vmem>>, %arg3: memref<2000x2xf32, #tpu.memory_space<vmem>>, %arg4: memref<2000x128xf32, #tpu.memory_space<vmem>>) attributes {dimension_semantics = [#tpu.dimension_semantics<arbitrary>], iteration_bounds = array<i64: 5>, scalar_prefetch = 0 : i64, scratch_operands = 0 : i64, tpu.core_type = #tpu.core_type<tc>, window_params = [{transform_indices = @transform_0, window_bounds = array<i64: 2000, 128>}, {pipeline_mode = #tpu.pipeline_mode<synchronous>, transform_indices = @transform_1, window_bounds = array<i64: 128, 128>}, {transform_indices = @transform_2, window_bounds = array<i64: 2000, 2>}, {transform_indices = @transform_3, window_bounds = array<i64: 2000, 128>}]} {
    %get3A = arith.constant 0 : index
    %get3A_0 = arith.constant 0 : index
    %get3A_1 = vector.load %arg3[%get3A, %get3A_0] : memref<2000x2xf32, #tpu.memory_space<vmem>>, vector<2000x1xf32>
    %get3A_2 = arith.constant 0 : index
    %get3A_3 = arith.constant 1 : index
    %get3A_4 = vector.load %arg3[%get3A_2, %get3A_3] : memref<2000x2xf32, #tpu.memory_space<vmem>>, vector<2000x1xf32>
    %add3A = arith.addf %get3A_1, %get3A_4 : vector<2000x1xf32>
    %add3A_5 = arith.constant 1.000000e+00 : f32
    %add3A_6 = vector.broadcast %add3A_5 : f32 to vector<2000x1xf32>
    %add3A_7 = arith.addf %add3A, %add3A_6 : vector<2000x1xf32>
    %rsqrt3A = math.rsqrt %add3A_7 : vector<2000x1xf32>
    %get3A_8 = arith.constant 0 : index
    %get3A_9 = arith.constant 0 : index
    %get3A_10 = vector.load %arg1[%get3A_8, %get3A_9] : memref<2000x128xf32, #tpu.memory_space<vmem>>, vector<2000x128xf32>
    %get3A_11 = arith.constant 0 : index
    %get3A_12 = arith.constant 0 : index
    %get3A_13 = vector.load %arg2[%get3A_11, %get3A_12] : memref<128x128xf32, #tpu.memory_space<vmem>>, vector<128x128xf32>
    %dot_general3A = arith.constant dense<0.000000e+00> : vector<2000x128xf32>
    %dot_general3A_14 = tpu.matmul %get3A_10, %get3A_13, %dot_general3A {dimension_numbers = #tpu.dot_dimension_numbers<[1], [0], [0], [1], [0, 0, 1, 1], [], []>, transpose_lhs_hint = false} : vector<2000x128xf32>, vector<128x128xf32>, vector<2000x128xf32> -> vector<2000x128xf32>
    %mul3A = vector.broadcast %rsqrt3A : vector<2000x1xf32> to vector<2000x128xf32>
    %mul3A_15 = arith.mulf %dot_general3A_14, %mul3A : vector<2000x128xf32>
    %swap3A = arith.constant 0 : index
    %swap3A_16 = arith.constant 0 : index
    %swap3A_17 = vector.load %arg4[%swap3A, %swap3A_16] : memref<2000x128xf32, #tpu.memory_space<vmem>>, vector<2000x128xf32>
    tpu.vector_store %arg4[%swap3A, %swap3A_16], %mul3A_15 {strides = array<i32>} : memref<2000x128xf32, #tpu.memory_space<vmem>>, vector<2000x128xf32>,
    return
  }
  func.func @transform_0(%arg0: i32) -> (i32, i32) {
    %c0_i32 = arith.constant 0 : i32
    %c0_i32_0 = arith.constant 0 : i32
    return %arg0, %c0_i32 : i32, i32
  }
  func.func @transform_1(%arg0: i32) -> (i32, i32) {
    %c0_i32 = arith.constant 0 : i32
    %c0_i32_0 = arith.constant 0 : i32
    %c0_i32_1 = arith.constant 0 : i32
    return %c0_i32, %c0_i32_0 : i32, i32
  }
  func.func @transform_2(%arg0: i32) -> (i32, i32) {
    %c0_i32 = arith.constant 0 : i32
    %c0_i32_0 = arith.constant 0 : i32
    return %arg0, %c0_i32 : i32, i32
  }
  func.func @transform_3(%arg0: i32) -> (i32, i32) {
    %c0_i32 = arith.constant 0 : i32
    %c0_i32_0 = arith.constant 0 : i32
    return %arg0, %c0_i32 : i32, i32
  }
}

module attributes {stable_mosaic.version = 14 : i64} {
  func.func @body(%arg0: i32, %arg1: memref<2x2000x128xf32, #tpu.memory_space<vmem>>, %arg2: memref<2000x128xf32, #tpu.memory_space<vmem>>, %arg3: memref<2000x2xf32, #tpu.memory_space<vmem>>, %arg4: memref<128x128xf32, #tpu.memory_space<vmem>>, %arg5: memref<1x128xf32, #tpu.memory_space<vmem>>, %arg6: memref<1x128xf32, #tpu.memory_space<vmem>>, %arg7: memref<1x1x2000xi32, #tpu.memory_space<vmem>>, %arg8: memref<2000x128xf32, #tpu.memory_space<vmem>>, %arg9: memref<128x128xf32, #tpu.memory_space<vmem>>) attributes {dimension_semantics = [#tpu.dimension_semantics<arbitrary>], iteration_bounds = array<i64: 5>, scalar_prefetch = 0 : i64, scratch_operands = 0 : i64, tpu.core_type = #tpu.core_type<tc>, window_params = [{transform_indices = @transform_0, window_bounds = array<i64: 2, 2000, 128>}, {transform_indices = @transform_1, window_bounds = array<i64: 2000, 128>}, {transform_indices = @transform_2, window_bounds = array<i64: 2000, 2>}, {pipeline_mode = #tpu.pipeline_mode<synchronous>, transform_indices = @transform_3, window_bounds = array<i64: 128, 128>}, {pipeline_mode = #tpu.pipeline_mode<synchronous>, transform_indices = @transform_4, window_bounds = array<i64: 1, 128>}, {pipeline_mode = #tpu.pipeline_mode<synchronous>, transform_indices = @transform_5, window_bounds = array<i64: 1, 128>}, {transform_indices = @transform_6, window_bounds = array<i64: 1, 1, 2000>}, {transform_indices = @transform_7, window_bounds = array<i64: 2000, 128>}, {pipeline_mode = #tpu.pipeline_mode<synchronous>, transform_indices = @transform_8, window_bounds = array<i64: 128, 128>}]} {
    %get3A = arith.constant 0 : index
    %get3A_0 = arith.constant 0 : index
    %get3A_1 = vector.load %arg3[%get3A, %get3A_0] : memref<2000x2xf32, #tpu.memory_space<vmem>>, vector<2000x1xf32>
    %get3A_2 = arith.constant 0 : index
    %get3A_3 = arith.constant 1 : index
    %get3A_4 = vector.load %arg3[%get3A_2, %get3A_3] : memref<2000x2xf32, #tpu.memory_space<vmem>>, vector<2000x1xf32>
    %add3A = arith.addf %get3A_1, %get3A_4 : vector<2000x1xf32>
    %add3A_5 = arith.constant 1.000000e+00 : f32
    %add3A_6 = vector.broadcast %add3A_5 : f32 to vector<2000x1xf32>
    %add3A_7 = arith.addf %add3A, %add3A_6 : vector<2000x1xf32>
    %rsqrt3A = math.rsqrt %add3A_7 : vector<2000x1xf32>
    %get3A_8 = arith.constant 0 : index
    %get3A_9 = arith.constant 0 : index
    %get3A_10 = arith.constant 0 : index
    %get3A_11 = vector.load %arg1[%get3A_8, %get3A_9, %get3A_10] : memref<2x2000x128xf32, #tpu.memory_space<vmem>>, vector<1x2000x128xf32>
    %get3A_12 = vector.shape_cast %get3A_11 : vector<1x2000x128xf32> to vector<2000x128xf32>
    %get3A_13 = arith.constant 1 : index
    %get3A_14 = arith.constant 0 : index
    %get3A_15 = arith.constant 0 : index
    %get3A_16 = vector.load %arg1[%get3A_13, %get3A_14, %get3A_15] : memref<2x2000x128xf32, #tpu.memory_space<vmem>>, vector<1x2000x128xf32>
    %get3A_17 = vector.shape_cast %get3A_16 : vector<1x2000x128xf32> to vector<2000x128xf32>
    %add3A_18 = arith.addf %get3A_12, %get3A_17 : vector<2000x128xf32>
    %get3A_19 = arith.constant 0 : index
    %get3A_20 = arith.constant 0 : index
    %get3A_21 = vector.load %arg2[%get3A_19, %get3A_20] : memref<2000x128xf32, #tpu.memory_space<vmem>>, vector<2000x128xf32>
    %add3A_22 = arith.addf %add3A_18, %get3A_21 : vector<2000x128xf32>
    %mul3A = vector.broadcast %rsqrt3A : vector<2000x1xf32> to vector<2000x128xf32>
    %mul3A_23 = arith.mulf %mul3A, %add3A_22 : vector<2000x128xf32>
    %get3A_24 = arith.constant 0 : index
    %get3A_25 = arith.constant 0 : index
    %get3A_26 = vector.load %arg5[%get3A_24, %get3A_25] : memref<1x128xf32, #tpu.memory_space<vmem>>, vector<1x128xf32>
    %add3A_27 = vector.broadcast %get3A_26 : vector<1x128xf32> to vector<2000x128xf32>
    %add3A_28 = arith.addf %mul3A_23, %add3A_27 : vector<2000x128xf32>
    %ge3A = arith.constant 0.000000e+00 : f32
    %ge3A_29 = vector.broadcast %ge3A : f32 to vector<2000x128xf32>
    %ge3A_30 = arith.cmpf oge, %add3A_28, %ge3A_29 : vector<2000x128xf32>
    %get3A_31 = arith.constant 0 : index
    %get3A_32 = arith.constant 0 : index
    %get3A_33 = vector.load %arg6[%get3A_31, %get3A_32] : memref<1x128xf32, #tpu.memory_space<vmem>>, vector<1x128xf32>
    %mul3A_34 = vector.broadcast %get3A_33 : vector<1x128xf32> to vector<2000x128xf32>
    %mul3A_35 = arith.mulf %mul3A_34, %add3A_28 : vector<2000x128xf32>
    %select_n3A = arith.select %ge3A_30, %add3A_28, %mul3A_35 : vector<2000x128xi1>, vector<2000x128xf32>
    %get3A_36 = arith.constant 0 : index
    %get3A_37 = arith.constant 0 : index
    %get3A_38 = arith.constant 0 : index
    %get3A_39 = vector.load %arg7[%get3A_36, %get3A_37, %get3A_38] : memref<1x1x2000xi32, #tpu.memory_space<vmem>>, vector<1x1x2000xi32>
    %get3A_40 = vector.shape_cast %get3A_39 : vector<1x1x2000xi32> to vector<1x2000xi32>
    %iota3A = tpu.iota {dimensions = array<i32: 0>} : vector<128x2000xi32>
    %eq3A = vector.broadcast %get3A_40 : vector<1x2000xi32> to vector<128x2000xi32>
    %eq3A_41 = arith.cmpi eq, %eq3A, %iota3A : vector<128x2000xi32>
    %convert_element_type3A = arith.extui %eq3A_41 : vector<128x2000xi1> to vector<128x2000xi32>
    %convert_element_type3A_42 = arith.sitofp %convert_element_type3A : vector<128x2000xi32> to vector<128x2000xf32>
    %dot_general3A = arith.constant dense<0.000000e+00> : vector<128x128xf32>
    %dot_general3A_43 = tpu.matmul %convert_element_type3A_42, %select_n3A, %dot_general3A {dimension_numbers = #tpu.dot_dimension_numbers<[1], [0], [0], [1], [0, 0, 1, 1], [], []>, transpose_lhs_hint = false} : vector<128x2000xf32>, vector<2000x128xf32>, vector<128x128xf32> -> vector<128x128xf32>
    %eq3A_44 = arith.constant 0 : i32
    %eq3A_45 = arith.cmpi eq, %arg0, %eq3A_44 : i32
    %convert_element_type3A_46 = arith.extui %eq3A_45 : i1 to i32
    %cond3A = arith.constant 0 : i32
    %cond3A_47 = arith.cmpi ne, %convert_element_type3A_46, %cond3A : i32
    scf.if %cond3A_47 {
      %swap3A_61 = arith.constant 0 : index
      %swap3A_62 = arith.constant 0 : index
      %swap3A_63 = vector.load %arg9[%swap3A_61, %swap3A_62] : memref<128x128xf32, #tpu.memory_space<vmem>>, vector<128x128xf32>
      tpu.vector_store %arg9[%swap3A_61, %swap3A_62], %dot_general3A_43 {strides = array<i32>} : memref<128x128xf32, #tpu.memory_space<vmem>>, vector<128x128xf32>,
    } else {
    }
    %gt3A = arith.constant 0 : i32
    %gt3A_48 = arith.cmpi sgt, %arg0, %gt3A : i32
    %convert_element_type3A_49 = arith.extui %gt3A_48 : i1 to i32
    %cond3A_50 = arith.constant 0 : i32
    %cond3A_51 = arith.cmpi ne, %convert_element_type3A_49, %cond3A_50 : i32
    scf.if %cond3A_51 {
      %get3A_61 = arith.constant 0 : index
      %get3A_62 = arith.constant 0 : index
      %get3A_63 = vector.load %arg9[%get3A_61, %get3A_62] : memref<128x128xf32, #tpu.memory_space<vmem>>, vector<128x128xf32>
      %add3A_64 = arith.addf %get3A_63, %dot_general3A_43 : vector<128x128xf32>
      %swap3A_65 = arith.constant 0 : index
      %swap3A_66 = arith.constant 0 : index
      %swap3A_67 = vector.load %arg9[%swap3A_65, %swap3A_66] : memref<128x128xf32, #tpu.memory_space<vmem>>, vector<128x128xf32>
      tpu.vector_store %arg9[%swap3A_65, %swap3A_66], %add3A_64 {strides = array<i32>} : memref<128x128xf32, #tpu.memory_space<vmem>>, vector<128x128xf32>,
    } else {
    }
    %get3A_52 = arith.constant 0 : index
    %get3A_53 = arith.constant 0 : index
    %get3A_54 = vector.load %arg4[%get3A_52, %get3A_53] : memref<128x128xf32, #tpu.memory_space<vmem>>, vector<128x128xf32>
    %dot_general3A_55 = arith.constant dense<0.000000e+00> : vector<2000x128xf32>
    %dot_general3A_56 = tpu.matmul %select_n3A, %get3A_54, %dot_general3A_55 {dimension_numbers = #tpu.dot_dimension_numbers<[1], [0], [0], [1], [0, 0, 1, 1], [], []>, transpose_lhs_hint = false} : vector<2000x128xf32>, vector<128x128xf32>, vector<2000x128xf32> -> vector<2000x128xf32>
    %mul3A_57 = vector.broadcast %rsqrt3A : vector<2000x1xf32> to vector<2000x128xf32>
    %mul3A_58 = arith.mulf %mul3A_57, %dot_general3A_56 : vector<2000x128xf32>
    %swap3A = arith.constant 0 : index
    %swap3A_59 = arith.constant 0 : index
    %swap3A_60 = vector.load %arg8[%swap3A, %swap3A_59] : memref<2000x128xf32, #tpu.memory_space<vmem>>, vector<2000x128xf32>
    tpu.vector_store %arg8[%swap3A, %swap3A_59], %mul3A_58 {strides = array<i32>} : memref<2000x128xf32, #tpu.memory_space<vmem>>, vector<2000x128xf32>,
    return
  }
  func.func @transform_0(%arg0: i32) -> (i32, i32, i32) {
    %c0_i32 = arith.constant 0 : i32
    %c0_i32_0 = arith.constant 0 : i32
    %c0_i32_1 = arith.constant 0 : i32
    return %c0_i32, %arg0, %c0_i32_0 : i32, i32, i32
  }
  func.func @transform_1(%arg0: i32) -> (i32, i32) {
    %c0_i32 = arith.constant 0 : i32
    %c0_i32_0 = arith.constant 0 : i32
    return %arg0, %c0_i32 : i32, i32
  }
  func.func @transform_2(%arg0: i32) -> (i32, i32) {
    %c0_i32 = arith.constant 0 : i32
    %c0_i32_0 = arith.constant 0 : i32
    return %arg0, %c0_i32 : i32, i32
  }
  func.func @transform_3(%arg0: i32) -> (i32, i32) {
    %c0_i32 = arith.constant 0 : i32
    %c0_i32_0 = arith.constant 0 : i32
    %c0_i32_1 = arith.constant 0 : i32
    return %c0_i32, %c0_i32_0 : i32, i32
  }
  func.func @transform_4(%arg0: i32) -> (i32, i32) {
    %c0_i32 = arith.constant 0 : i32
    %c0_i32_0 = arith.constant 0 : i32
    %c0_i32_1 = arith.constant 0 : i32
    return %c0_i32, %c0_i32_0 : i32, i32
  }
  func.func @transform_5(%arg0: i32) -> (i32, i32) {
    %c0_i32 = arith.constant 0 : i32
    %c0_i32_0 = arith.constant 0 : i32
    %c0_i32_1 = arith.constant 0 : i32
    return %c0_i32, %c0_i32_0 : i32, i32
  }
  func.func @transform_6(%arg0: i32) -> (i32, i32, i32) {
    %c0_i32 = arith.constant 0 : i32
    %c0_i32_0 = arith.constant 0 : i32
    %c0_i32_1 = arith.constant 0 : i32
    return %arg0, %c0_i32, %c0_i32_0 : i32, i32, i32
  }
  func.func @transform_7(%arg0: i32) -> (i32, i32) {
    %c0_i32 = arith.constant 0 : i32
    %c0_i32_0 = arith.constant 0 : i32
    return %arg0, %c0_i32 : i32, i32
  }
  func.func @transform_8(%arg0: i32) -> (i32, i32) {
    %c0_i32 = arith.constant 0 : i32
    %c0_i32_0 = arith.constant 0 : i32
    %c0_i32_1 = arith.constant 0 : i32
    return %c0_i32, %c0_i32_0 : i32, i32
  }
}

module attributes {stable_mosaic.version = 14 : i64} {
  func.func @body(%arg0: i32, %arg1: memref<2x2000x128xf32, #tpu.memory_space<vmem>>, %arg2: memref<2000x128xf32, #tpu.memory_space<vmem>>, %arg3: memref<2000x2xf32, #tpu.memory_space<vmem>>, %arg4: memref<1x128xf32, #tpu.memory_space<vmem>>, %arg5: memref<1x128xf32, #tpu.memory_space<vmem>>, %arg6: memref<1x1x2000xi32, #tpu.memory_space<vmem>>, %arg7: memref<2000x128xf32, #tpu.memory_space<vmem>>, %arg8: memref<128x128xf32, #tpu.memory_space<vmem>>) attributes {dimension_semantics = [#tpu.dimension_semantics<arbitrary>], iteration_bounds = array<i64: 5>, scalar_prefetch = 0 : i64, scratch_operands = 0 : i64, tpu.core_type = #tpu.core_type<tc>, window_params = [{transform_indices = @transform_0, window_bounds = array<i64: 2, 2000, 128>}, {transform_indices = @transform_1, window_bounds = array<i64: 2000, 128>}, {transform_indices = @transform_2, window_bounds = array<i64: 2000, 2>}, {pipeline_mode = #tpu.pipeline_mode<synchronous>, transform_indices = @transform_3, window_bounds = array<i64: 1, 128>}, {pipeline_mode = #tpu.pipeline_mode<synchronous>, transform_indices = @transform_4, window_bounds = array<i64: 1, 128>}, {transform_indices = @transform_5, window_bounds = array<i64: 1, 1, 2000>}, {transform_indices = @transform_6, window_bounds = array<i64: 2000, 128>}, {pipeline_mode = #tpu.pipeline_mode<synchronous>, transform_indices = @transform_7, window_bounds = array<i64: 128, 128>}]} {
    %get3A = arith.constant 0 : index
    %get3A_0 = arith.constant 0 : index
    %get3A_1 = vector.load %arg3[%get3A, %get3A_0] : memref<2000x2xf32, #tpu.memory_space<vmem>>, vector<2000x1xf32>
    %get3A_2 = arith.constant 0 : index
    %get3A_3 = arith.constant 1 : index
    %get3A_4 = vector.load %arg3[%get3A_2, %get3A_3] : memref<2000x2xf32, #tpu.memory_space<vmem>>, vector<2000x1xf32>
    %add3A = arith.addf %get3A_1, %get3A_4 : vector<2000x1xf32>
    %add3A_5 = arith.constant 1.000000e+00 : f32
    %add3A_6 = vector.broadcast %add3A_5 : f32 to vector<2000x1xf32>
    %add3A_7 = arith.addf %add3A, %add3A_6 : vector<2000x1xf32>
    %rsqrt3A = math.rsqrt %add3A_7 : vector<2000x1xf32>
    %get3A_8 = arith.constant 0 : index
    %get3A_9 = arith.constant 0 : index
    %get3A_10 = arith.constant 0 : index
    %get3A_11 = vector.load %arg1[%get3A_8, %get3A_9, %get3A_10] : memref<2x2000x128xf32, #tpu.memory_space<vmem>>, vector<1x2000x128xf32>
    %get3A_12 = vector.shape_cast %get3A_11 : vector<1x2000x128xf32> to vector<2000x128xf32>
    %get3A_13 = arith.constant 1 : index
    %get3A_14 = arith.constant 0 : index
    %get3A_15 = arith.constant 0 : index
    %get3A_16 = vector.load %arg1[%get3A_13, %get3A_14, %get3A_15] : memref<2x2000x128xf32, #tpu.memory_space<vmem>>, vector<1x2000x128xf32>
    %get3A_17 = vector.shape_cast %get3A_16 : vector<1x2000x128xf32> to vector<2000x128xf32>
    %add3A_18 = arith.addf %get3A_12, %get3A_17 : vector<2000x128xf32>
    %get3A_19 = arith.constant 0 : index
    %get3A_20 = arith.constant 0 : index
    %get3A_21 = vector.load %arg2[%get3A_19, %get3A_20] : memref<2000x128xf32, #tpu.memory_space<vmem>>, vector<2000x128xf32>
    %add3A_22 = arith.addf %add3A_18, %get3A_21 : vector<2000x128xf32>
    %mul3A = vector.broadcast %rsqrt3A : vector<2000x1xf32> to vector<2000x128xf32>
    %mul3A_23 = arith.mulf %mul3A, %add3A_22 : vector<2000x128xf32>
    %get3A_24 = arith.constant 0 : index
    %get3A_25 = arith.constant 0 : index
    %get3A_26 = vector.load %arg4[%get3A_24, %get3A_25] : memref<1x128xf32, #tpu.memory_space<vmem>>, vector<1x128xf32>
    %add3A_27 = vector.broadcast %get3A_26 : vector<1x128xf32> to vector<2000x128xf32>
    %add3A_28 = arith.addf %mul3A_23, %add3A_27 : vector<2000x128xf32>
    %ge3A = arith.constant 0.000000e+00 : f32
    %ge3A_29 = vector.broadcast %ge3A : f32 to vector<2000x128xf32>
    %ge3A_30 = arith.cmpf oge, %add3A_28, %ge3A_29 : vector<2000x128xf32>
    %get3A_31 = arith.constant 0 : index
    %get3A_32 = arith.constant 0 : index
    %get3A_33 = vector.load %arg5[%get3A_31, %get3A_32] : memref<1x128xf32, #tpu.memory_space<vmem>>, vector<1x128xf32>
    %mul3A_34 = vector.broadcast %get3A_33 : vector<1x128xf32> to vector<2000x128xf32>
    %mul3A_35 = arith.mulf %mul3A_34, %add3A_28 : vector<2000x128xf32>
    %select_n3A = arith.select %ge3A_30, %add3A_28, %mul3A_35 : vector<2000x128xi1>, vector<2000x128xf32>
    %swap3A = arith.constant 0 : index
    %swap3A_36 = arith.constant 0 : index
    %swap3A_37 = vector.load %arg7[%swap3A, %swap3A_36] : memref<2000x128xf32, #tpu.memory_space<vmem>>, vector<2000x128xf32>
    tpu.vector_store %arg7[%swap3A, %swap3A_36], %select_n3A {strides = array<i32>} : memref<2000x128xf32, #tpu.memory_space<vmem>>, vector<2000x128xf32>,
    %get3A_38 = arith.constant 0 : index
    %get3A_39 = arith.constant 0 : index
    %get3A_40 = arith.constant 0 : index
    %get3A_41 = vector.load %arg6[%get3A_38, %get3A_39, %get3A_40] : memref<1x1x2000xi32, #tpu.memory_space<vmem>>, vector<1x1x2000xi32>
    %get3A_42 = vector.shape_cast %get3A_41 : vector<1x1x2000xi32> to vector<1x2000xi32>
    %iota3A = tpu.iota {dimensions = array<i32: 0>} : vector<128x2000xi32>
    %eq3A = vector.broadcast %get3A_42 : vector<1x2000xi32> to vector<128x2000xi32>
    %eq3A_43 = arith.cmpi eq, %eq3A, %iota3A : vector<128x2000xi32>
    %convert_element_type3A = arith.extui %eq3A_43 : vector<128x2000xi1> to vector<128x2000xi32>
    %convert_element_type3A_44 = arith.sitofp %convert_element_type3A : vector<128x2000xi32> to vector<128x2000xf32>
    %dot_general3A = arith.constant dense<0.000000e+00> : vector<128x128xf32>
    %dot_general3A_45 = tpu.matmul %convert_element_type3A_44, %select_n3A, %dot_general3A {dimension_numbers = #tpu.dot_dimension_numbers<[1], [0], [0], [1], [0, 0, 1, 1], [], []>, transpose_lhs_hint = false} : vector<128x2000xf32>, vector<2000x128xf32>, vector<128x128xf32> -> vector<128x128xf32>
    %eq3A_46 = arith.constant 0 : i32
    %eq3A_47 = arith.cmpi eq, %arg0, %eq3A_46 : i32
    %convert_element_type3A_48 = arith.extui %eq3A_47 : i1 to i32
    %cond3A = arith.constant 0 : i32
    %cond3A_49 = arith.cmpi ne, %convert_element_type3A_48, %cond3A : i32
    scf.if %cond3A_49 {
      %swap3A_54 = arith.constant 0 : index
      %swap3A_55 = arith.constant 0 : index
      %swap3A_56 = vector.load %arg8[%swap3A_54, %swap3A_55] : memref<128x128xf32, #tpu.memory_space<vmem>>, vector<128x128xf32>
      tpu.vector_store %arg8[%swap3A_54, %swap3A_55], %dot_general3A_45 {strides = array<i32>} : memref<128x128xf32, #tpu.memory_space<vmem>>, vector<128x128xf32>,
    } else {
    }
    %gt3A = arith.constant 0 : i32
    %gt3A_50 = arith.cmpi sgt, %arg0, %gt3A : i32
    %convert_element_type3A_51 = arith.extui %gt3A_50 : i1 to i32
    %cond3A_52 = arith.constant 0 : i32
    %cond3A_53 = arith.cmpi ne, %convert_element_type3A_51, %cond3A_52 : i32
    scf.if %cond3A_53 {
      %get3A_54 = arith.constant 0 : index
      %get3A_55 = arith.constant 0 : index
      %get3A_56 = vector.load %arg8[%get3A_54, %get3A_55] : memref<128x128xf32, #tpu.memory_space<vmem>>, vector<128x128xf32>
      %add3A_57 = arith.addf %get3A_56, %dot_general3A_45 : vector<128x128xf32>
      %swap3A_58 = arith.constant 0 : index
      %swap3A_59 = arith.constant 0 : index
      %swap3A_60 = vector.load %arg8[%swap3A_58, %swap3A_59] : memref<128x128xf32, #tpu.memory_space<vmem>>, vector<128x128xf32>
      tpu.vector_store %arg8[%swap3A_58, %swap3A_59], %add3A_57 {strides = array<i32>} : memref<128x128xf32, #tpu.memory_space<vmem>>, vector<128x128xf32>,
    } else {
    }
    return
  }
  func.func @transform_0(%arg0: i32) -> (i32, i32, i32) {
    %c0_i32 = arith.constant 0 : i32
    %c0_i32_0 = arith.constant 0 : i32
    %c0_i32_1 = arith.constant 0 : i32
    return %c0_i32, %arg0, %c0_i32_0 : i32, i32, i32
  }
  func.func @transform_1(%arg0: i32) -> (i32, i32) {
    %c0_i32 = arith.constant 0 : i32
    %c0_i32_0 = arith.constant 0 : i32
    return %arg0, %c0_i32 : i32, i32
  }
  func.func @transform_2(%arg0: i32) -> (i32, i32) {
    %c0_i32 = arith.constant 0 : i32
    %c0_i32_0 = arith.constant 0 : i32
    return %arg0, %c0_i32 : i32, i32
  }
  func.func @transform_3(%arg0: i32) -> (i32, i32) {
    %c0_i32 = arith.constant 0 : i32
    %c0_i32_0 = arith.constant 0 : i32
    %c0_i32_1 = arith.constant 0 : i32
    return %c0_i32, %c0_i32_0 : i32, i32
  }
  func.func @transform_4(%arg0: i32) -> (i32, i32) {
    %c0_i32 = arith.constant 0 : i32
    %c0_i32_0 = arith.constant 0 : i32
    %c0_i32_1 = arith.constant 0 : i32
    return %c0_i32, %c0_i32_0 : i32, i32
  }
  func.func @transform_5(%arg0: i32) -> (i32, i32, i32) {
    %c0_i32 = arith.constant 0 : i32
    %c0_i32_0 = arith.constant 0 : i32
    %c0_i32_1 = arith.constant 0 : i32
    return %arg0, %c0_i32, %c0_i32_0 : i32, i32, i32
  }
  func.func @transform_6(%arg0: i32) -> (i32, i32) {
    %c0_i32 = arith.constant 0 : i32
    %c0_i32_0 = arith.constant 0 : i32
    return %arg0, %c0_i32 : i32, i32
  }
  func.func @transform_7(%arg0: i32) -> (i32, i32) {
    %c0_i32 = arith.constant 0 : i32
    %c0_i32_0 = arith.constant 0 : i32
    %c0_i32_1 = arith.constant 0 : i32
    return %c0_i32, %c0_i32_0 : i32, i32
  }
}

</mosaic_0001>

<sc_bundles>
// kernel: kernel.11.cloned.1.call-start
scs
__scs_entry_jumppad:
0x0: {  	(pc) =	sbr.rel $0x88, $3  }
0x1: {  	(tag) =	ssettag $0x0;
	lr =	simm.s32 $0x1  }
0x2: {  	[smem:$0x3F99] =	sst lr;
	_ =	strace $0xD0000000  }
0x3: {  	_ = 	snop  }
0x4: {  	_ = 	snop  }
0x5: {  	_ = 	snop  }
0x6: {  	_ = 	snop  }
0x7: {  	_ = 	snop  }
__scs_overlays_trampoline_lowered:
0x8: {  	[smem:$0x3FA8] =	sst s0  }
0x9: {  	[smem:$0x3FA9] =	sst s1  }
0xa: {  	[smem:$0x3FAA] =	sst s2  }
0xb: {  	[smem:$0x3FAB] =	sst s3  }
0xc: {  	[smem:$0x3FAC] =	sst s4  }
0xd: {  	[smem:$0x3FAD] =	sst s5  }
0xe: {  	[smem:$0x3FAE] =	sst s6  }
0xf: {  	[smem:$0x3FAF] =	sst s7  }
0x10: {  	[smem:$0x3FB0] =	sst s8  }
0x11: {  	[smem:$0x3FB1] =	sst s9;
	s0 =	simm.s32 @!p0 $0x0  }
0x12: {  	s1 =	sld [smem:$0x3F97];
	s0 =	simm.s32 @p0 $0x1  }
0x13: {  	[smem:$0x3FB2] =	sst s0;
	s0 =	simm.s32 @!p1 $0x0  }
0x14: {  	s2 =	sld [smem:$0x3F96];
	s0 =	simm.s32 @p1 $0x1  }
0x15: {  	[smem:$0x3FB3] =	sst s0;
	s0 =	simm.s32 @!p2 $0x0  }
0x16: {  	s3 =	sld [smem:$0x3FDB];
	s0 =	simm.s32 @p2 $0x1  }
0x17: {  	s4 =	simm.s32 $0x1BF5;
	[smem:$0x3FB5] =	sst s0  }
0x18: {  	s0 =	sld [smem:$0x3F98];
	_ =	swait.ge [sflag:s4], $0x0  }
0x19: {  	s7 =	sld [smem:$0x3F99]  }
0x1a: {  	s8 =	sadd.s32 $0xFFFFE003, lr  }
0x1b: {  	s9 =	sadd.s32 $0xFFFFFEF7, lr;
	s5 =	simm.s32 $0xFFFFFFFF;
	p2 =	slt.u32 s8, $0xFFFFF086  }
0x1c: {  	p1 =	slt.u32 s9, $0xF7A;
	s5 =	simm.s32 @!p2 $0x0  }
0x1d: {  	s5 =	simm.s32 @p1 $0x1;
	p0 =	seq.s32 s7, s2  }
0x1e: {  	s7 =	smul.u32 @!p0 $0xF7A, s2;
	p2 =	seq.s32 @!p0 s5, $0x0  }
0x1f: {  	s9 =	smul.u32 $0xF7A, s1;
	s8 =	simm.s32 @!p0 $0x1BF5;
	p2 =	por !p2, p0  }
0x20: {  	[sflag:s8] =	ssyncset.s32 @!p0 $0xFFFFF086;
	s6 =	sadd.s32 @!p0 s3, s7;
	s7 =	simm.s32 @!p0 $0x108  }
0x21: {  	s3 =	sadd.s32 s3, s9;
	s6 =	sadd.s32 @!p0 $0x88, s6;
	s7 =	simm.s32 @p2 $0x1082  }
0x22: {  	[simem:s7], [sflag:s8] =	dma.local @!p0 [hbm:s6], $0xF7A  }
0x23: {  	s9 =	sor.u32 $0xD0000000, s2;
	s6 =	simm.s32 $0x108;
	_ =	swait.ge @!p0 [sflag:s8], $0x0  }
0x24: {  	s3 =	sadd.s32 $0x88, s3;
	s6 =	simm.s32 @!p1 $0x1082;
	[sflag:s4] =	ssyncset.s32 $0xFFFFF086  }
0x25: {  	[simem:s6], [sflag:s4] =	dma.local [hbm:s3], $0xF7A  }
0x26: {  	[smem:$0x3F99] =	sst s1;
	(tag) =	ssettag s2;
	_ =	strace s9  }
0x27: {  	s1 =	sld [smem:$0x3FA9]  }
0x28: {  	s2 =	sld [smem:$0x3FAA]  }
0x29: {  	s4 =	sld [smem:$0x3FAC]  }
0x2a: {  	p0 =	seq.s32 s5, $0x0;
	s5 =	sld [smem:$0x3FAD]  }
0x2b: {  	s6 =	sld [smem:$0x3FAE]  }
0x2c: {  	s7 =	sld [smem:$0x3FAF]  }
0x2d: {  	s3 =	simm.s32 $0x108;
	s8 =	sld [smem:$0x3FB0]  }
0x2e: {  	s3 =	simm.s32 @!p0 $0x1082;
	s9 =	sld [smem:$0x3FB1]  }
0x2f: {  	lr =	sadd.s32 s0, s3;
	s0 =	sld [smem:$0x3FA8]  }
0x30: {  	s3 =	sld [smem:$0x3FAB]  }
0x31: {  	[smem:$0x3FB4] =	sst s10  }
0x32: {  	s10 =	sld [smem:$0x3FB2];
	_ =	sdelay $0x3  }
0x33: {  	p0 =	seq.s32 s10, $0x1;
	s10 =	sld [smem:$0x3FB4];
	_ =	sdelay $0x3  }
0x34: {  	[smem:$0x3FB4] =	sst s10  }
0x35: {  	s10 =	sld [smem:$0x3FB3];
	_ =	sdelay $0x3  }
0x36: {  	p1 =	seq.s32 s10, $0x1;
	s10 =	sld [smem:$0x3FB4];
	_ =	sdelay $0x3  }
0x37: {  	[smem:$0x3FB4] =	sst s10  }
0x38: {  	s10 =	sld [smem:$0x3FB5]  }
0x39: {  	_ = 	snop;
	(pc) =	sbr.ind lr, $3  }
0x3a: {  	_ = 	snop  }
0x3b: {  	_ = 	snop  }
0x3c: {  	p2 =	seq.s32 s10, $0x1;
	s10 =	sld [smem:$0x3FB4]  }
0x3d: {  	_ =	shalt  }
0x3e: {  	_ =	shalt  }
0x3f: {  	_ =	shalt  }
0x40: {  	_ =	shalt  }
0x41: {  	_ =	shalt  }
0x42: {  	_ =	shalt  }
0x43: {  	_ =	shalt  }
0x44: {  	_ =	shalt  }
0x45: {  	_ =	shalt  }
0x46: {  	_ =	shalt  }
0x47: {  	_ =	shalt  }
0x48: {  	_ =	shalt  }
0x49: {  	_ =	shalt  }
0x4a: {  	_ =	shalt  }
0x4b: {  	_ =	shalt  }
0x4c: {  	_ =	shalt  }
0x4d: {  	_ =	shalt  }
0x4e: {  	_ =	shalt  }
0x4f: {  	_ =	shalt  }
0x50: {  	_ =	shalt  }
0x51: {  	_ =	shalt  }
0x52: {  	_ =	shalt  }
0x53: {  	_ =	shalt  }
0x54: {  	_ =	shalt  }
0x55: {  	_ =	shalt  }
0x56: {  	_ =	shalt  }
0x57: {  	_ =	shalt  }
0x58: {  	_ =	shalt  }
0x59: {  	_ =	shalt  }
0x5a: {  	_ =	shalt  }
0x5b: {  	_ =	shalt  }
0x5c: {  	_ =	shalt  }
0x5d: {  	_ =	shalt  }
0x5e: {  	_ =	shalt  }
0x5f: {  	_ =	shalt  }
0x60: {  	_ =	shalt  }
0x61: {  	_ =	shalt  }
0x62: {  	_ =	shalt  }
0x63: {  	_ =	shalt  }
0x64: {  	_ =	shalt  }
0x65: {  	_ =	shalt  }
0x66: {  	_ =	shalt  }
0x67: {  	_ =	shalt  }
0x68: {  	_ =	shalt  }
0x69: {  	_ =	shalt  }
0x6a: {  	_ =	shalt  }
0x6b: {  	_ =	shalt  }
0x6c: {  	_ =	shalt  }
0x6d: {  	_ =	shalt  }
0x6e: {  	_ =	shalt  }
0x6f: {  	_ =	shalt  }
0x70: {  	_ =	shalt  }
0x71: {  	_ =	shalt  }
0x72: {  	_ =	shalt  }
0x73: {  	_ =	shalt  }
0x74: {  	_ =	shalt  }
0x75: {  	_ =	shalt  }
0x76: {  	_ =	shalt  }
0x77: {  	_ =	shalt  }
0x78: {  	_ =	shalt  }
0x79: {  	_ =	shalt  }
0x7a: {  	_ =	shalt  }
0x7b: {  	_ =	shalt  }
0x7c: {  	_ =	shalt  }
0x7d: {  	_ =	shalt  }
0x7e: {  	_ =	shalt  }
0x7f: {  	_ =	shalt  }
0x80: {  	_ =	shalt  }
0x81: {  	_ =	shalt  }
0x82: {  	_ =	shalt  }
0x83: {  	_ =	shalt  }
0x84: {  	_ =	shalt  }
0x85: {  	_ =	shalt  }
0x86: {  	_ =	shalt  }
0x87: {  	_ =	shalt  }
.Lfunc_end0:
.L_simem_size_0:
called_computation.1_lowered:
.L_overlay_start_0:
0x88: {  	s2 =	sld [smem:$0x3FD9]  }
0x89: {  	s3 =	sld [smem:$0x3FFE];
	_ =	sdelay $0x1  }
0x8a: {  	s1 =	srdreg.scid  }
0x8b: {  	s0 =	sand.u32 $0x1, s1  }
0x8c: {  	s14 =	sshll.u32 s0, $0xA;
	s2 =	sadd.s32 s3, s2  }
0x8d: {  	s2 =	sadd.s32 s2, s14  }
0x8e: {  	[smem:$0x3FC0] =	sst s2  }
0x8f: {  	_ = 	snop  }
0x90: {  	s2 =	sld [smem:$0x3FD0];
	_ =	sdelay $0x2  }
0x91: {  	s15 =	simm.s32 $0xA;
	s4 =	simm.s32 $0x10  }
0x92: {  	[smem:s4], [sflag:s15] =	dma.local [hbm:s2], $0x1  }
0x93: {  	_ =	swait.eq [sflag:s15], $0x1  }
0x94: {  	[sflag:s15] =	ssyncset.done $0x0  }
0x95: {  	[sflag:s15] =	ssyncadd.s32 $0xFFFFFFFF  }
0x96: {  	s16 =	sld [smem:$0x10];
	(tm) =	ssettm $0x1  }
0x97: {  	s17 =	sld [smem:$0x3FFB];
	_ =	sdelay $0x3  }
0x98: {  	_ =	strace s17  }
0x99: {  	s3 =	sld [smem:$0x3FFC];
	_ =	sdelay $0x3  }
0x9a: {  	_ =	strace s3  }
0x9b: {  	s3 =	sld [smem:$0x3FFD];
	_ =	sdelay $0x3  }
0x9c: {  	_ =	strace s3  }
0x9d: {  	_ =	strace $0x8FFFFFFF  }
0x9e: {  	s18 =	sld [smem:$0x3FDB];
	_ =	sdelay $0x1  }
0x9f: {  	s19 =	simm.s32 $_scs_section_size  }
0xa0: {  	s5 =	simm.s32 $_size__tile_overlayer_lowered;
	s6 =	simm.s32 $_tile_overlayer_lowered  }
0xa1: {  	s22 =	simm.s32 $0x1BFF;
	s21 =	sshll.u32 s6, $0x1;
	s3 =	sadd.s32 s19, s18  }
0xa2: {  	s7 =	simm.s32 $0x0;
	s20 =	sshll.u32 s5, $0x1;
	s5 =	sadd.s32 s21, s3  }
0xa3: {  	[timem:s7], [sflag:s22] =	dma.local [hbm:s5], s20  }
0xa4: {  	_ =	swait.ge [sflag:s22], s20  }
0xa5: {  	s4 =	ssub.s32 $0x0, s20;
	[sflag:s22] =	ssyncset.done $0x0  }
0xa6: {  	[sflag:s22] =	ssyncadd.s32 s4;
	_ =	sdelay $0x1  }
0xa7: {  	s23 =	simm.s32 $0x1B8B  }
0xa8: {  	_ =	swait.ge [sflag:s23], $0x1  }
0xa9: {  	[sflag:s23] =	ssyncset.done $0x0  }
0xaa: {  	s25 =	simm.s32 $0x1B8E;
	s24 =	sld [smem:$0x3FFE];
	[sflag:s23] =	ssyncadd.s32 $0xFFFFFFFF  }
0xab: {  	s26 =	simm.s32 $execute0_lowered;
	[smem:$0x3FD2] =	sst s25  }
0xac: {  	s5 =	sshll.u32 s26, $0x1;
	_ =	strace $0x80000049;
	[dreg:$0x1] =	wrdreg $0xFFFFFFFF  }
0xad: {  	s28 =	simm.s32 $_size_execute0_lowered;
	s3 =	sadd.s32 s3, s5;
	[dreg:$0x0] =	wrdreg $0x0  }
0xae: {  	s5 =	sshll.u32 s28, $0x1;
	[dreg:$0x2] =	wrdreg s3  }
0xaf: {  	[dreg:$0x3] =	wrdreg s5  }
0xb0: {  	[dreg:$0x4] =	wrdreg $0xC0  }
0xb1: {  	_ =	task [dreg:s7], $0x5FFFF  }
0xb2: {  	[dreg:$0x1] =	wrdreg $0xFFFFFFFF  }
0xb3: {  	[dreg:$0x0] =	wrdreg $0x60  }
0xb4: {  	[dreg:$0x2] =	wrdreg s16  }
0xb5: {  	[dreg:$0x3] =	wrdreg s24  }
0xb6: {  	[dreg:$0x4] =	wrdreg $0x90000  }
0xb7: {  	[dreg:$0x5] =	wrdreg $0x9  }
0xb8: {  	_ =	task.clear_ibuf [dreg:s7], $0x6FFFF;
	_ =	strace $0x90000049  }
0xb9: {  	s29 =	simm.s32 $0x9;
	_ =	strace $0x8000004B  }
0xba: {  	_ =	swait.ge [sflag:s29], $0x1  }
0xbb: {  	[sflag:s29] =	ssyncadd.s32 $0xFFFFFFFF  }
0xbc: {  	_ =	strace $0x9000004B  }
0xbd: {  	_ =	sfence  }
0xbe: {  	s30 =	sld [smem:$0x0];
	_ =	sdelay $0x2  }
0xbf: {  	s31 =	sshll.u32 s1, $0xD;
	s1 =	sshrl.u32 s1, $0x2  }
0xc0: {  	s3 =	sand.u32 $0x4000, s31;
	s1 =	sadd.s32 s1, s30  }
0xc1: {  	s0 =	sor.u32 s3, s0;
	s1 =	sshll.u32 s1, $0x11  }
0xc2: {  	s0 =	sor.u32 s1, s0  }
0xc3: {  	s0 =	sadd.s32 $0x8F2B, s0  }
0xc4: {  	[sflag:s0] =	ssyncadd.remote.s32 $0x1  }
0xc5: {  	_ =	sfence.sel $0xFFFF  }
0xc6: {  	[dreg:$0x0] =	wrdreg $0xFFFFFFFF;
	(pc) =	sbr.abs _section_cstart, $3  }
0xc7: {  	[dreg:$0x1] =	wrdreg $0xFFFFFFFF  }
0xc8: {  	_ =	task.clear_ibuf [dreg:s7], $0x2FFFF;
	_ =	strace $0x9FFFFFFF  }
0xc9: {  	(tm) =	ssettm $0x7FFFFFFF  }
tec
execute0_lowered:
.L_overlay_start_1:
0x0: {  	(tag) =	ssettag $0x1  }
0x1: {  	s0 =	srdreg.scid  }
0x2: {  	s14 =	stileid.u32;
	s1 =	rddreg [dreg:$0x1];
	s5 =	simm.s32 $0x0  }
0x3: {  	s31 =	simm.s32 $0x5000;
	s2 =	sand.u32 $0x1, s0;
	s4 =	smul.u32 $0x16000, s14  }
0x4: {  	[smem:$0x7FF] =	sst s5;
	s12 =	sadd.s32 $0x16400, s1;
	s0 =	sshll.u32 s2, $0x4  }
0x5: {  	s3 =	ssub.s32 $0x2, s2;
	s2 =	smul.u32 $0x160000, s2;
	s0 =	sor.u32 s14, s0  }
0x6: {  	s10 =	sshrl.u32 s3, $0x1;
	s5 =	sadd.s32 $0x4000, s4;
	s19 =	sadd.s32 $0x6000, s4  }
0x7: {  	s20 =	sadd.s32 $0x8000, s4;
	s21 =	sadd.s32 $0xA000, s4;
	s22 =	sadd.s32 $0xC000, s4  }
0x8: {  	s23 =	sadd.s32 $0xE000, s4;
	s24 =	sadd.s32 $0x10000, s4;
	s25 =	sadd.s32 $0x12000, s4  }
0x9: {  	s0 =	smul.u32 $0x500, s0;
	s6 =	sadd.s32 s4, s2;
	s7 =	sadd.s32 s2, s5  }
0xa: {  	s8 =	sadd.s32 s2, s19;
	s16 =	sadd.s32 s2, s20;
	s17 =	sadd.s32 s2, s21  }
0xb: {  	s18 =	sadd.s32 s2, s22;
	s9 =	sadd.s32 s2, s23;
	s6 =	sshrl.u32 s6, $0x3  }
0xc: {  	s7 =	sshrl.u32 s7, $0x3;
	s15 =	sshrl.u32 s8, $0x3;
	s8 =	sshrl.u32 s18, $0x3  }
0xd: {  	s9 =	sshrl.u32 s9, $0x3;
	s0 =	sadd.s32 s0, s1;
	s1 =	ssub.s32 s3, s10  }
0xe: {  	s3 =	sadd.s32 $0x2000, s4;
	s4 =	sadd.s32 $0x14000, s4;
	s6 =	sadd.s32 s12, s6  }
0xf: {  	s13 =	sadd.s32 s12, s7;
	s7 =	sshrl.u32 s17, $0x3;
	s8 =	sadd.s32 s12, s8  }
0x10: {  	s10 =	sadd.s32 s2, s24;
	s9 =	sadd.s32 s12, s9;
	[dreg:$0x4] =	wrdreg s6  }
0x11: {  	s11 =	sadd.s32 s2, s3;
	[dreg:$0x6] =	wrdreg s13;
	s7 =	sadd.s32 s12, s7  }
0x12: {  	s10 =	sshrl.u32 s10, $0x3;
	s28 =	sadd.s32 $0xC400, s0;
	s29 =	sadd.s32 $0x2400, s0  }
0x13: {  	s30 =	smax.u32 s1, $0x1;
	s0 =	simm.s32 $0x80;
	s1 =	simm.s32 $0x1  }
0x14: {  	s6 =	sshrl.u32 s11, $0x3;
	s11 =	sadd.s32 s2, s25;
	s2 =	sadd.s32 s2, s4  }
0x15: {  	s6 =	sadd.s32 s12, s6;
	s13 =	sshrl.u32 s11, $0x3;
	s11 =	rddreg [dreg:$0x0]  }
0x16: {  	s10 =	sadd.s32 s12, s10;
	s2 =	sshrl.u32 s2, $0x3;
	[dreg:$0x5] =	wrdreg s6  }
0x17: {  	s6 =	sadd.s32 s12, s15;
	s13 =	sadd.s32 s12, s13;
	s15 =	sadd.s32 s12, s2  }
0x18: {  	s2 =	simm.s32 $0x0;
	[dreg:$0x7] =	wrdreg s6;
	s6 =	sshrl.u32 s16, $0x3  }
0x19: {  	s16 =	smul.u32 $0x58000, s14;
	s14 =	rddreg [dreg:$0x2];
	s6 =	sadd.s32 s12, s6  }
0x1a: {  	s17 =	sadd.s32 s3, s14;
	s18 =	sadd.s32 s5, s14;
	s19 =	sadd.s32 s19, s14  }
0x1b: {  	s20 =	sadd.s32 s20, s14;
	s21 =	sadd.s32 s21, s14;
	s22 =	sadd.s32 s22, s14  }
0x1c: {  	s23 =	sadd.s32 s23, s14;
	s24 =	sadd.s32 s24, s14;
	s25 =	sadd.s32 s25, s14  }
0x1d: {  	s12 =	simm.s32 $0x2;
	[dreg:$0x8] =	wrdreg s6;
	s26 =	sshrl.u32 s16, $0x2  }
0x1e: {  	v0 =	vimm.f32 $0.0e+00;
	_ =	strace $0x8000004A;
	s16 =	sadd.s32 s26, s14;
	s26 =	sadd.s32 s4, s14  }
.LBB2_1:
0x1f: {  	s4 =	simm.s32 $0x0  }
0x20: {  	s3 =	sand.u32 $0xFE00, s4  }
0x21: {  	s4 =	sand.u32 $0x70, s4;
	s5 =	sshrl.u32 s3, $0x2  }
0x22: {  	s3 =	simm.s32 $0x40;
	s5 =	sor.u32 s4, s5;
	s4 =	simm.s32 $0x0  }
.LBB2_2:
0x23: {  	p0 =	sne.s32 s3, $0xFFC0  }
0x24: {  	[tilespmem:s5+$0x5000] =	vst v0;
	s4 =	sadd.s32 $0x10, s4;
	s5 =	smov.u32 s3;
	s3 =	sadd.s32 $0x40, s3  }
.Ltmp0:
0x25: {  	(pc) =	sbr.rel @p0 .LBB2_2-.Ltmp0, $4  }
0x26: {  	_ = 	snop  }
0x27: {  	s5 =	sand.u32 $0xFE00, s5  }
0x28: {  	s6 =	sand.u32 $0x70, s4;
	s5 =	sshrl.u32 s5, $0x2  }
0x29: {  	s5 =	sor.u32 s6, s5  }
0x2a: {  	[tilespmem:s5+$0x5000] =	vst v0  }
0x2b: {  	[spmem:s16] =	stream.linear.scatter [tilespmem:s31], [sflag:$0x2], $0x2000, $0x38;
	[tilespmem:$0x1F000] =	vst v63  }
0x2c: {  	_ =	swait.ge [sflag:s12], $0x2000  }
0x2d: {  	[sflag:s12] =	ssyncset.done $0x0  }
0x2e: {  	[sflag:s12] =	ssyncadd.s32 $0xFFFFE000  }
0x2f: {  	[spmem:s17] =	stream.linear.scatter [tilespmem:s31], [sflag:$0x2], $0x2000, $0x38;
	[tilespmem:$0x1F000] =	vst v63  }
0x30: {  	_ =	swait.ge [sflag:s12], $0x2000  }
0x31: {  	[sflag:s12] =	ssyncset.done $0x0  }
0x32: {  	[sflag:s12] =	ssyncadd.s32 $0xFFFFE000  }
0x33: {  	[spmem:s18] =	stream.linear.scatter [tilespmem:s31], [sflag:$0x2], $0x2000, $0x38;
	[tilespmem:$0x1F000] =	vst v63  }
0x34: {  	_ =	swait.ge [sflag:s12], $0x2000  }
0x35: {  	[sflag:s12] =	ssyncset.done $0x0  }
0x36: {  	[sflag:s12] =	ssyncadd.s32 $0xFFFFE000  }
0x37: {  	[spmem:s19] =	stream.linear.scatter [tilespmem:s31], [sflag:$0x2], $0x2000, $0x38;
	[tilespmem:$0x1F000] =	vst v63  }
0x38: {  	_ =	swait.ge [sflag:s12], $0x2000  }
0x39: {  	[sflag:s12] =	ssyncset.done $0x0  }
0x3a: {  	[sflag:s12] =	ssyncadd.s32 $0xFFFFE000  }
0x3b: {  	[spmem:s20] =	stream.linear.scatter [tilespmem:s31], [sflag:$0x2], $0x2000, $0x38;
	[tilespmem:$0x1F000] =	vst v63  }
0x3c: {  	_ =	swait.ge [sflag:s12], $0x2000  }
0x3d: {  	[sflag:s12] =	ssyncset.done $0x0  }
0x3e: {  	[sflag:s12] =	ssyncadd.s32 $0xFFFFE000  }
0x3f: {  	[spmem:s21] =	stream.linear.scatter [tilespmem:s31], [sflag:$0x2], $0x2000, $0x38;
	[tilespmem:$0x1F000] =	vst v63  }
0x40: {  	_ =	swait.ge [sflag:s12], $0x2000  }
0x41: {  	[sflag:s12] =	ssyncset.done $0x0  }
0x42: {  	[sflag:s12] =	ssyncadd.s32 $0xFFFFE000  }
0x43: {  	[spmem:s22] =	stream.linear.scatter [tilespmem:s31], [sflag:$0x2], $0x2000, $0x38;
	[tilespmem:$0x1F000] =	vst v63  }
0x44: {  	_ =	swait.ge [sflag:s12], $0x2000  }
0x45: {  	[sflag:s12] =	ssyncset.done $0x0  }
0x46: {  	[sflag:s12] =	ssyncadd.s32 $0xFFFFE000  }
0x47: {  	[spmem:s23] =	stream.linear.scatter [tilespmem:s31], [sflag:$0x2], $0x2000, $0x38;
	[tilespmem:$0x1F000] =	vst v63  }
0x48: {  	_ =	swait.ge [sflag:s12], $0x2000  }
0x49: {  	[sflag:s12] =	ssyncset.done $0x0  }
0x4a: {  	[sflag:s12] =	ssyncadd.s32 $0xFFFFE000  }
0x4b: {  	[spmem:s24] =	stream.linear.scatter [tilespmem:s31], [sflag:$0x2], $0x2000, $0x38;
	[tilespmem:$0x1F000] =	vst v63  }
0x4c: {  	_ =	swait.ge [sflag:s12], $0x2000  }
0x4d: {  	[sflag:s12] =	ssyncset.done $0x0  }
0x4e: {  	[sflag:s12] =	ssyncadd.s32 $0xFFFFE000  }
0x4f: {  	[spmem:s25] =	stream.linear.scatter [tilespmem:s31], [sflag:$0x2], $0x2000, $0x38;
	[tilespmem:$0x1F000] =	vst v63  }
0x50: {  	_ =	swait.ge [sflag:s12], $0x2000  }
0x51: {  	[sflag:s12] =	ssyncset.done $0x0  }
0x52: {  	[sflag:s12] =	ssyncadd.s32 $0xFFFFE000  }
0x53: {  	[spmem:s26] =	stream.linear.scatter [tilespmem:s31], [sflag:$0x2], $0x2000, $0x38;
	[tilespmem:$0x1F000] =	vst v63  }
0x54: {  	_ =	swait.ge [sflag:s12], $0x2000  }
0x55: {  	[sflag:s12] =	ssyncset.done $0x0  }
0x56: {  	s3 =	simm.s32 $0x0;
	[sflag:s12] =	ssyncadd.s32 $0xFFFFE000  }
0x57: {  	[tilespmem:s3], [sflag:$0x2] =	stream.linear.gather [hbm4b:s28+s3], $0x2780, $0x38;
	[tilespmem:$0x1F000] =	vst v63  }
0x58: {  	_ =	swait.ge [sflag:s12], $0x2780  }
0x59: {  	[sflag:s12] =	ssyncset.done $0x0  }
0x5a: {  	s4 =	simm.s32 $0x2800;
	[sflag:s12] =	ssyncadd.s32 $0xFFFFD880  }
0x5b: {  	[tilespmem:s4], [sflag:$0x2] =	stream.linear.gather [hbm4b:s29+s3], $0x2780, $0x38;
	[tilespmem:$0x1F000] =	vst v63  }
0x5c: {  	_ =	swait.ge [sflag:s12], $0x2780  }
0x5d: {  	[sflag:s12] =	ssyncset.done $0x0  }
0x5e: {  	[sflag:s12] =	ssyncadd.s32 $0xFFFFD880  }
0x5f: {  	s5 =	simm.s32 $0x0;
	[bflag:$0x0] =	sbarrier.arrive $0xFFFF  }
0x60: {  	[tilespmem:s31], [sflag:$0x1] =	stream.indirect.gather [hbm4b:s11+s0], $0x80, s5, s0, $0xb8;
	[tilespmem:$0x1F000] =	vst v63  }
0x61: {  	_ =	swait.ge [sflag:s1], $0x4000  }
0x62: {  	[sflag:s1] =	ssyncset.done $0x0  }
0x63: {  	s6 =	simm.s32 $0x2800;
	[sflag:s1] =	ssyncadd.s32 $0xFFFFC000  }
0x64: {  	[spmem:s14] =	stream.indirect.scatter.add.f32 [tilespmem:s31], [sflag:$0x2], $0x80, s6, s0, $0xb8;
	[tilespmem:$0x1F000] =	vst v63  }
0x65: {  	_ =	swait.ge [sflag:s12], $0x4000  }
0x66: {  	s3 =	simm.s32 $0x200;
	s4 =	simm.s32 $0x400;
	[sflag:s12] =	ssyncset.done $0x0  }
.LBB2_4:
0x67: {  	s5 =	sshra.s32 s3, $0x2  }
0x68: {  	[sflag:s12] =	ssyncadd.s32 $0xFFFFC000;
	s3 =	smov.u32 s4;
	s6 =	sadd.s32 $0x200, s4  }
0x69: {  	[tilespmem:s31], [sflag:$0x1] =	stream.indirect.gather [hbm4b:s11+s0], $0x80, s5, s0, $0xb8;
	[tilespmem:$0x1F000] =	vst v63  }
0x6a: {  	p0 =	sne.s32 s4, $0x9C00;
	_ =	swait.ge [sflag:s1], $0x4000  }
.Ltmp1:
0x6b: {  	[sflag:s1] =	ssyncset.done $0x0;
	(pc) =	sbr.rel @p0 .LBB2_4-.Ltmp1, $4  }
0x6c: {  	s4 =	sadd.s32 $0x2800, s5;
	[sflag:s1] =	ssyncadd.s32 $0xFFFFC000  }
0x6d: {  	[spmem:s14] =	stream.indirect.scatter.add.f32 [tilespmem:s31], [sflag:$0x2], $0x80, s4, s0, $0xb8;
	[tilespmem:$0x1F000] =	vst v63  }
0x6e: {  	_ =	swait.ge [sflag:s12], $0x4000  }
0x6f: {  	s4 =	smov.u32 s6;
	[sflag:s12] =	ssyncset.done $0x0  }
0x70: {  	s3 =	sshra.s32 s3, $0x2;
	[sflag:s12] =	ssyncadd.s32 $0xFFFFC000  }
0x71: {  	[tilespmem:s31], [sflag:$0x1] =	stream.indirect.gather [hbm4b:s11+s0], $0x80, s3, s0, $0xb8;
	[tilespmem:$0x1F000] =	vst v63  }
0x72: {  	_ =	swait.ge [sflag:s1], $0x4000  }
0x73: {  	[sflag:s1] =	ssyncset.done $0x0  }
0x74: {  	s3 =	sadd.s32 $0x2800, s3;
	[sflag:s1] =	ssyncadd.s32 $0xFFFFC000  }
0x75: {  	[spmem:s14] =	stream.indirect.scatter.add.f32 [tilespmem:s31], [sflag:$0x2], $0x80, s3, s0, $0xb8;
	[tilespmem:$0x1F000] =	vst v63  }
0x76: {  	_ =	swait.ge [sflag:s12], $0x4000  }
0x77: {  	[sflag:s12] =	ssyncset.done $0x0  }
0x78: {  	s4 =	stileid.u32;
	[sflag:s12] =	ssyncadd.s32 $0xFFFFC000  }
0x79: {  	s3 =	sshll.u32 s4, $0x6;
	[bflag:$0x0] =	sbarrier.arrive $0xFFFF  }
0x7a: {  	s4 =	sshrl.u32 s16, $0x3;
	s3 =	sor.u32 $0x1C02, s3;
	s5 =	rddreg [dreg:$0x4]  }
0x7b: {  	[hbm:s5], [sflag:s3] =	dma.local [spmem:s4], $0x400  }
0x7c: {  	_ =	swait.ge [sflag:s12], $0x400  }
0x7d: {  	[sflag:s12] =	ssyncset.done $0x0  }
0x7e: {  	s5 =	sshrl.u32 s17, $0x3;
	s6 =	rddreg [dreg:$0x5];
	[sflag:s12] =	ssyncadd.s32 $0xFFFFFC00  }
0x7f: {  	[hbm:s6], [sflag:s3] =	dma.local [spmem:s5], $0x400  }
0x80: {  	_ =	swait.ge [sflag:s12], $0x400  }
0x81: {  	[sflag:s12] =	ssyncset.done $0x0  }
0x82: {  	s5 =	sshrl.u32 s18, $0x3;
	s6 =	rddreg [dreg:$0x6];
	[sflag:s12] =	ssyncadd.s32 $0xFFFFFC00  }
0x83: {  	[hbm:s6], [sflag:s3] =	dma.local [spmem:s5], $0x400  }
0x84: {  	_ =	swait.ge [sflag:s12], $0x400  }
0x85: {  	[sflag:s12] =	ssyncset.done $0x0  }
0x86: {  	s5 =	sshrl.u32 s19, $0x3;
	s6 =	rddreg [dreg:$0x7];
	[sflag:s12] =	ssyncadd.s32 $0xFFFFFC00  }
0x87: {  	[hbm:s6], [sflag:s3] =	dma.local [spmem:s5], $0x400  }
0x88: {  	_ =	swait.ge [sflag:s12], $0x400  }
0x89: {  	[sflag:s12] =	ssyncset.done $0x0  }
0x8a: {  	s5 =	sshrl.u32 s20, $0x3;
	s6 =	rddreg [dreg:$0x8];
	[sflag:s12] =	ssyncadd.s32 $0xFFFFFC00  }
0x8b: {  	[hbm:s6], [sflag:s3] =	dma.local [spmem:s5], $0x400  }
0x8c: {  	_ =	swait.ge [sflag:s12], $0x400  }
0x8d: {  	[sflag:s12] =	ssyncset.done $0x0  }
0x8e: {  	s5 =	sshrl.u32 s21, $0x3;
	[sflag:s12] =	ssyncadd.s32 $0xFFFFFC00  }
0x8f: {  	[hbm:s7], [sflag:s3] =	dma.local [spmem:s5], $0x400  }
0x90: {  	_ =	swait.ge [sflag:s12], $0x400  }
0x91: {  	[sflag:s12] =	ssyncset.done $0x0  }
0x92: {  	s6 =	sshrl.u32 s22, $0x3;
	[sflag:s12] =	ssyncadd.s32 $0xFFFFFC00  }
0x93: {  	[hbm:s8], [sflag:s3] =	dma.local [spmem:s6], $0x400  }
0x94: {  	_ =	swait.ge [sflag:s12], $0x400  }
0x95: {  	[sflag:s12] =	ssyncset.done $0x0  }
0x96: {  	s5 =	sshrl.u32 s23, $0x3;
	[sflag:s12] =	ssyncadd.s32 $0xFFFFFC00  }
0x97: {  	[hbm:s9], [sflag:s3] =	dma.local [spmem:s5], $0x400  }
0x98: {  	_ =	swait.ge [sflag:s12], $0x400  }
0x99: {  	[sflag:s12] =	ssyncset.done $0x0  }
0x9a: {  	s6 =	sshrl.u32 s24, $0x3;
	[sflag:s12] =	ssyncadd.s32 $0xFFFFFC00  }
0x9b: {  	[hbm:s10], [sflag:s3] =	dma.local [spmem:s6], $0x400  }
0x9c: {  	_ =	swait.ge [sflag:s12], $0x400  }
0x9d: {  	[sflag:s12] =	ssyncset.done $0x0  }
0x9e: {  	s5 =	sshrl.u32 s25, $0x3;
	[sflag:s12] =	ssyncadd.s32 $0xFFFFFC00  }
0x9f: {  	[hbm:s13], [sflag:s3] =	dma.local [spmem:s5], $0x400  }
0xa0: {  	s2 =	sadd.s32 $0x1, s2;
	_ =	swait.ge [sflag:s12], $0x400  }
0xa1: {  	p0 =	sne.s32 s2, s30;
	[sflag:s12] =	ssyncset.done $0x0  }
.Ltmp2:
0xa2: {  	s6 =	sshrl.u32 s26, $0x3;
	[sflag:s12] =	ssyncadd.s32 $0xFFFFFC00;
	(pc) =	sbr.rel @p0 .LBB2_1-.Ltmp2, $4  }
0xa3: {  	[hbm:s15], [sflag:s3] =	dma.local [spmem:s6], $0x400  }
0xa4: {  	_ =	swait.ge [sflag:s12], $0x400  }
0xa5: {  	[sflag:s12] =	ssyncset.done $0x0  }
0xa6: {  	[sflag:s12] =	ssyncadd.s32 $0xFFFFFC00  }
0xa7: {  	_ =	sfence.sel $0x180000  }
0xa8: {  	[bflag:$0x0] =	sbarrier.arrive $0xFFFF  }
0xa9: {  	_ =	strace $0x9000004A  }
0xaa: {  	s0 =	stileid.u32;
	[bflag:$0x2] =	sbarrier.arrive $0xFFFF  }
0xab: {  	p0 =	sne.s32 s0, $0x0;
	s0 =	rddreg [dreg:$0x3]  }
0xac: {  	s0 =	sadd.s32 @!p0 $0x100000, s0  }
0xad: {  	[sflag:s0] =	ssyncadd.tile.s32 @!p0 $0x1;
	_ =	shalt  }
.Lfunc_end2:
_tile_overlayer_lowered:
.L_overlay_start_2:
0xae: {  	(tag) =	ssettag $0x2  }
0xaf: {  	s0 =	rddreg [dreg:$0x0];
	s2 =	stileid.u32  }
0xb0: {  	s1 =	rddreg [dreg:$0x1];
	p0 =	sne.s32 s2, $0x0  }
0xb1: {  	s3 =	rddreg [dreg:$0x2];
	[bflag:$0x3] =	sbarrier.arrive $0xFFFF;
	s2 =	simm.s32 @!p0 $0x1C02  }
0xb2: {  	[timem:s3], [sflag:s2] =	dma.local @!p0 [hbm:s0], s1  }
0xb3: {  	s0 =	simm.s32 @!p0 $0x2  }
0xb4: {  	_ =	swait.ge @!p0 [sflag:s0], s1  }
0xb5: {  	s1 =	ssub.s32 @!p0 $0x0, s1;
	[sflag:s0] =	ssyncset.done @!p0 $0x0  }
0xb6: {  	[sflag:s0] =	ssyncadd.s32 @!p0 s1  }
0xb7: {  	[bflag:$0x3] =	sbarrier.arrive $0xFFFF  }
0xb8: {  	_ =	shalt  }

// kernel: kernel.14.cloned.1.call-start
scs
__scs_entry_jumppad:
0x0: {  	(pc) =	sbr.rel $0x88, $3  }
0x1: {  	(tag) =	ssettag $0x0;
	lr =	simm.s32 $0x1  }
0x2: {  	[smem:$0x3F99] =	sst lr;
	_ =	strace $0xD0000000  }
0x3: {  	_ = 	snop  }
0x4: {  	_ = 	snop  }
0x5: {  	_ = 	snop  }
0x6: {  	_ = 	snop  }
0x7: {  	_ = 	snop  }
__scs_overlays_trampoline_lowered:
0x8: {  	[smem:$0x3FA8] =	sst s0  }
0x9: {  	[smem:$0x3FA9] =	sst s1  }
0xa: {  	[smem:$0x3FAA] =	sst s2  }
0xb: {  	[smem:$0x3FAB] =	sst s3  }
0xc: {  	[smem:$0x3FAC] =	sst s4  }
0xd: {  	[smem:$0x3FAD] =	sst s5  }
0xe: {  	[smem:$0x3FAE] =	sst s6  }
0xf: {  	[smem:$0x3FAF] =	sst s7  }
0x10: {  	[smem:$0x3FB0] =	sst s8  }
0x11: {  	[smem:$0x3FB1] =	sst s9;
	s0 =	simm.s32 @!p0 $0x0  }
0x12: {  	s1 =	sld [smem:$0x3F97];
	s0 =	simm.s32 @p0 $0x1  }
0x13: {  	[smem:$0x3FB2] =	sst s0;
	s0 =	simm.s32 @!p1 $0x0  }
0x14: {  	s2 =	sld [smem:$0x3F96];
	s0 =	simm.s32 @p1 $0x1  }
0x15: {  	[smem:$0x3FB3] =	sst s0;
	s0 =	simm.s32 @!p2 $0x0  }
0x16: {  	s3 =	sld [smem:$0x3FDB];
	s0 =	simm.s32 @p2 $0x1  }
0x17: {  	s4 =	simm.s32 $0x1BF5;
	[smem:$0x3FB5] =	sst s0  }
0x18: {  	s0 =	sld [smem:$0x3F98];
	_ =	swait.ge [sflag:s4], $0x0  }
0x19: {  	s7 =	sld [smem:$0x3F99]  }
0x1a: {  	s8 =	sadd.s32 $0xFFFFE003, lr  }
0x1b: {  	s9 =	sadd.s32 $0xFFFFFEF7, lr;
	s5 =	simm.s32 $0xFFFFFFFF;
	p2 =	slt.u32 s8, $0xFFFFF086  }
0x1c: {  	p1 =	slt.u32 s9, $0xF7A;
	s5 =	simm.s32 @!p2 $0x0  }
0x1d: {  	s5 =	simm.s32 @p1 $0x1;
	p0 =	seq.s32 s7, s2  }
0x1e: {  	s7 =	smul.u32 @!p0 $0xF7A, s2;
	p2 =	seq.s32 @!p0 s5, $0x0  }
0x1f: {  	s9 =	smul.u32 $0xF7A, s1;
	s8 =	simm.s32 @!p0 $0x1BF5;
	p2 =	por !p2, p0  }
0x20: {  	[sflag:s8] =	ssyncset.s32 @!p0 $0xFFFFF086;
	s6 =	sadd.s32 @!p0 s3, s7;
	s7 =	simm.s32 @!p0 $0x108  }
0x21: {  	s3 =	sadd.s32 s3, s9;
	s6 =	sadd.s32 @!p0 $0x88, s6;
	s7 =	simm.s32 @p2 $0x1082  }
0x22: {  	[simem:s7], [sflag:s8] =	dma.local @!p0 [hbm:s6], $0xF7A  }
0x23: {  	s9 =	sor.u32 $0xD0000000, s2;
	s6 =	simm.s32 $0x108;
	_ =	swait.ge @!p0 [sflag:s8], $0x0  }
0x24: {  	s3 =	sadd.s32 $0x88, s3;
	s6 =	simm.s32 @!p1 $0x1082;
	[sflag:s4] =	ssyncset.s32 $0xFFFFF086  }
0x25: {  	[simem:s6], [sflag:s4] =	dma.local [hbm:s3], $0xF7A  }
0x26: {  	[smem:$0x3F99] =	sst s1;
	(tag) =	ssettag s2;
	_ =	strace s9  }
0x27: {  	s1 =	sld [smem:$0x3FA9]  }
0x28: {  	s2 =	sld [smem:$0x3FAA]  }
0x29: {  	s4 =	sld [smem:$0x3FAC]  }
0x2a: {  	p0 =	seq.s32 s5, $0x0;
	s5 =	sld [smem:$0x3FAD]  }
0x2b: {  	s6 =	sld [smem:$0x3FAE]  }
0x2c: {  	s7 =	sld [smem:$0x3FAF]  }
0x2d: {  	s3 =	simm.s32 $0x108;
	s8 =	sld [smem:$0x3FB0]  }
0x2e: {  	s3 =	simm.s32 @!p0 $0x1082;
	s9 =	sld [smem:$0x3FB1]  }
0x2f: {  	lr =	sadd.s32 s0, s3;
	s0 =	sld [smem:$0x3FA8]  }
0x30: {  	s3 =	sld [smem:$0x3FAB]  }
0x31: {  	[smem:$0x3FB4] =	sst s10  }
0x32: {  	s10 =	sld [smem:$0x3FB2];
	_ =	sdelay $0x3  }
0x33: {  	p0 =	seq.s32 s10, $0x1;
	s10 =	sld [smem:$0x3FB4];
	_ =	sdelay $0x3  }
0x34: {  	[smem:$0x3FB4] =	sst s10  }
0x35: {  	s10 =	sld [smem:$0x3FB3];
	_ =	sdelay $0x3  }
0x36: {  	p1 =	seq.s32 s10, $0x1;
	s10 =	sld [smem:$0x3FB4];
	_ =	sdelay $0x3  }
0x37: {  	[smem:$0x3FB4] =	sst s10  }
0x38: {  	s10 =	sld [smem:$0x3FB5]  }
0x39: {  	_ = 	snop;
	(pc) =	sbr.ind lr, $3  }
0x3a: {  	_ = 	snop  }
0x3b: {  	_ = 	snop  }
0x3c: {  	p2 =	seq.s32 s10, $0x1;
	s10 =	sld [smem:$0x3FB4]  }
0x3d: {  	_ =	shalt  }
0x3e: {  	_ =	shalt  }
0x3f: {  	_ =	shalt  }
0x40: {  	_ =	shalt  }
0x41: {  	_ =	shalt  }
0x42: {  	_ =	shalt  }
0x43: {  	_ =	shalt  }
0x44: {  	_ =	shalt  }
0x45: {  	_ =	shalt  }
0x46: {  	_ =	shalt  }
0x47: {  	_ =	shalt  }
0x48: {  	_ =	shalt  }
0x49: {  	_ =	shalt  }
0x4a: {  	_ =	shalt  }
0x4b: {  	_ =	shalt  }
0x4c: {  	_ =	shalt  }
0x4d: {  	_ =	shalt  }
0x4e: {  	_ =	shalt  }
0x4f: {  	_ =	shalt  }
0x50: {  	_ =	shalt  }
0x51: {  	_ =	shalt  }
0x52: {  	_ =	shalt  }
0x53: {  	_ =	shalt  }
0x54: {  	_ =	shalt  }
0x55: {  	_ =	shalt  }
0x56: {  	_ =	shalt  }
0x57: {  	_ =	shalt  }
0x58: {  	_ =	shalt  }
0x59: {  	_ =	shalt  }
0x5a: {  	_ =	shalt  }
0x5b: {  	_ =	shalt  }
0x5c: {  	_ =	shalt  }
0x5d: {  	_ =	shalt  }
0x5e: {  	_ =	shalt  }
0x5f: {  	_ =	shalt  }
0x60: {  	_ =	shalt  }
0x61: {  	_ =	shalt  }
0x62: {  	_ =	shalt  }
0x63: {  	_ =	shalt  }
0x64: {  	_ =	shalt  }
0x65: {  	_ =	shalt  }
0x66: {  	_ =	shalt  }
0x67: {  	_ =	shalt  }
0x68: {  	_ =	shalt  }
0x69: {  	_ =	shalt  }
0x6a: {  	_ =	shalt  }
0x6b: {  	_ =	shalt  }
0x6c: {  	_ =	shalt  }
0x6d: {  	_ =	shalt  }
0x6e: {  	_ =	shalt  }
0x6f: {  	_ =	shalt  }
0x70: {  	_ =	shalt  }
0x71: {  	_ =	shalt  }
0x72: {  	_ =	shalt  }
0x73: {  	_ =	shalt  }
0x74: {  	_ =	shalt  }
0x75: {  	_ =	shalt  }
0x76: {  	_ =	shalt  }
0x77: {  	_ =	shalt  }
0x78: {  	_ =	shalt  }
0x79: {  	_ =	shalt  }
0x7a: {  	_ =	shalt  }
0x7b: {  	_ =	shalt  }
0x7c: {  	_ =	shalt  }
0x7d: {  	_ =	shalt  }
0x7e: {  	_ =	shalt  }
0x7f: {  	_ =	shalt  }
0x80: {  	_ =	shalt  }
0x81: {  	_ =	shalt  }
0x82: {  	_ =	shalt  }
0x83: {  	_ =	shalt  }
0x84: {  	_ =	shalt  }
0x85: {  	_ =	shalt  }
0x86: {  	_ =	shalt  }
0x87: {  	_ =	shalt  }
.Lfunc_end0:
.L_simem_size_0:
called_computation.2_lowered:
.L_overlay_start_0:
0x88: {  	s2 =	sld [smem:$0x3FD9]  }
0x89: {  	s3 =	sld [smem:$0x3FFE];
	_ =	sdelay $0x1  }
0x8a: {  	s1 =	srdreg.scid  }
0x8b: {  	s0 =	sand.u32 $0x1, s1  }
0x8c: {  	s14 =	sshll.u32 s0, $0xA;
	s2 =	sadd.s32 s3, s2  }
0x8d: {  	s2 =	sadd.s32 s2, s14  }
0x8e: {  	[smem:$0x3FC0] =	sst s2  }
0x8f: {  	_ = 	snop  }
0x90: {  	s2 =	sld [smem:$0x3FD0];
	_ =	sdelay $0x2  }
0x91: {  	s15 =	simm.s32 $0xA;
	s4 =	simm.s32 $0x10  }
0x92: {  	[smem:s4], [sflag:s15] =	dma.local [hbm:s2], $0x1  }
0x93: {  	_ =	swait.eq [sflag:s15], $0x1  }
0x94: {  	[sflag:s15] =	ssyncset.done $0x0  }
0x95: {  	[sflag:s15] =	ssyncadd.s32 $0xFFFFFFFF  }
0x96: {  	s16 =	sld [smem:$0x10];
	(tm) =	ssettm $0x1  }
0x97: {  	s17 =	sld [smem:$0x3FFB];
	_ =	sdelay $0x3  }
0x98: {  	_ =	strace s17  }
0x99: {  	s3 =	sld [smem:$0x3FFC];
	_ =	sdelay $0x3  }
0x9a: {  	_ =	strace s3  }
0x9b: {  	s3 =	sld [smem:$0x3FFD];
	_ =	sdelay $0x3  }
0x9c: {  	_ =	strace s3  }
0x9d: {  	_ =	strace $0x8FFFFFFF  }
0x9e: {  	s18 =	sld [smem:$0x3FDB];
	_ =	sdelay $0x1  }
0x9f: {  	s19 =	simm.s32 $_scs_section_size  }
0xa0: {  	s5 =	simm.s32 $_size__tile_overlayer_lowered;
	s6 =	simm.s32 $_tile_overlayer_lowered  }
0xa1: {  	s22 =	simm.s32 $0x1BFF;
	s21 =	sshll.u32 s6, $0x1;
	s3 =	sadd.s32 s19, s18  }
0xa2: {  	s7 =	simm.s32 $0x0;
	s20 =	sshll.u32 s5, $0x1;
	s5 =	sadd.s32 s21, s3  }
0xa3: {  	[timem:s7], [sflag:s22] =	dma.local [hbm:s5], s20  }
0xa4: {  	_ =	swait.ge [sflag:s22], s20  }
0xa5: {  	s4 =	ssub.s32 $0x0, s20;
	[sflag:s22] =	ssyncset.done $0x0  }
0xa6: {  	[sflag:s22] =	ssyncadd.s32 s4;
	_ =	sdelay $0x1  }
0xa7: {  	s23 =	simm.s32 $0x1B8B  }
0xa8: {  	_ =	swait.ge [sflag:s23], $0x1  }
0xa9: {  	[sflag:s23] =	ssyncset.done $0x0  }
0xaa: {  	s25 =	simm.s32 $0x1B8E;
	s24 =	sld [smem:$0x3FFE];
	[sflag:s23] =	ssyncadd.s32 $0xFFFFFFFF  }
0xab: {  	s26 =	simm.s32 $execute0_lowered;
	[smem:$0x3FD2] =	sst s25  }
0xac: {  	s5 =	sshll.u32 s26, $0x1;
	_ =	strace $0x8000004C;
	[dreg:$0x1] =	wrdreg $0xFFFFFFFF  }
0xad: {  	s28 =	simm.s32 $_size_execute0_lowered;
	s3 =	sadd.s32 s3, s5;
	[dreg:$0x0] =	wrdreg $0x0  }
0xae: {  	s5 =	sshll.u32 s28, $0x1;
	[dreg:$0x2] =	wrdreg s3  }
0xaf: {  	[dreg:$0x3] =	wrdreg s5  }
0xb0: {  	[dreg:$0x4] =	wrdreg $0xC0  }
0xb1: {  	_ =	task [dreg:s7], $0x5FFFF  }
0xb2: {  	[dreg:$0x1] =	wrdreg $0xFFFFFFFF  }
0xb3: {  	[dreg:$0x0] =	wrdreg $0x60  }
0xb4: {  	[dreg:$0x2] =	wrdreg s16  }
0xb5: {  	[dreg:$0x3] =	wrdreg s24  }
0xb6: {  	[dreg:$0x4] =	wrdreg $0x90000  }
0xb7: {  	[dreg:$0x5] =	wrdreg $0x9  }
0xb8: {  	_ =	task.clear_ibuf [dreg:s7], $0x6FFFF;
	_ =	strace $0x9000004C  }
0xb9: {  	s29 =	simm.s32 $0x9;
	_ =	strace $0x8000004E  }
0xba: {  	_ =	swait.ge [sflag:s29], $0x1  }
0xbb: {  	[sflag:s29] =	ssyncadd.s32 $0xFFFFFFFF  }
0xbc: {  	_ =	strace $0x9000004E  }
0xbd: {  	_ =	sfence  }
0xbe: {  	s30 =	sld [smem:$0x0];
	_ =	sdelay $0x2  }
0xbf: {  	s31 =	sshll.u32 s1, $0xD;
	s1 =	sshrl.u32 s1, $0x2  }
0xc0: {  	s3 =	sand.u32 $0x4000, s31;
	s1 =	sadd.s32 s1, s30  }
0xc1: {  	s0 =	sor.u32 s3, s0;
	s1 =	sshll.u32 s1, $0x11  }
0xc2: {  	s0 =	sor.u32 s1, s0  }
0xc3: {  	s0 =	sadd.s32 $0x8F2B, s0  }
0xc4: {  	[sflag:s0] =	ssyncadd.remote.s32 $0x1  }
0xc5: {  	_ =	sfence.sel $0xFFFF  }
0xc6: {  	[dreg:$0x0] =	wrdreg $0xFFFFFFFF;
	(pc) =	sbr.abs _section_cstart, $3  }
0xc7: {  	[dreg:$0x1] =	wrdreg $0xFFFFFFFF  }
0xc8: {  	_ =	task.clear_ibuf [dreg:s7], $0x2FFFF;
	_ =	strace $0x9FFFFFFF  }
0xc9: {  	(tm) =	ssettm $0x7FFFFFFF  }
tec
execute0_lowered:
.L_overlay_start_1:
0x0: {  	(tag) =	ssettag $0x1  }
0x1: {  	s0 =	srdreg.scid  }
0x2: {  	s14 =	stileid.u32;
	s1 =	rddreg [dreg:$0x1];
	s5 =	simm.s32 $0x0  }
0x3: {  	s31 =	simm.s32 $0x5000;
	s2 =	sand.u32 $0x1, s0;
	s4 =	smul.u32 $0x16000, s14  }
0x4: {  	[smem:$0x7FF] =	sst s5;
	s12 =	sadd.s32 $0x16400, s1;
	s0 =	sshll.u32 s2, $0x4  }
0x5: {  	s3 =	ssub.s32 $0x2, s2;
	s2 =	smul.u32 $0x160000, s2;
	s0 =	sor.u32 s14, s0  }
0x6: {  	s10 =	sshrl.u32 s3, $0x1;
	s5 =	sadd.s32 $0x4000, s4;
	s19 =	sadd.s32 $0x6000, s4  }
0x7: {  	s20 =	sadd.s32 $0x8000, s4;
	s21 =	sadd.s32 $0xA000, s4;
	s22 =	sadd.s32 $0xC000, s4  }
0x8: {  	s23 =	sadd.s32 $0xE000, s4;
	s24 =	sadd.s32 $0x10000, s4;
	s25 =	sadd.s32 $0x12000, s4  }
0x9: {  	s0 =	smul.u32 $0x500, s0;
	s6 =	sadd.s32 s4, s2;
	s7 =	sadd.s32 s2, s5  }
0xa: {  	s8 =	sadd.s32 s2, s19;
	s16 =	sadd.s32 s2, s20;
	s17 =	sadd.s32 s2, s21  }
0xb: {  	s18 =	sadd.s32 s2, s22;
	s9 =	sadd.s32 s2, s23;
	s6 =	sshrl.u32 s6, $0x3  }
0xc: {  	s7 =	sshrl.u32 s7, $0x3;
	s15 =	sshrl.u32 s8, $0x3;
	s8 =	sshrl.u32 s18, $0x3  }
0xd: {  	s9 =	sshrl.u32 s9, $0x3;
	s0 =	sadd.s32 s0, s1;
	s1 =	ssub.s32 s3, s10  }
0xe: {  	s3 =	sadd.s32 $0x2000, s4;
	s4 =	sadd.s32 $0x14000, s4;
	s6 =	sadd.s32 s12, s6  }
0xf: {  	s13 =	sadd.s32 s12, s7;
	s7 =	sshrl.u32 s17, $0x3;
	s8 =	sadd.s32 s12, s8  }
0x10: {  	s10 =	sadd.s32 s2, s24;
	s9 =	sadd.s32 s12, s9;
	[dreg:$0x4] =	wrdreg s6  }
0x11: {  	s11 =	sadd.s32 s2, s3;
	[dreg:$0x6] =	wrdreg s13;
	s7 =	sadd.s32 s12, s7  }
0x12: {  	s10 =	sshrl.u32 s10, $0x3;
	s28 =	sadd.s32 $0xC400, s0;
	s29 =	sadd.s32 $0x2400, s0  }
0x13: {  	s30 =	smax.u32 s1, $0x1;
	s0 =	simm.s32 $0x80;
	s1 =	simm.s32 $0x1  }
0x14: {  	s6 =	sshrl.u32 s11, $0x3;
	s11 =	sadd.s32 s2, s25;
	s2 =	sadd.s32 s2, s4  }
0x15: {  	s6 =	sadd.s32 s12, s6;
	s13 =	sshrl.u32 s11, $0x3;
	s11 =	rddreg [dreg:$0x0]  }
0x16: {  	s10 =	sadd.s32 s12, s10;
	s2 =	sshrl.u32 s2, $0x3;
	[dreg:$0x5] =	wrdreg s6  }
0x17: {  	s6 =	sadd.s32 s12, s15;
	s13 =	sadd.s32 s12, s13;
	s15 =	sadd.s32 s12, s2  }
0x18: {  	s2 =	simm.s32 $0x0;
	[dreg:$0x7] =	wrdreg s6;
	s6 =	sshrl.u32 s16, $0x3  }
0x19: {  	s16 =	smul.u32 $0x58000, s14;
	s14 =	rddreg [dreg:$0x2];
	s6 =	sadd.s32 s12, s6  }
0x1a: {  	s17 =	sadd.s32 s3, s14;
	s18 =	sadd.s32 s5, s14;
	s19 =	sadd.s32 s19, s14  }
0x1b: {  	s20 =	sadd.s32 s20, s14;
	s21 =	sadd.s32 s21, s14;
	s22 =	sadd.s32 s22, s14  }
0x1c: {  	s23 =	sadd.s32 s23, s14;
	s24 =	sadd.s32 s24, s14;
	s25 =	sadd.s32 s25, s14  }
0x1d: {  	s12 =	simm.s32 $0x2;
	[dreg:$0x8] =	wrdreg s6;
	s26 =	sshrl.u32 s16, $0x2  }
0x1e: {  	v0 =	vimm.f32 $0.0e+00;
	_ =	strace $0x8000004D;
	s16 =	sadd.s32 s26, s14;
	s26 =	sadd.s32 s4, s14  }
.LBB2_1:
0x1f: {  	s4 =	simm.s32 $0x0  }
0x20: {  	s3 =	sand.u32 $0xFE00, s4  }
0x21: {  	s4 =	sand.u32 $0x70, s4;
	s5 =	sshrl.u32 s3, $0x2  }
0x22: {  	s3 =	simm.s32 $0x40;
	s5 =	sor.u32 s4, s5;
	s4 =	simm.s32 $0x0  }
.LBB2_2:
0x23: {  	p0 =	sne.s32 s3, $0xFFC0  }
0x24: {  	[tilespmem:s5+$0x5000] =	vst v0;
	s4 =	sadd.s32 $0x10, s4;
	s5 =	smov.u32 s3;
	s3 =	sadd.s32 $0x40, s3  }
.Ltmp0:
0x25: {  	(pc) =	sbr.rel @p0 .LBB2_2-.Ltmp0, $4  }
0x26: {  	_ = 	snop  }
0x27: {  	s5 =	sand.u32 $0xFE00, s5  }
0x28: {  	s6 =	sand.u32 $0x70, s4;
	s5 =	sshrl.u32 s5, $0x2  }
0x29: {  	s5 =	sor.u32 s6, s5  }
0x2a: {  	[tilespmem:s5+$0x5000] =	vst v0  }
0x2b: {  	[spmem:s16] =	stream.linear.scatter [tilespmem:s31], [sflag:$0x2], $0x2000, $0x38;
	[tilespmem:$0x1F000] =	vst v63  }
0x2c: {  	_ =	swait.ge [sflag:s12], $0x2000  }
0x2d: {  	[sflag:s12] =	ssyncset.done $0x0  }
0x2e: {  	[sflag:s12] =	ssyncadd.s32 $0xFFFFE000  }
0x2f: {  	[spmem:s17] =	stream.linear.scatter [tilespmem:s31], [sflag:$0x2], $0x2000, $0x38;
	[tilespmem:$0x1F000] =	vst v63  }
0x30: {  	_ =	swait.ge [sflag:s12], $0x2000  }
0x31: {  	[sflag:s12] =	ssyncset.done $0x0  }
0x32: {  	[sflag:s12] =	ssyncadd.s32 $0xFFFFE000  }
0x33: {  	[spmem:s18] =	stream.linear.scatter [tilespmem:s31], [sflag:$0x2], $0x2000, $0x38;
	[tilespmem:$0x1F000] =	vst v63  }
0x34: {  	_ =	swait.ge [sflag:s12], $0x2000  }
0x35: {  	[sflag:s12] =	ssyncset.done $0x0  }
0x36: {  	[sflag:s12] =	ssyncadd.s32 $0xFFFFE000  }
0x37: {  	[spmem:s19] =	stream.linear.scatter [tilespmem:s31], [sflag:$0x2], $0x2000, $0x38;
	[tilespmem:$0x1F000] =	vst v63  }
0x38: {  	_ =	swait.ge [sflag:s12], $0x2000  }
0x39: {  	[sflag:s12] =	ssyncset.done $0x0  }
0x3a: {  	[sflag:s12] =	ssyncadd.s32 $0xFFFFE000  }
0x3b: {  	[spmem:s20] =	stream.linear.scatter [tilespmem:s31], [sflag:$0x2], $0x2000, $0x38;
	[tilespmem:$0x1F000] =	vst v63  }
0x3c: {  	_ =	swait.ge [sflag:s12], $0x2000  }
0x3d: {  	[sflag:s12] =	ssyncset.done $0x0  }
0x3e: {  	[sflag:s12] =	ssyncadd.s32 $0xFFFFE000  }
0x3f: {  	[spmem:s21] =	stream.linear.scatter [tilespmem:s31], [sflag:$0x2], $0x2000, $0x38;
	[tilespmem:$0x1F000] =	vst v63  }
0x40: {  	_ =	swait.ge [sflag:s12], $0x2000  }
0x41: {  	[sflag:s12] =	ssyncset.done $0x0  }
0x42: {  	[sflag:s12] =	ssyncadd.s32 $0xFFFFE000  }
0x43: {  	[spmem:s22] =	stream.linear.scatter [tilespmem:s31], [sflag:$0x2], $0x2000, $0x38;
	[tilespmem:$0x1F000] =	vst v63  }
0x44: {  	_ =	swait.ge [sflag:s12], $0x2000  }
0x45: {  	[sflag:s12] =	ssyncset.done $0x0  }
0x46: {  	[sflag:s12] =	ssyncadd.s32 $0xFFFFE000  }
0x47: {  	[spmem:s23] =	stream.linear.scatter [tilespmem:s31], [sflag:$0x2], $0x2000, $0x38;
	[tilespmem:$0x1F000] =	vst v63  }
0x48: {  	_ =	swait.ge [sflag:s12], $0x2000  }
0x49: {  	[sflag:s12] =	ssyncset.done $0x0  }
0x4a: {  	[sflag:s12] =	ssyncadd.s32 $0xFFFFE000  }
0x4b: {  	[spmem:s24] =	stream.linear.scatter [tilespmem:s31], [sflag:$0x2], $0x2000, $0x38;
	[tilespmem:$0x1F000] =	vst v63  }
0x4c: {  	_ =	swait.ge [sflag:s12], $0x2000  }
0x4d: {  	[sflag:s12] =	ssyncset.done $0x0  }
0x4e: {  	[sflag:s12] =	ssyncadd.s32 $0xFFFFE000  }
0x4f: {  	[spmem:s25] =	stream.linear.scatter [tilespmem:s31], [sflag:$0x2], $0x2000, $0x38;
	[tilespmem:$0x1F000] =	vst v63  }
0x50: {  	_ =	swait.ge [sflag:s12], $0x2000  }
0x51: {  	[sflag:s12] =	ssyncset.done $0x0  }
0x52: {  	[sflag:s12] =	ssyncadd.s32 $0xFFFFE000  }
0x53: {  	[spmem:s26] =	stream.linear.scatter [tilespmem:s31], [sflag:$0x2], $0x2000, $0x38;
	[tilespmem:$0x1F000] =	vst v63  }
0x54: {  	_ =	swait.ge [sflag:s12], $0x2000  }
0x55: {  	[sflag:s12] =	ssyncset.done $0x0  }
0x56: {  	s3 =	simm.s32 $0x0;
	[sflag:s12] =	ssyncadd.s32 $0xFFFFE000  }
0x57: {  	[tilespmem:s3], [sflag:$0x2] =	stream.linear.gather [hbm4b:s28+s3], $0x2780, $0x38;
	[tilespmem:$0x1F000] =	vst v63  }
0x58: {  	_ =	swait.ge [sflag:s12], $0x2780  }
0x59: {  	[sflag:s12] =	ssyncset.done $0x0  }
0x5a: {  	s4 =	simm.s32 $0x2800;
	[sflag:s12] =	ssyncadd.s32 $0xFFFFD880  }
0x5b: {  	[tilespmem:s4], [sflag:$0x2] =	stream.linear.gather [hbm4b:s29+s3], $0x2780, $0x38;
	[tilespmem:$0x1F000] =	vst v63  }
0x5c: {  	_ =	swait.ge [sflag:s12], $0x2780  }
0x5d: {  	[sflag:s12] =	ssyncset.done $0x0  }
0x5e: {  	[sflag:s12] =	ssyncadd.s32 $0xFFFFD880  }
0x5f: {  	s5 =	simm.s32 $0x0;
	[bflag:$0x0] =	sbarrier.arrive $0xFFFF  }
0x60: {  	[tilespmem:s31], [sflag:$0x1] =	stream.indirect.gather [hbm4b:s11+s0], $0x80, s5, s0, $0xb8;
	[tilespmem:$0x1F000] =	vst v63  }
0x61: {  	_ =	swait.ge [sflag:s1], $0x4000  }
0x62: {  	[sflag:s1] =	ssyncset.done $0x0  }
0x63: {  	s6 =	simm.s32 $0x2800;
	[sflag:s1] =	ssyncadd.s32 $0xFFFFC000  }
0x64: {  	[spmem:s14] =	stream.indirect.scatter.add.f32 [tilespmem:s31], [sflag:$0x2], $0x80, s6, s0, $0xb8;
	[tilespmem:$0x1F000] =	vst v63  }
0x65: {  	_ =	swait.ge [sflag:s12], $0x4000  }
0x66: {  	s3 =	simm.s32 $0x200;
	s4 =	simm.s32 $0x400;
	[sflag:s12] =	ssyncset.done $0x0  }
.LBB2_4:
0x67: {  	s5 =	sshra.s32 s3, $0x2  }
0x68: {  	[sflag:s12] =	ssyncadd.s32 $0xFFFFC000;
	s3 =	smov.u32 s4;
	s6 =	sadd.s32 $0x200, s4  }
0x69: {  	[tilespmem:s31], [sflag:$0x1] =	stream.indirect.gather [hbm4b:s11+s0], $0x80, s5, s0, $0xb8;
	[tilespmem:$0x1F000] =	vst v63  }
0x6a: {  	p0 =	sne.s32 s4, $0x9C00;
	_ =	swait.ge [sflag:s1], $0x4000  }
.Ltmp1:
0x6b: {  	[sflag:s1] =	ssyncset.done $0x0;
	(pc) =	sbr.rel @p0 .LBB2_4-.Ltmp1, $4  }
0x6c: {  	s4 =	sadd.s32 $0x2800, s5;
	[sflag:s1] =	ssyncadd.s32 $0xFFFFC000  }
0x6d: {  	[spmem:s14] =	stream.indirect.scatter.add.f32 [tilespmem:s31], [sflag:$0x2], $0x80, s4, s0, $0xb8;
	[tilespmem:$0x1F000] =	vst v63  }
0x6e: {  	_ =	swait.ge [sflag:s12], $0x4000  }
0x6f: {  	s4 =	smov.u32 s6;
	[sflag:s12] =	ssyncset.done $0x0  }
0x70: {  	s3 =	sshra.s32 s3, $0x2;
	[sflag:s12] =	ssyncadd.s32 $0xFFFFC000  }
0x71: {  	[tilespmem:s31], [sflag:$0x1] =	stream.indirect.gather [hbm4b:s11+s0], $0x80, s3, s0, $0xb8;
	[tilespmem:$0x1F000] =	vst v63  }
0x72: {  	_ =	swait.ge [sflag:s1], $0x4000  }
0x73: {  	[sflag:s1] =	ssyncset.done $0x0  }
0x74: {  	s3 =	sadd.s32 $0x2800, s3;
	[sflag:s1] =	ssyncadd.s32 $0xFFFFC000  }
0x75: {  	[spmem:s14] =	stream.indirect.scatter.add.f32 [tilespmem:s31], [sflag:$0x2], $0x80, s3, s0, $0xb8;
	[tilespmem:$0x1F000] =	vst v63  }
0x76: {  	_ =	swait.ge [sflag:s12], $0x4000  }
0x77: {  	[sflag:s12] =	ssyncset.done $0x0  }
0x78: {  	s4 =	stileid.u32;
	[sflag:s12] =	ssyncadd.s32 $0xFFFFC000  }
0x79: {  	s3 =	sshll.u32 s4, $0x6;
	[bflag:$0x0] =	sbarrier.arrive $0xFFFF  }
0x7a: {  	s4 =	sshrl.u32 s16, $0x3;
	s3 =	sor.u32 $0x1C02, s3;
	s5 =	rddreg [dreg:$0x4]  }
0x7b: {  	[hbm:s5], [sflag:s3] =	dma.local [spmem:s4], $0x400  }
0x7c: {  	_ =	swait.ge [sflag:s12], $0x400  }
0x7d: {  	[sflag:s12] =	ssyncset.done $0x0  }
0x7e: {  	s5 =	sshrl.u32 s17, $0x3;
	s6 =	rddreg [dreg:$0x5];
	[sflag:s12] =	ssyncadd.s32 $0xFFFFFC00  }
0x7f: {  	[hbm:s6], [sflag:s3] =	dma.local [spmem:s5], $0x400  }
0x80: {  	_ =	swait.ge [sflag:s12], $0x400  }
0x81: {  	[sflag:s12] =	ssyncset.done $0x0  }
0x82: {  	s5 =	sshrl.u32 s18, $0x3;
	s6 =	rddreg [dreg:$0x6];
	[sflag:s12] =	ssyncadd.s32 $0xFFFFFC00  }
0x83: {  	[hbm:s6], [sflag:s3] =	dma.local [spmem:s5], $0x400  }
0x84: {  	_ =	swait.ge [sflag:s12], $0x400  }
0x85: {  	[sflag:s12] =	ssyncset.done $0x0  }
0x86: {  	s5 =	sshrl.u32 s19, $0x3;
	s6 =	rddreg [dreg:$0x7];
	[sflag:s12] =	ssyncadd.s32 $0xFFFFFC00  }
0x87: {  	[hbm:s6], [sflag:s3] =	dma.local [spmem:s5], $0x400  }
0x88: {  	_ =	swait.ge [sflag:s12], $0x400  }
0x89: {  	[sflag:s12] =	ssyncset.done $0x0  }
0x8a: {  	s5 =	sshrl.u32 s20, $0x3;
	s6 =	rddreg [dreg:$0x8];
	[sflag:s12] =	ssyncadd.s32 $0xFFFFFC00  }
0x8b: {  	[hbm:s6], [sflag:s3] =	dma.local [spmem:s5], $0x400  }
0x8c: {  	_ =	swait.ge [sflag:s12], $0x400  }
0x8d: {  	[sflag:s12] =	ssyncset.done $0x0  }
0x8e: {  	s5 =	sshrl.u32 s21, $0x3;
	[sflag:s12] =	ssyncadd.s32 $0xFFFFFC00  }
0x8f: {  	[hbm:s7], [sflag:s3] =	dma.local [spmem:s5], $0x400  }
0x90: {  	_ =	swait.ge [sflag:s12], $0x400  }
0x91: {  	[sflag:s12] =	ssyncset.done $0x0  }
0x92: {  	s6 =	sshrl.u32 s22, $0x3;
	[sflag:s12] =	ssyncadd.s32 $0xFFFFFC00  }
0x93: {  	[hbm:s8], [sflag:s3] =	dma.local [spmem:s6], $0x400  }
0x94: {  	_ =	swait.ge [sflag:s12], $0x400  }
0x95: {  	[sflag:s12] =	ssyncset.done $0x0  }
0x96: {  	s5 =	sshrl.u32 s23, $0x3;
	[sflag:s12] =	ssyncadd.s32 $0xFFFFFC00  }
0x97: {  	[hbm:s9], [sflag:s3] =	dma.local [spmem:s5], $0x400  }
0x98: {  	_ =	swait.ge [sflag:s12], $0x400  }
0x99: {  	[sflag:s12] =	ssyncset.done $0x0  }
0x9a: {  	s6 =	sshrl.u32 s24, $0x3;
	[sflag:s12] =	ssyncadd.s32 $0xFFFFFC00  }
0x9b: {  	[hbm:s10], [sflag:s3] =	dma.local [spmem:s6], $0x400  }
0x9c: {  	_ =	swait.ge [sflag:s12], $0x400  }
0x9d: {  	[sflag:s12] =	ssyncset.done $0x0  }
0x9e: {  	s5 =	sshrl.u32 s25, $0x3;
	[sflag:s12] =	ssyncadd.s32 $0xFFFFFC00  }
0x9f: {  	[hbm:s13], [sflag:s3] =	dma.local [spmem:s5], $0x400  }
0xa0: {  	s2 =	sadd.s32 $0x1, s2;
	_ =	swait.ge [sflag:s12], $0x400  }
0xa1: {  	p0 =	sne.s32 s2, s30;
	[sflag:s12] =	ssyncset.done $0x0  }
.Ltmp2:
0xa2: {  	s6 =	sshrl.u32 s26, $0x3;
	[sflag:s12] =	ssyncadd.s32 $0xFFFFFC00;
	(pc) =	sbr.rel @p0 .LBB2_1-.Ltmp2, $4  }
0xa3: {  	[hbm:s15], [sflag:s3] =	dma.local [spmem:s6], $0x400  }
0xa4: {  	_ =	swait.ge [sflag:s12], $0x400  }
0xa5: {  	[sflag:s12] =	ssyncset.done $0x0  }
0xa6: {  	[sflag:s12] =	ssyncadd.s32 $0xFFFFFC00  }
0xa7: {  	_ =	sfence.sel $0x180000  }
0xa8: {  	[bflag:$0x0] =	sbarrier.arrive $0xFFFF  }
0xa9: {  	_ =	strace $0x9000004D  }
0xaa: {  	s0 =	stileid.u32;
	[bflag:$0x2] =	sbarrier.arrive $0xFFFF  }
0xab: {  	p0 =	sne.s32 s0, $0x0;
	s0 =	rddreg [dreg:$0x3]  }
0xac: {  	s0 =	sadd.s32 @!p0 $0x100000, s0  }
0xad: {  	[sflag:s0] =	ssyncadd.tile.s32 @!p0 $0x1;
	_ =	shalt  }
.Lfunc_end2:
_tile_overlayer_lowered:
.L_overlay_start_2:
0xae: {  	(tag) =	ssettag $0x2  }
0xaf: {  	s0 =	rddreg [dreg:$0x0];
	s2 =	stileid.u32  }
0xb0: {  	s1 =	rddreg [dreg:$0x1];
	p0 =	sne.s32 s2, $0x0  }
0xb1: {  	s3 =	rddreg [dreg:$0x2];
	[bflag:$0x3] =	sbarrier.arrive $0xFFFF;
	s2 =	simm.s32 @!p0 $0x1C02  }
0xb2: {  	[timem:s3], [sflag:s2] =	dma.local @!p0 [hbm:s0], s1  }
0xb3: {  	s0 =	simm.s32 @!p0 $0x2  }
0xb4: {  	_ =	swait.ge @!p0 [sflag:s0], s1  }
0xb5: {  	s1 =	ssub.s32 @!p0 $0x0, s1;
	[sflag:s0] =	ssyncset.done @!p0 $0x0  }
0xb6: {  	[sflag:s0] =	ssyncadd.s32 @!p0 s1  }
0xb7: {  	[bflag:$0x3] =	sbarrier.arrive $0xFFFF  }
0xb8: {  	_ =	shalt  }

// kernel: kernel.8.cloned.1.call-start
scs
__scs_entry_jumppad:
0x0: {  	(pc) =	sbr.rel $0x88, $3  }
0x1: {  	(tag) =	ssettag $0x0;
	lr =	simm.s32 $0x1  }
0x2: {  	[smem:$0x3F99] =	sst lr;
	_ =	strace $0xD0000000  }
0x3: {  	_ = 	snop  }
0x4: {  	_ = 	snop  }
0x5: {  	_ = 	snop  }
0x6: {  	_ = 	snop  }
0x7: {  	_ = 	snop  }
__scs_overlays_trampoline_lowered:
0x8: {  	[smem:$0x3FA8] =	sst s0  }
0x9: {  	[smem:$0x3FA9] =	sst s1  }
0xa: {  	[smem:$0x3FAA] =	sst s2  }
0xb: {  	[smem:$0x3FAB] =	sst s3  }
0xc: {  	[smem:$0x3FAC] =	sst s4  }
0xd: {  	[smem:$0x3FAD] =	sst s5  }
0xe: {  	[smem:$0x3FAE] =	sst s6  }
0xf: {  	[smem:$0x3FAF] =	sst s7  }
0x10: {  	[smem:$0x3FB0] =	sst s8  }
0x11: {  	[smem:$0x3FB1] =	sst s9;
	s0 =	simm.s32 @!p0 $0x0  }
0x12: {  	s1 =	sld [smem:$0x3F97];
	s0 =	simm.s32 @p0 $0x1  }
0x13: {  	[smem:$0x3FB2] =	sst s0;
	s0 =	simm.s32 @!p1 $0x0  }
0x14: {  	s2 =	sld [smem:$0x3F96];
	s0 =	simm.s32 @p1 $0x1  }
0x15: {  	[smem:$0x3FB3] =	sst s0;
	s0 =	simm.s32 @!p2 $0x0  }
0x16: {  	s3 =	sld [smem:$0x3FDB];
	s0 =	simm.s32 @p2 $0x1  }
0x17: {  	s4 =	simm.s32 $0x1BF5;
	[smem:$0x3FB5] =	sst s0  }
0x18: {  	s0 =	sld [smem:$0x3F98];
	_ =	swait.ge [sflag:s4], $0x0  }
0x19: {  	s7 =	sld [smem:$0x3F99]  }
0x1a: {  	s8 =	sadd.s32 $0xFFFFE003, lr  }
0x1b: {  	s9 =	sadd.s32 $0xFFFFFEF7, lr;
	s5 =	simm.s32 $0xFFFFFFFF;
	p2 =	slt.u32 s8, $0xFFFFF086  }
0x1c: {  	p1 =	slt.u32 s9, $0xF7A;
	s5 =	simm.s32 @!p2 $0x0  }
0x1d: {  	s5 =	simm.s32 @p1 $0x1;
	p0 =	seq.s32 s7, s2  }
0x1e: {  	s7 =	smul.u32 @!p0 $0xF7A, s2;
	p2 =	seq.s32 @!p0 s5, $0x0  }
0x1f: {  	s9 =	smul.u32 $0xF7A, s1;
	s8 =	simm.s32 @!p0 $0x1BF5;
	p2 =	por !p2, p0  }
0x20: {  	[sflag:s8] =	ssyncset.s32 @!p0 $0xFFFFF086;
	s6 =	sadd.s32 @!p0 s3, s7;
	s7 =	simm.s32 @!p0 $0x108  }
0x21: {  	s3 =	sadd.s32 s3, s9;
	s6 =	sadd.s32 @!p0 $0x88, s6;
	s7 =	simm.s32 @p2 $0x1082  }
0x22: {  	[simem:s7], [sflag:s8] =	dma.local @!p0 [hbm:s6], $0xF7A  }
0x23: {  	s9 =	sor.u32 $0xD0000000, s2;
	s6 =	simm.s32 $0x108;
	_ =	swait.ge @!p0 [sflag:s8], $0x0  }
0x24: {  	s3 =	sadd.s32 $0x88, s3;
	s6 =	simm.s32 @!p1 $0x1082;
	[sflag:s4] =	ssyncset.s32 $0xFFFFF086  }
0x25: {  	[simem:s6], [sflag:s4] =	dma.local [hbm:s3], $0xF7A  }
0x26: {  	[smem:$0x3F99] =	sst s1;
	(tag) =	ssettag s2;
	_ =	strace s9  }
0x27: {  	s1 =	sld [smem:$0x3FA9]  }
0x28: {  	s2 =	sld [smem:$0x3FAA]  }
0x29: {  	s4 =	sld [smem:$0x3FAC]  }
0x2a: {  	p0 =	seq.s32 s5, $0x0;
	s5 =	sld [smem:$0x3FAD]  }
0x2b: {  	s6 =	sld [smem:$0x3FAE]  }
0x2c: {  	s7 =	sld [smem:$0x3FAF]  }
0x2d: {  	s3 =	simm.s32 $0x108;
	s8 =	sld [smem:$0x3FB0]  }
0x2e: {  	s3 =	simm.s32 @!p0 $0x1082;
	s9 =	sld [smem:$0x3FB1]  }
0x2f: {  	lr =	sadd.s32 s0, s3;
	s0 =	sld [smem:$0x3FA8]  }
0x30: {  	s3 =	sld [smem:$0x3FAB]  }
0x31: {  	[smem:$0x3FB4] =	sst s10  }
0x32: {  	s10 =	sld [smem:$0x3FB2];
	_ =	sdelay $0x3  }
0x33: {  	p0 =	seq.s32 s10, $0x1;
	s10 =	sld [smem:$0x3FB4];
	_ =	sdelay $0x3  }
0x34: {  	[smem:$0x3FB4] =	sst s10  }
0x35: {  	s10 =	sld [smem:$0x3FB3];
	_ =	sdelay $0x3  }
0x36: {  	p1 =	seq.s32 s10, $0x1;
	s10 =	sld [smem:$0x3FB4];
	_ =	sdelay $0x3  }
0x37: {  	[smem:$0x3FB4] =	sst s10  }
0x38: {  	s10 =	sld [smem:$0x3FB5]  }
0x39: {  	_ = 	snop;
	(pc) =	sbr.ind lr, $3  }
0x3a: {  	_ = 	snop  }
0x3b: {  	_ = 	snop  }
0x3c: {  	p2 =	seq.s32 s10, $0x1;
	s10 =	sld [smem:$0x3FB4]  }
0x3d: {  	_ =	shalt  }
0x3e: {  	_ =	shalt  }
0x3f: {  	_ =	shalt  }
0x40: {  	_ =	shalt  }
0x41: {  	_ =	shalt  }
0x42: {  	_ =	shalt  }
0x43: {  	_ =	shalt  }
0x44: {  	_ =	shalt  }
0x45: {  	_ =	shalt  }
0x46: {  	_ =	shalt  }
0x47: {  	_ =	shalt  }
0x48: {  	_ =	shalt  }
0x49: {  	_ =	shalt  }
0x4a: {  	_ =	shalt  }
0x4b: {  	_ =	shalt  }
0x4c: {  	_ =	shalt  }
0x4d: {  	_ =	shalt  }
0x4e: {  	_ =	shalt  }
0x4f: {  	_ =	shalt  }
0x50: {  	_ =	shalt  }
0x51: {  	_ =	shalt  }
0x52: {  	_ =	shalt  }
0x53: {  	_ =	shalt  }
0x54: {  	_ =	shalt  }
0x55: {  	_ =	shalt  }
0x56: {  	_ =	shalt  }
0x57: {  	_ =	shalt  }
0x58: {  	_ =	shalt  }
0x59: {  	_ =	shalt  }
0x5a: {  	_ =	shalt  }
0x5b: {  	_ =	shalt  }
0x5c: {  	_ =	shalt  }
0x5d: {  	_ =	shalt  }
0x5e: {  	_ =	shalt  }
0x5f: {  	_ =	shalt  }
0x60: {  	_ =	shalt  }
0x61: {  	_ =	shalt  }
0x62: {  	_ =	shalt  }
0x63: {  	_ =	shalt  }
0x64: {  	_ =	shalt  }
0x65: {  	_ =	shalt  }
0x66: {  	_ =	shalt  }
0x67: {  	_ =	shalt  }
0x68: {  	_ =	shalt  }
0x69: {  	_ =	shalt  }
0x6a: {  	_ =	shalt  }
0x6b: {  	_ =	shalt  }
0x6c: {  	_ =	shalt  }
0x6d: {  	_ =	shalt  }
0x6e: {  	_ =	shalt  }
0x6f: {  	_ =	shalt  }
0x70: {  	_ =	shalt  }
0x71: {  	_ =	shalt  }
0x72: {  	_ =	shalt  }
0x73: {  	_ =	shalt  }
0x74: {  	_ =	shalt  }
0x75: {  	_ =	shalt  }
0x76: {  	_ =	shalt  }
0x77: {  	_ =	shalt  }
0x78: {  	_ =	shalt  }
0x79: {  	_ =	shalt  }
0x7a: {  	_ =	shalt  }
0x7b: {  	_ =	shalt  }
0x7c: {  	_ =	shalt  }
0x7d: {  	_ =	shalt  }
0x7e: {  	_ =	shalt  }
0x7f: {  	_ =	shalt  }
0x80: {  	_ =	shalt  }
0x81: {  	_ =	shalt  }
0x82: {  	_ =	shalt  }
0x83: {  	_ =	shalt  }
0x84: {  	_ =	shalt  }
0x85: {  	_ =	shalt  }
0x86: {  	_ =	shalt  }
0x87: {  	_ =	shalt  }
.Lfunc_end0:
.L_simem_size_0:
called_computation_lowered:
.L_overlay_start_0:
0x88: {  	s2 =	sld [smem:$0x3FD9]  }
0x89: {  	s3 =	sld [smem:$0x3FFE];
	_ =	sdelay $0x1  }
0x8a: {  	s1 =	srdreg.scid  }
0x8b: {  	s0 =	sand.u32 $0x1, s1  }
0x8c: {  	s14 =	sshll.u32 s0, $0xA;
	s2 =	sadd.s32 s3, s2  }
0x8d: {  	s2 =	sadd.s32 s2, s14  }
0x8e: {  	[smem:$0x3FC0] =	sst s2  }
0x8f: {  	_ = 	snop  }
0x90: {  	s2 =	sld [smem:$0x3FD0];
	_ =	sdelay $0x2  }
0x91: {  	s15 =	simm.s32 $0xA;
	s4 =	simm.s32 $0x10  }
0x92: {  	[smem:s4], [sflag:s15] =	dma.local [hbm:s2], $0x1  }
0x93: {  	_ =	swait.eq [sflag:s15], $0x1  }
0x94: {  	[sflag:s15] =	ssyncset.done $0x0  }
0x95: {  	[sflag:s15] =	ssyncadd.s32 $0xFFFFFFFF  }
0x96: {  	s16 =	sld [smem:$0x11];
	(tm) =	ssettm $0x1  }
0x97: {  	s17 =	sld [smem:$0x3FFB];
	_ =	sdelay $0x3  }
0x98: {  	_ =	strace s17  }
0x99: {  	s3 =	sld [smem:$0x3FFC];
	_ =	sdelay $0x3  }
0x9a: {  	_ =	strace s3  }
0x9b: {  	s3 =	sld [smem:$0x3FFD];
	_ =	sdelay $0x3  }
0x9c: {  	_ =	strace s3  }
0x9d: {  	_ =	strace $0x8FFFFFFF  }
0x9e: {  	s18 =	sld [smem:$0x3FDB];
	_ =	sdelay $0x1  }
0x9f: {  	s19 =	simm.s32 $_scs_section_size  }
0xa0: {  	s5 =	simm.s32 $_size__tile_overlayer_lowered;
	s6 =	simm.s32 $_tile_overlayer_lowered  }
0xa1: {  	s22 =	simm.s32 $0x1BFF;
	s21 =	sshll.u32 s6, $0x1;
	s3 =	sadd.s32 s19, s18  }
0xa2: {  	s7 =	simm.s32 $0x0;
	s20 =	sshll.u32 s5, $0x1;
	s5 =	sadd.s32 s21, s3  }
0xa3: {  	[timem:s7], [sflag:s22] =	dma.local [hbm:s5], s20  }
0xa4: {  	_ =	swait.ge [sflag:s22], s20  }
0xa5: {  	s4 =	ssub.s32 $0x0, s20;
	[sflag:s22] =	ssyncset.done $0x0  }
0xa6: {  	[sflag:s22] =	ssyncadd.s32 s4;
	_ =	sdelay $0x1  }
0xa7: {  	s23 =	simm.s32 $0x1B8B  }
0xa8: {  	_ =	swait.ge [sflag:s23], $0x1  }
0xa9: {  	[sflag:s23] =	ssyncset.done $0x0  }
0xaa: {  	s25 =	simm.s32 $0x1B8E;
	s24 =	sld [smem:$0x3FFE];
	[sflag:s23] =	ssyncadd.s32 $0xFFFFFFFF  }
0xab: {  	s26 =	simm.s32 $execute0_lowered;
	[smem:$0x3FD2] =	sst s25  }
0xac: {  	s5 =	sshll.u32 s26, $0x1;
	_ =	strace $0x80000046;
	[dreg:$0x1] =	wrdreg $0xFFFFFFFF  }
0xad: {  	s28 =	simm.s32 $_size_execute0_lowered;
	s3 =	sadd.s32 s3, s5;
	[dreg:$0x0] =	wrdreg $0x0  }
0xae: {  	s5 =	sshll.u32 s28, $0x1;
	[dreg:$0x2] =	wrdreg s3  }
0xaf: {  	[dreg:$0x3] =	wrdreg s5  }
0xb0: {  	[dreg:$0x4] =	wrdreg $0xC0  }
0xb1: {  	_ =	task [dreg:s7], $0x5FFFF  }
0xb2: {  	[dreg:$0x1] =	wrdreg $0xFFFFFFFF  }
0xb3: {  	[dreg:$0x0] =	wrdreg $0x60  }
0xb4: {  	[dreg:$0x2] =	wrdreg s24  }
0xb5: {  	[dreg:$0x3] =	wrdreg s16  }
0xb6: {  	[dreg:$0x4] =	wrdreg $0x2B800  }
0xb7: {  	[dreg:$0x5] =	wrdreg $0x9  }
0xb8: {  	_ =	task.clear_ibuf [dreg:s7], $0x6FFFF;
	_ =	strace $0x90000046  }
0xb9: {  	s29 =	simm.s32 $0x9;
	_ =	strace $0x80000048  }
0xba: {  	_ =	swait.ge [sflag:s29], $0x1  }
0xbb: {  	[sflag:s29] =	ssyncadd.s32 $0xFFFFFFFF  }
0xbc: {  	_ =	strace $0x90000048  }
0xbd: {  	_ =	sfence  }
0xbe: {  	s30 =	sld [smem:$0x0];
	_ =	sdelay $0x2  }
0xbf: {  	s31 =	sshll.u32 s1, $0xD;
	s1 =	sshrl.u32 s1, $0x2  }
0xc0: {  	s3 =	sand.u32 $0x4000, s31;
	s1 =	sadd.s32 s1, s30  }
0xc1: {  	s0 =	sor.u32 s3, s0;
	s1 =	sshll.u32 s1, $0x11  }
0xc2: {  	s0 =	sor.u32 s1, s0  }
0xc3: {  	s0 =	sadd.s32 $0x8F2B, s0  }
0xc4: {  	[sflag:s0] =	ssyncadd.remote.s32 $0x1  }
0xc5: {  	_ =	sfence.sel $0xFFFF  }
0xc6: {  	[dreg:$0x0] =	wrdreg $0xFFFFFFFF;
	(pc) =	sbr.abs _section_cstart, $3  }
0xc7: {  	[dreg:$0x1] =	wrdreg $0xFFFFFFFF  }
0xc8: {  	_ =	task.clear_ibuf [dreg:s7], $0x2FFFF;
	_ =	strace $0x9FFFFFFF  }
0xc9: {  	(tm) =	ssettm $0x7FFFFFFF  }
tec
execute0_lowered:
.L_overlay_start_1:
0x0: {  	(tag) =	ssettag $0x1  }
0x1: {  	s4 =	rddreg [dreg:$0x0]  }
0x2: {  	s6 =	rddreg [dreg:$0x1]  }
0x3: {  	s0 =	srdreg.scid;
	s2 =	rddreg [dreg:$0x2]  }
0x4: {  	s3 =	simm.s32 $0x0;
	s11 =	simm.s32 $0x2800;
	s14 =	simm.s32 $0x20  }
0x5: {  	s15 =	simm.s32 $0x10;
	s5 =	sand.u32 $0x1, s0;
	s0 =	stileid.u32  }
0x6: {  	s16 =	simm.s32 $0x0;
	[smem:$0x7FF] =	sst s3;
	s8 =	smul.u32 $0xC00, s0  }
0x7: {  	s1 =	sshll.u32 s5, $0x4;
	s9 =	ssub.s32 $0x2, s5;
	s10 =	smul.u32 $0x600, s0  }
0x8: {  	s5 =	sshll.u32 s5, $0x7;
	s12 =	sshll.u32 s0, $0x6;
	s7 =	sor.u32 s0, s1  }
0x9: {  	s1 =	rddreg [dreg:$0x3];
	_ =	strace $0x80000047;
	s28 =	sshrl.u32 s9, $0x1  }
0xa: {  	s12 =	sor.u32 $0x1C01, s12;
	s7 =	smul.u32 $0x500, s7;
	s9 =	ssub.s32 s9, s28  }
0xb: {  	s29 =	sshrl.u32 s8, $0x2;
	s30 =	sor.u32 s5, s10;
	s8 =	simm.s32 $0x2880  }
0xc: {  	s10 =	simm.s32 $0x80;
	s31 =	sshrl.u32 s30, $0x3;
	s7 =	sadd.s32 s7, s4  }
0xd: {  	s4 =	sadd.s32 s29, s2;
	s6 =	sadd.s32 s6, s31;
	s5 =	sadd.s32 $0x2400, s7  }
0xe: {  	v0 =	vimm.f32 $1.000000000e+00;
	v1 =	vimm.f32 $0.0e+00;
	s7 =	smax.u32 s9, $0x1;
	s9 =	simm.s32 $0x1;
	s13 =	sshrl.u32 s4, $0x3  }
.LBB2_1:
0xf: {  	[tilespmem:$0x2800] =	vst v0  }
0x10: {  	[tilespmem:$0x2810] =	vst v0  }
0x11: {  	[tilespmem:$0x2820] =	vst v0  }
0x12: {  	[tilespmem:$0x2830] =	vst v0  }
0x13: {  	[tilespmem:$0x2840] =	vst v0  }
0x14: {  	[tilespmem:$0x2850] =	vst v0  }
0x15: {  	[tilespmem:$0x2860] =	vst v0  }
0x16: {  	[tilespmem:$0x2870] =	vst v0  }
0x17: {  	[tilespmem:$0x2880] =	vst v1  }
0x18: {  	[tilespmem:$0x2890] =	vst v1  }
0x19: {  	[tilespmem:$0x28A0] =	vst v1  }
0x1a: {  	[tilespmem:$0x28B0] =	vst v1  }
0x1b: {  	[tilespmem:$0x28C0] =	vst v1  }
0x1c: {  	[tilespmem:$0x28D0] =	vst v1  }
0x1d: {  	[tilespmem:$0x28E0] =	vst v1  }
0x1e: {  	[tilespmem:$0x28F0] =	vst v1  }
0x1f: {  	[tilespmem:$0x2900] =	vst v1  }
0x20: {  	[tilespmem:$0x2910] =	vst v1  }
0x21: {  	[tilespmem:$0x2920] =	vst v1  }
0x22: {  	[tilespmem:$0x2930] =	vst v1  }
0x23: {  	[tilespmem:$0x2940] =	vst v1  }
0x24: {  	[tilespmem:$0x2950] =	vst v1  }
0x25: {  	[tilespmem:$0x2960] =	vst v1  }
0x26: {  	[tilespmem:$0x2970] =	vst v1  }
0x27: {  	[tilespmem:$0x2980] =	vst v1  }
0x28: {  	[tilespmem:$0x2990] =	vst v1  }
0x29: {  	[tilespmem:$0x29A0] =	vst v1  }
0x2a: {  	[tilespmem:$0x29B0] =	vst v1  }
0x2b: {  	[tilespmem:$0x29C0] =	vst v1  }
0x2c: {  	[tilespmem:$0x29D0] =	vst v1  }
0x2d: {  	[tilespmem:$0x29E0] =	vst v1  }
0x2e: {  	[tilespmem:$0x29F0] =	vst v1  }
0x2f: {  	[tilespmem:$0x2A00] =	vst v1  }
0x30: {  	[tilespmem:$0x2A10] =	vst v1  }
0x31: {  	[tilespmem:$0x2A20] =	vst v1  }
0x32: {  	[tilespmem:$0x2A30] =	vst v1  }
0x33: {  	[tilespmem:$0x2A40] =	vst v1  }
0x34: {  	[tilespmem:$0x2A50] =	vst v1  }
0x35: {  	[tilespmem:$0x2A60] =	vst v1  }
0x36: {  	[tilespmem:$0x2A70] =	vst v1  }
0x37: {  	[tilespmem:$0x2A80] =	vst v1  }
0x38: {  	[tilespmem:$0x2A90] =	vst v1  }
0x39: {  	[tilespmem:$0x2AA0] =	vst v1  }
0x3a: {  	[tilespmem:$0x2AB0] =	vst v1  }
0x3b: {  	[tilespmem:$0x2AC0] =	vst v1  }
0x3c: {  	[tilespmem:$0x2AD0] =	vst v1  }
0x3d: {  	[tilespmem:$0x2AE0] =	vst v1  }
0x3e: {  	[tilespmem:$0x2AF0] =	vst v1  }
0x3f: {  	[tilespmem:$0x2B00] =	vst v1  }
0x40: {  	[tilespmem:$0x2B10] =	vst v1  }
0x41: {  	[tilespmem:$0x2B20] =	vst v1  }
0x42: {  	[tilespmem:$0x2B30] =	vst v1  }
0x43: {  	[tilespmem:$0x2B40] =	vst v1  }
0x44: {  	[tilespmem:$0x2B50] =	vst v1  }
0x45: {  	[tilespmem:$0x2B60] =	vst v1  }
0x46: {  	[tilespmem:$0x2B70] =	vst v1  }
0x47: {  	[spmem:s4] =	stream.linear.scatter [tilespmem:s8], [sflag:$0x1], $0x300, $0x38;
	[tilespmem:$0x2E80] =	vst v63  }
0x48: {  	_ =	swait.ge [sflag:s9], $0x300  }
0x49: {  	[sflag:s9] =	ssyncset.done $0x0  }
0x4a: {  	[sflag:s9] =	ssyncadd.s32 $0xFFFFFD00  }
0x4b: {  	[tilespmem:s3], [sflag:$0x1] =	stream.linear.gather [hbm4b:s5+s3], $0x2780, $0x38;
	[tilespmem:$0x2E80] =	vst v63  }
0x4c: {  	_ =	swait.ge [sflag:s9], $0x2780  }
0x4d: {  	[sflag:s9] =	ssyncset.done $0x0  }
0x4e: {  	[sflag:s9] =	ssyncadd.s32 $0xFFFFD880  }
0x4f: {  	s17 =	simm.s32 $0x0;
	[bflag:$0x0] =	sbarrier.arrive $0xFFFF  }
0x50: {  	[spmem:s2] =	stream.indirect.scatter.add.f32 [tilespmem:s11], [sflag:$0x1], $0x1, s17, s10, $0xb8;
	[tilespmem:$0x2E80] =	vst v63  }
0x51: {  	_ =	swait.ge [sflag:s9], $0x80  }
0x52: {  	s17 =	simm.s32 $0x200;
	[sflag:s9] =	ssyncset.done $0x0  }
.LBB2_2:
0x53: {  	s18 =	sshra.s32 s17, $0x2;
	[sflag:s9] =	ssyncadd.s32 $0xFFFFFF80;
	p0 =	sne.s32 s17, $0x9C00  }
0x54: {  	[spmem:s2] =	stream.indirect.scatter.add.f32 [tilespmem:s11], [sflag:$0x1], $0x1, s18, s10, $0xb8;
	[tilespmem:$0x2E80] =	vst v63  }
.Ltmp0:
0x55: {  	_ = 	snop;
	(pc) =	sbr.rel @p0 .LBB2_2-.Ltmp0, $4  }
0x56: {  	_ = 	snop  }
0x57: {  	s17 =	sadd.s32 $0x200, s17  }
0x58: {  	_ =	swait.ge [sflag:s9], $0x80  }
0x59: {  	[sflag:s9] =	ssyncset.done $0x0  }
0x5a: {  	s16 =	sadd.s32 $0x1, s16  }
0x5b: {  	[sflag:s9] =	ssyncadd.s32 $0xFFFFFF80;
	p0 =	sne.s32 s16, s7  }
.Ltmp1:
0x5c: {  	[bflag:$0x0] =	sbarrier.arrive $0xFFFF;
	(pc) =	sbr.rel @p0 .LBB2_1-.Ltmp1, $4  }
0x5d: {  	[hbm:s6@s14], [sflag:s12] =	dma.strided [spmem:s13@s15], $0x60, s9, $0x10   }
0x5e: {  	_ =	swait.ge [sflag:s9], $0x60  }
0x5f: {  	[sflag:s9] =	ssyncset.done $0x0  }
0x60: {  	[sflag:s9] =	ssyncadd.s32 $0xFFFFFFA0  }
0x61: {  	_ =	sfence.sel $0x180000  }
0x62: {  	[bflag:$0x0] =	sbarrier.arrive $0xFFFF  }
0x63: {  	p0 =	sne.s32 s0, $0x0;
	_ =	strace $0x90000047  }
0x64: {  	s0 =	sadd.s32 @!p0 $0x100000, s1;
	[bflag:$0x2] =	sbarrier.arrive $0xFFFF  }
0x65: {  	[sflag:s0] =	ssyncadd.tile.s32 @!p0 $0x1;
	_ =	shalt  }
.Lfunc_end2:
_tile_overlayer_lowered:
.L_overlay_start_2:
0x66: {  	(tag) =	ssettag $0x2  }
0x67: {  	s0 =	rddreg [dreg:$0x0];
	s2 =	stileid.u32  }
0x68: {  	s1 =	rddreg [dreg:$0x1];
	p0 =	sne.s32 s2, $0x0  }
0x69: {  	s3 =	rddreg [dreg:$0x2];
	[bflag:$0x3] =	sbarrier.arrive $0xFFFF;
	s2 =	simm.s32 @!p0 $0x1C01  }
0x6a: {  	[timem:s3], [sflag:s2] =	dma.local @!p0 [hbm:s0], s1  }
0x6b: {  	s0 =	simm.s32 @!p0 $0x1  }
0x6c: {  	_ =	swait.ge @!p0 [sflag:s0], s1  }
0x6d: {  	s1 =	ssub.s32 @!p0 $0x0, s1;
	[sflag:s0] =	ssyncset.done @!p0 $0x0  }
0x6e: {  	[sflag:s0] =	ssyncadd.s32 @!p0 s1  }
0x6f: {  	[bflag:$0x3] =	sbarrier.arrive $0xFFFF  }
0x70: {  	_ =	shalt  }

</sc_bundles>
